<compile_context>
chip_gen: v7x
topology: tpu7x:2x2x1
jax: 0.10.2.dev20260603
libtpu: 0.0.44.dev20260713+nightly
codegen_flags: <defaults>
</compile_context>

<pallas_src>
import functools

import jax
import jax.numpy as jnp
from jax import lax
from jax.experimental import pallas as pl
from jax.experimental.pallas import tpu as pltpu
from jax.experimental.pallas import tpu_sc as plsc

NC = 2
NS = 16
_F32 = jnp.float32




def _deg_body(n, npad, blocks_per_tile, both2, ones_tab, zeros, out, idx2,
              ones_v, acc, sem_i, sem_s):
    cid = lax.axis_index("c")
    sid = lax.axis_index("s")
    rpt = (n // NS) & ~7
    rem_z = npad - NS * rpt
    rem_o = n - NS * rpt
    r0 = sid * rpt
    pltpu.sync_copy(ones_tab, ones_v)
    pltpu.sync_copy(zeros.at[pl.ds(r0, rpt)], acc.at[pl.ds(r0, rpt)])

    @pl.when(sid == 0)
    def _():
        pltpu.sync_copy(zeros.at[pl.ds(0, rem_z)],
                        acc.at[pl.ds(NS * rpt, rem_z)])

    plsc.subcore_barrier()

    row0 = sid * (blocks_per_tile * 8)

    def idx_load(bb):
        slot = lax.rem(bb, 3)
        pltpu.async_copy(both2.at[cid, pl.ds(row0 + bb * 8, 8)],
                         idx2.at[slot], sem_i)

    def idx_wait(bb):
        slot = lax.rem(bb, 3)
        pltpu.make_async_copy(both2.at[cid, pl.ds(row0 + bb * 8, 8)],
                              idx2.at[slot], sem_i).wait()

    def sc_start(slot, j):
        pltpu.async_copy(ones_v, acc.at[idx2.at[slot, j]], sem_s, add=True)

    def sc_wait(slot, j):
        pltpu.make_async_copy(ones_v, acc.at[idx2.at[slot, j]], sem_s).wait()

    idx_load(0)

    @pl.loop(0, blocks_per_tile)
    def _(bb):
        slot = lax.rem(bb, 3)
        prev = lax.rem(bb + 2, 3)

        @pl.when(bb + 1 < blocks_per_tile)
        def _():
            idx_load(bb + 1)

        @pl.when(bb > 0)
        def _():
            for j in range(8):
                sc_wait(prev, j)

        idx_wait(bb)
        for j in range(8):
            sc_start(slot, j)

    last = (blocks_per_tile - 1) % 3
    for j in range(8):
        sc_wait(last, j)

    plsc.subcore_barrier()
    pltpu.sync_copy(acc.at[pl.ds(r0, rpt)], out.at[cid, pl.ds(r0, rpt)])

    @pl.when(sid == 0)
    def _():
        pltpu.sync_copy(acc.at[pl.ds(NS * rpt, rem_o)],
                        out.at[cid, pl.ds(NS * rpt, rem_o)])


def _agg_body(n, npad, d, nblk, hpre, src2, dst2, zeros, out,
              idx_s, idx_d, rows, acc, sem_i, sem_g, sem_s0, sem_s1):
    cid = lax.axis_index("c")
    sid = lax.axis_index("s")
    rpt = (n // NS) & ~7
    rem_z = npad - NS * rpt
    rem_o = n - NS * rpt
    r0 = sid * rpt
    wid = cid * NS + sid
    row0 = wid * (nblk * 8)

    def idx_load(bb):
        slot = lax.rem(bb, 3)
        base = row0 + bb * 8
        pltpu.async_copy(src2.at[pl.ds(base, 8)], idx_s.at[slot], sem_i)
        pltpu.async_copy(dst2.at[pl.ds(base, 8)], idx_d.at[slot], sem_i)

    def idx_wait(bb):
        slot = lax.rem(bb, 3)
        base = row0 + bb * 8
        pltpu.make_async_copy(src2.at[pl.ds(base, 8)], idx_s.at[slot],
                              sem_i).wait()
        pltpu.make_async_copy(dst2.at[pl.ds(base, 8)], idx_d.at[slot],
                              sem_i).wait()

    sem_s = (sem_s0, sem_s1)

    def gather_start(slot, j, b):
        pltpu.async_copy(hpre.at[idx_s.at[slot, j]], rows.at[b], sem_g)

    def gather_wait(slot, j, b):
        pltpu.make_async_copy(hpre.at[idx_s.at[slot, j]], rows.at[b],
                              sem_g).wait()

    def scatter_start(slot, j, b):
        pltpu.async_copy(rows.at[b], acc.at[idx_d.at[slot, j]], sem_s[b],
                         add=True)

    def scatter_wait(slot, j, b):
        pltpu.make_async_copy(rows.at[b], acc.at[idx_d.at[slot, j]],
                              sem_s[b]).wait()

    idx_load(0)
    pltpu.sync_copy(zeros.at[pl.ds(r0, rpt)], acc.at[pl.ds(r0, rpt)])

    @pl.when(sid == 0)
    def _():
        pltpu.sync_copy(zeros.at[pl.ds(0, rem_z)],
                        acc.at[pl.ds(NS * rpt, rem_z)])

    plsc.subcore_barrier()

    @pl.loop(0, nblk)
    def _(bb):
        slot = lax.rem(bb, 3)
        prev = lax.rem(bb + 2, 3)

        @pl.when(bb + 1 < nblk)
        def _():
            idx_load(bb + 1)

        idx_wait(bb)
        for j in range(8):
            b = j & 1
            if j >= 2:
                scatter_wait(slot, j - 2, b)
            else:
                @pl.when(bb > 0)
                def _():
                    scatter_wait(prev, j + 6, b)
            gather_start(slot, j, b)
            gather_wait(slot, j, b)
            scatter_start(slot, j, b)

    last = (nblk - 1) % 3
    scatter_wait(last, 6, 0)
    scatter_wait(last, 7, 1)
    plsc.subcore_barrier()
    pltpu.sync_copy(acc.at[pl.ds(r0, rpt)], out.at[cid, pl.ds(r0, rpt)])

    @pl.when(sid == 0)
    def _():
        pltpu.sync_copy(acc.at[pl.ds(NS * rpt, rem_o)],
                        out.at[cid, pl.ds(NS * rpt, rem_o)])




def _prep_body(x_ref, dacc_ref, o_ref):
    so = lax.rsqrt(jnp.maximum(dacc_ref[:, 0:1], 1.0))
    o_ref[...] = x_ref[...] * so


def _layer1_body(p_ref, din_ref, dout_ref, w_ref, b_ref, o_ref):
    m = p_ref[0] + p_ref[1]
    si = lax.rsqrt(jnp.maximum(din_ref[:, 0:1], 1.0))
    so = lax.rsqrt(jnp.maximum(dout_ref[:, 0:1], 1.0))
    t = jnp.dot(m * si, w_ref[...], preferred_element_type=_F32) + b_ref[...]
    h = jnp.where(t > 0, t, jnp.exp(jnp.minimum(t, 0.0)) - 1.0)
    o_ref[...] = h * so


def _layer2_body(p_ref, din_ref, w_ref, b_ref, o_ref):
    m = p_ref[0] + p_ref[1]
    si = lax.rsqrt(jnp.maximum(din_ref[:, 0:1], 1.0))
    o_ref[...] = (jnp.dot(m * si, w_ref[...], preferred_element_type=_F32)
                  + b_ref[...])




def kernel(x, edge_index, W1, b1, W2, b2):
    n, d = x.shape
    e = edge_index.shape[1]
    ndum = 128
    npad = n + ndum
    unit = NC * NS * 1024
    e_pad = ((e + unit - 1) // unit) * unit
    pad = e_pad - e
    pad_i = jnp.arange(pad, dtype=jnp.int32)
    pad_dum = n + pad_i % ndum
    src2d = jnp.concatenate([edge_index[0], pad_dum]).reshape(e_pad // 128, 128)
    dst2 = jnp.concatenate([edge_index[1], pad_dum]).reshape(e_pad // 128, 128)
    src2 = jnp.concatenate([edge_index[0], pad_i % n]).reshape(e_pad // 128, 128)

    zeros = jnp.zeros((npad, d), _F32)
    ones_tab = jnp.ones((128, d), _F32)

    mesh = plsc.VectorSubcoreMesh(core_axis_name="c", subcore_axis_name="s")

    deg = pl.kernel(
        functools.partial(_deg_body, n, npad, e_pad // 128 // 8 // NS),
        out_type=jax.ShapeDtypeStruct((NC, n, d), _F32),
        mesh=mesh,
        scratch_types=[pltpu.VMEM((3, 8, 128), jnp.int32),
                       pltpu.VMEM((128, d), _F32),
                       pltpu.VMEM_SHARED((npad, d), _F32),
                       pltpu.SemaphoreType.DMA,
                       pltpu.SemaphoreType.DMA],
    )
    degs = deg(jnp.stack([src2d, dst2]), ones_tab, zeros)
    deg_s, deg_d = degs[0], degs[1]

    nblk = e_pad // 128 // 8 // (NC * NS)
    agg = pl.kernel(
        functools.partial(_agg_body, n, npad, d, nblk),
        out_type=jax.ShapeDtypeStruct((NC, n, d), _F32),
        mesh=mesh,
        scratch_types=[pltpu.VMEM((3, 8, 128), jnp.int32),
                       pltpu.VMEM((3, 8, 128), jnp.int32),
                       pltpu.VMEM((2, 128, d), _F32),
                       pltpu.VMEM_SHARED((npad, d), _F32),
                       pltpu.SemaphoreType.DMA,
                       pltpu.SemaphoreType.DMA,
                       pltpu.SemaphoreType.DMA,
                       pltpu.SemaphoreType.DMA],
    )

    hpre = pl.pallas_call(
        _prep_body,
        out_shape=jax.ShapeDtypeStruct((n, d), _F32),
    )(x, deg_s)

    p1 = agg(hpre, src2, dst2, zeros)

    hpre2 = pl.pallas_call(
        _layer1_body,
        out_shape=jax.ShapeDtypeStruct((n, d), _F32),
    )(p1, deg_d, deg_s, W1, b1)

    p2 = agg(hpre2, src2, dst2, zeros)

    out = pl.pallas_call(
        _layer2_body,
        out_shape=jax.ShapeDtypeStruct((n, d), _F32),
    )(p2, deg_d, W2, b2)
    return out

# --- scband reference (transcript-rebuilt; emitter-appended) ---
"""Pipeline reference for scband-gcn-40845138985205 (READ-ONLY COPY).

The authoritative reference and input builder live on the scoring server;
editing this copy changes nothing except your own understanding.
"""

import jax, jax.numpy as jnp
import numpy as np

N = 10000
E = 320000
D_IN = 128
D_HID = 128
D_OUT = 128


def setup_inputs(seed: int = 0) -> dict:
    key = jax.random.key(seed)
    k1, k2, k3, k4, k5, k6 = jax.random.split(key, 6)
    x = jax.random.normal(k1, (N, D_IN), dtype=jnp.float32)
    edge_index = jax.random.randint(k2, (2, E), 0, N, dtype=jnp.int32)
    # Glorot-style init for GraphConv weights
    s1 = (6.0 / (D_IN + D_HID)) ** 0.5
    s2 = (6.0 / (D_HID + D_OUT)) ** 0.5
    W1 = jax.random.uniform(k3, (D_IN, D_HID), dtype=jnp.float32, minval=-s1, maxval=s1)
    b1 = jnp.zeros((D_HID,), dtype=jnp.float32)
    W2 = jax.random.uniform(k4, (D_HID, D_OUT), dtype=jnp.float32, minval=-s2, maxval=s2)
    b2 = jnp.zeros((D_OUT,), dtype=jnp.float32)
    return {"x": x, "edge_index": edge_index, "W1": W1, "b1": b1, "W2": W2, "b2": b2}


def _graph_conv(h, src, dst, deg_out_isqrt, deg_in_isqrt, W, b):
    # DGL GraphConv with norm='both': D^{-1/2} A D^{-1/2} H W + b
    h = h * deg_out_isqrt[:, None]
    m = jax.ops.segment_sum(h[src], dst, num_segments=N)
    m = m * deg_in_isqrt[:, None]
    return m @ W + b


def reference(x, edge_index, W1, b1, W2, b2):
    src = edge_index[0]
    dst = edge_index[1]
    ones = jnp.ones((E,), dtype=jnp.float32)
    deg_out = jnp.clip(jax.ops.segment_sum(ones, src, num_segments=N), 1.0, None)
    deg_in = jnp.clip(jax.ops.segment_sum(ones, dst, num_segments=N), 1.0, None)
    deg_out_isqrt = deg_out ** -0.5
    deg_in_isqrt = deg_in ** -0.5
    h = _graph_conv(x, src, dst, deg_out_isqrt, deg_in_isqrt, W1, b1)
    h = jax.nn.elu(h)
    h = _graph_conv(h, src, dst, deg_out_isqrt, deg_in_isqrt, W2, b2)
    return h

if __name__ == "__main__":
    import jax
    _d = setup_inputs()
    print(jax.jit(kernel)(*tuple(_d.values())))

</pallas_src>

<mosaic_0001>
#map = affine_map<(d0, d1) -> (0, 0, 0)>
#map1 = affine_map<(d0, d1) -> (0, 0)>
module attributes {stable_mosaic.version = 14 : i64} {
  func.func @_deg_body(%arg0: i32, %arg1: i32, %arg2: memref<2x2560x128xi32, #tpu.memory_space<hbm>>, %arg3: memref<128x128xf32, #tpu.memory_space<hbm>>, %arg4: memref<10128x128xf32, #tpu.memory_space<hbm>>, %arg5: memref<2x10000x128xf32, #tpu.memory_space<hbm>>, %arg6: memref<3x8x128xi32, #tpu.memory_space<vmem>>, %arg7: memref<128x128xf32, #tpu.memory_space<vmem>>, %arg8: memref<10128x128xf32, #tpu.memory_space<vmem_shared>>, %arg9: memref<!tpu.dma_semaphore, #tpu.memory_space<semaphore_mem>>, %arg10: memref<!tpu.dma_semaphore, #tpu.memory_space<semaphore_mem>>) attributes {dimension_semantics = [#tpu.dimension_semantics<core_parallel>, #tpu.dimension_semantics<subcore_parallel>], iteration_bounds = array<i64: 2, 16>, scalar_prefetch = 0 : i64, scratch_operands = 5 : i64, tpu.core_type = #tpu.core_type<sc_vector_subcore>, window_params = [{transform_indices = #map}, {transform_indices = #map1}, {transform_indices = #map1}, {transform_indices = #map}]} {
    %mul3A = arith.constant 624 : i32
    %mul3A_0 = arith.muli %arg1, %mul3A : i32
    "tpu.region"() ({
      %run_scoped3A = tpu.sem_alloc : memref<!tpu.dma_semaphore, #tpu.memory_space<semaphore_mem>>
      tpu.enqueue_dma source(%arg3 : memref<128x128xf32, #tpu.memory_space<hbm>>) target(%arg7 : memref<128x128xf32, #tpu.memory_space<vmem>>) target_semaphore(%run_scoped3A : memref<!tpu.dma_semaphore, #tpu.memory_space<semaphore_mem>>)
      tpu.wait_dma2 semaphore(%run_scoped3A : memref<!tpu.dma_semaphore, #tpu.memory_space<semaphore_mem>>) src(%arg3 : memref<128x128xf32, #tpu.memory_space<hbm>>) dst(%arg7 : memref<128x128xf32, #tpu.memory_space<vmem>>)
      tpu.yield
    }) : () -> ()
    "tpu.region"() ({
      %run_scoped3A = tpu.sem_alloc : memref<!tpu.dma_semaphore, #tpu.memory_space<semaphore_mem>>
      %dma_start3A_94 = arith.constant 0 : i32
      %dma_start3A_95 = tpu.memref_slice %arg8[%mul3A_0, %dma_start3A_94] : memref<10128x128xf32, #tpu.memory_space<vmem_shared>> -> memref<624x128xf32, #tpu.memory_space<vmem_shared>>
      %dma_start3A_96 = arith.constant 0 : i32
      %dma_start3A_97 = tpu.memref_slice %arg4[%mul3A_0, %dma_start3A_96] : memref<10128x128xf32, #tpu.memory_space<hbm>> -> memref<624x128xf32, #tpu.memory_space<hbm>>
      tpu.enqueue_dma source(%dma_start3A_97 : memref<624x128xf32, #tpu.memory_space<hbm>>) target(%dma_start3A_95 : memref<624x128xf32, #tpu.memory_space<vmem_shared>>) target_semaphore(%run_scoped3A : memref<!tpu.dma_semaphore, #tpu.memory_space<semaphore_mem>>)
      %dma_wait3A_98 = arith.constant 0 : i32
      %dma_wait3A_99 = tpu.memref_slice %arg8[%mul3A_0, %dma_wait3A_98] : memref<10128x128xf32, #tpu.memory_space<vmem_shared>> -> memref<624x128xf32, #tpu.memory_space<vmem_shared>>
      %dma_wait3A_100 = arith.constant 0 : i32
      %dma_wait3A_101 = tpu.memref_slice %arg4[%mul3A_0, %dma_wait3A_100] : memref<10128x128xf32, #tpu.memory_space<hbm>> -> memref<624x128xf32, #tpu.memory_space<hbm>>
      tpu.wait_dma2 semaphore(%run_scoped3A : memref<!tpu.dma_semaphore, #tpu.memory_space<semaphore_mem>>) src(%dma_wait3A_101 : memref<624x128xf32, #tpu.memory_space<hbm>>) dst(%dma_wait3A_99 : memref<624x128xf32, #tpu.memory_space<vmem_shared>>)
      tpu.yield
    }) : () -> ()
    %eq3A = arith.constant 0 : i32
    %eq3A_1 = arith.cmpi eq, %arg1, %eq3A : i32
    %convert_element_type3A = arith.extui %eq3A_1 : i1 to i32
    %cond3A = arith.constant 0 : i32
    %cond3A_2 = arith.cmpi ne, %convert_element_type3A, %cond3A : i32
    scf.if %cond3A_2 {
      "tpu.region"() ({
        %run_scoped3A = tpu.sem_alloc : memref<!tpu.dma_semaphore, #tpu.memory_space<semaphore_mem>>
        %dma_start3A_94 = arith.constant 9984 : i32
        %dma_start3A_95 = arith.constant 0 : i32
        %dma_start3A_96 = tpu.memref_slice %arg8[%dma_start3A_94, %dma_start3A_95] : memref<10128x128xf32, #tpu.memory_space<vmem_shared>> -> memref<144x128xf32, #tpu.memory_space<vmem_shared>>
        %dma_start3A_97 = arith.constant 0 : i32
        %dma_start3A_98 = arith.constant 0 : i32
        %dma_start3A_99 = tpu.memref_slice %arg4[%dma_start3A_97, %dma_start3A_98] : memref<10128x128xf32, #tpu.memory_space<hbm>> -> memref<144x128xf32, #tpu.memory_space<hbm>>
        tpu.enqueue_dma source(%dma_start3A_99 : memref<144x128xf32, #tpu.memory_space<hbm>>) target(%dma_start3A_96 : memref<144x128xf32, #tpu.memory_space<vmem_shared>>) target_semaphore(%run_scoped3A : memref<!tpu.dma_semaphore, #tpu.memory_space<semaphore_mem>>)
        %dma_wait3A_100 = arith.constant 9984 : i32
        %dma_wait3A_101 = arith.constant 0 : i32
        %dma_wait3A_102 = tpu.memref_slice %arg8[%dma_wait3A_100, %dma_wait3A_101] : memref<10128x128xf32, #tpu.memory_space<vmem_shared>> -> memref<144x128xf32, #tpu.memory_space<vmem_shared>>
        %dma_wait3A_103 = arith.constant 0 : i32
        %dma_wait3A_104 = arith.constant 0 : i32
        %dma_wait3A_105 = tpu.memref_slice %arg4[%dma_wait3A_103, %dma_wait3A_104] : memref<10128x128xf32, #tpu.memory_space<hbm>> -> memref<144x128xf32, #tpu.memory_space<hbm>>
        tpu.wait_dma2 semaphore(%run_scoped3A : memref<!tpu.dma_semaphore, #tpu.memory_space<semaphore_mem>>) src(%dma_wait3A_105 : memref<144x128xf32, #tpu.memory_space<hbm>>) dst(%dma_wait3A_102 : memref<144x128xf32, #tpu.memory_space<vmem_shared>>)
        tpu.yield
      }) : () -> ()
    } else {
    }
    %barrier3A = arith.constant 0 : index
    tpu.barrier barrier_id(%barrier3A)
    %mul3A_3 = arith.constant 160 : i32
    %mul3A_4 = arith.muli %arg1, %mul3A_3 : i32
    %rem3A = arith.constant 0 : i32
    %rem3A_5 = arith.constant 3 : i32
    %rem3A_6 = arith.remsi %rem3A, %rem3A_5 : i32
    %add3A = arith.constant 0 : i32
    %add3A_7 = arith.addi %mul3A_4, %add3A : i32
    %dma_start3A = arith.constant 0 : i32
    %dma_start3A_8 = arith.constant 0 : i32
    %dma_start3A_9 = tpu.memref_slice %arg6[%rem3A_6, %dma_start3A, %dma_start3A_8] : memref<3x8x128xi32, #tpu.memory_space<vmem>> -> memref<1x8x128xi32, #tpu.memory_space<vmem>>
    %dma_start3A_10 = tpu.memref_squeeze %dma_start3A_9 : memref<1x8x128xi32, #tpu.memory_space<vmem>> -> memref<8x128xi32, #tpu.memory_space<vmem>>
    %dma_start3A_11 = arith.constant 0 : i32
    %dma_start3A_12 = tpu.memref_slice %arg2[%arg0, %add3A_7, %dma_start3A_11] : memref<2x2560x128xi32, #tpu.memory_space<hbm>> -> memref<1x8x128xi32, #tpu.memory_space<hbm>>
    %dma_start3A_13 = tpu.memref_squeeze %dma_start3A_12 : memref<1x8x128xi32, #tpu.memory_space<hbm>> -> memref<8x128xi32, #tpu.memory_space<hbm>>
    %dma_start3A_14 = arith.constant 0 : i32
    %dma_start3A_15 = arith.constant 0 : i32
    %dma_start3A_16 = tpu.memref_slice %arg6[%rem3A_6, %dma_start3A_14, %dma_start3A_15] : memref<3x8x128xi32, #tpu.memory_space<vmem>> -> memref<1x8x128xi32, #tpu.memory_space<vmem>>
    %dma_start3A_17 = tpu.memref_squeeze %dma_start3A_16 : memref<1x8x128xi32, #tpu.memory_space<vmem>> -> memref<8x128xi32, #tpu.memory_space<vmem>>
    %dma_start3A_18 = arith.constant 0 : i32
    %dma_start3A_19 = tpu.memref_slice %arg2[%arg0, %add3A_7, %dma_start3A_18] : memref<2x2560x128xi32, #tpu.memory_space<hbm>> -> memref<1x8x128xi32, #tpu.memory_space<hbm>>
    %dma_start3A_20 = tpu.memref_squeeze %dma_start3A_19 : memref<1x8x128xi32, #tpu.memory_space<hbm>> -> memref<8x128xi32, #tpu.memory_space<hbm>>
    tpu.enqueue_dma source(%dma_start3A_20 : memref<8x128xi32, #tpu.memory_space<hbm>>) target(%dma_start3A_17 : memref<8x128xi32, #tpu.memory_space<vmem>>) target_semaphore(%arg9 : memref<!tpu.dma_semaphore, #tpu.memory_space<semaphore_mem>>)
    %scan3A = arith.constant 0 : i32
    %scan3A_21 = arith.constant 20 : i32
    %scan3A_22 = arith.addi %scan3A, %scan3A_21 : i32
    %scan3A_23 = arith.constant 1 : i32
    scf.for %scan3A_94 = %scan3A to %scan3A_22 step %scan3A_23  : i32 {
      %mul3A_95 = arith.constant 1 : i32
      %mul3A_96 = arith.muli %scan3A_94, %mul3A_95 : i32
      %add3A_97 = arith.constant 0 : i32
      %add3A_98 = arith.addi %add3A_97, %mul3A_96 : i32
      %rem3A_99 = arith.constant 3 : i32
      %rem3A_100 = arith.remsi %add3A_98, %rem3A_99 : i32
      %add3A_101 = arith.constant 2 : i32
      %add3A_102 = arith.addi %add3A_98, %add3A_101 : i32
      %rem3A_103 = arith.constant 3 : i32
      %rem3A_104 = arith.remsi %add3A_102, %rem3A_103 : i32
      %add3A_105 = arith.constant 1 : i32
      %add3A_106 = arith.addi %add3A_98, %add3A_105 : i32
      %lt3A = arith.constant 20 : i32
      %lt3A_107 = arith.cmpi slt, %add3A_106, %lt3A : i32
      %convert_element_type3A_108 = arith.extui %lt3A_107 : i1 to i32
      %cond3A_109 = arith.constant 0 : i32
      %cond3A_110 = arith.cmpi ne, %convert_element_type3A_108, %cond3A_109 : i32
      scf.if %cond3A_110 {
        %add3A_190 = arith.constant 1 : i32
        %add3A_191 = arith.addi %add3A_98, %add3A_190 : i32
        %rem3A_192 = arith.constant 3 : i32
        %rem3A_193 = arith.remsi %add3A_191, %rem3A_192 : i32
        %mul3A_194 = arith.constant 8 : i32
        %mul3A_195 = arith.muli %add3A_191, %mul3A_194 : i32
        %add3A_196 = arith.addi %mul3A_4, %mul3A_195 : i32
        %dma_start3A_197 = arith.constant 0 : i32
        %dma_start3A_198 = arith.constant 0 : i32
        %dma_start3A_199 = tpu.memref_slice %arg6[%rem3A_193, %dma_start3A_197, %dma_start3A_198] : memref<3x8x128xi32, #tpu.memory_space<vmem>> -> memref<1x8x128xi32, #tpu.memory_space<vmem>>
        %dma_start3A_200 = tpu.memref_squeeze %dma_start3A_199 : memref<1x8x128xi32, #tpu.memory_space<vmem>> -> memref<8x128xi32, #tpu.memory_space<vmem>>
        %dma_start3A_201 = arith.constant 0 : i32
        %dma_start3A_202 = tpu.memref_slice %arg2[%arg0, %add3A_196, %dma_start3A_201] : memref<2x2560x128xi32, #tpu.memory_space<hbm>> -> memref<1x8x128xi32, #tpu.memory_space<hbm>>
        %dma_start3A_203 = tpu.memref_squeeze %dma_start3A_202 : memref<1x8x128xi32, #tpu.memory_space<hbm>> -> memref<8x128xi32, #tpu.memory_space<hbm>>
        %dma_start3A_204 = arith.constant 0 : i32
        %dma_start3A_205 = arith.constant 0 : i32
        %dma_start3A_206 = tpu.memref_slice %arg6[%rem3A_193, %dma_start3A_204, %dma_start3A_205] : memref<3x8x128xi32, #tpu.memory_space<vmem>> -> memref<1x8x128xi32, #tpu.memory_space<vmem>>
        %dma_start3A_207 = tpu.memref_squeeze %dma_start3A_206 : memref<1x8x128xi32, #tpu.memory_space<vmem>> -> memref<8x128xi32, #tpu.memory_space<vmem>>
        %dma_start3A_208 = arith.constant 0 : i32
        %dma_start3A_209 = tpu.memref_slice %arg2[%arg0, %add3A_196, %dma_start3A_208] : memref<2x2560x128xi32, #tpu.memory_space<hbm>> -> memref<1x8x128xi32, #tpu.memory_space<hbm>>
        %dma_start3A_210 = tpu.memref_squeeze %dma_start3A_209 : memref<1x8x128xi32, #tpu.memory_space<hbm>> -> memref<8x128xi32, #tpu.memory_space<hbm>>
        tpu.enqueue_dma source(%dma_start3A_210 : memref<8x128xi32, #tpu.memory_space<hbm>>) target(%dma_start3A_207 : memref<8x128xi32, #tpu.memory_space<vmem>>) target_semaphore(%arg9 : memref<!tpu.dma_semaphore, #tpu.memory_space<semaphore_mem>>)
      } else {
      }
      %gt3A = arith.constant 0 : i32
      %gt3A_111 = arith.cmpi sgt, %add3A_98, %gt3A : i32
      %convert_element_type3A_112 = arith.extui %gt3A_111 : i1 to i32
      %cond3A_113 = arith.constant 0 : i32
      %cond3A_114 = arith.cmpi ne, %convert_element_type3A_112, %cond3A_113 : i32
      scf.if %cond3A_114 {
        %dma_wait3A_190 = arith.constant 0 : i32
        %dma_wait3A_191 = arith.constant 0 : i32
        %dma_wait3A_192 = tpu.memref_slice %arg6[%rem3A_104, %dma_wait3A_190, %dma_wait3A_191] : memref<3x8x128xi32, #tpu.memory_space<vmem>> -> memref<1x1x128xi32, #tpu.memory_space<vmem>>
        %dma_wait3A_193 = tpu.memref_squeeze %dma_wait3A_192 : memref<1x1x128xi32, #tpu.memory_space<vmem>> -> memref<128xi32, #tpu.memory_space<vmem>>
        %dma_wait3A_194 = arith.constant 0 : i32
        %dma_wait3A_195 = arith.constant 0 : i32
        %dma_wait3A_196 = tpu.memref_slice %arg8[%dma_wait3A_194, %dma_wait3A_195] : memref<10128x128xf32, #tpu.memory_space<vmem_shared>> -> memref<10128x128xf32, #tpu.memory_space<vmem_shared>>
        tpu.wait_indirect_dma semaphore(%arg10 : memref<!tpu.dma_semaphore, #tpu.memory_space<semaphore_mem>>) src(%arg7 : memref<128x128xf32, #tpu.memory_space<vmem>>) dst(%dma_wait3A_196 : memref<10128x128xf32, #tpu.memory_space<vmem_shared>>)
        %dma_wait3A_197 = arith.constant 1 : i32
        %dma_wait3A_198 = arith.constant 0 : i32
        %dma_wait3A_199 = tpu.memref_slice %arg6[%rem3A_104, %dma_wait3A_197, %dma_wait3A_198] : memref<3x8x128xi32, #tpu.memory_space<vmem>> -> memref<1x1x128xi32, #tpu.memory_space<vmem>>
        %dma_wait3A_200 = tpu.memref_squeeze %dma_wait3A_199 : memref<1x1x128xi32, #tpu.memory_space<vmem>> -> memref<128xi32, #tpu.memory_space<vmem>>
        %dma_wait3A_201 = arith.constant 0 : i32
        %dma_wait3A_202 = arith.constant 0 : i32
        %dma_wait3A_203 = tpu.memref_slice %arg8[%dma_wait3A_201, %dma_wait3A_202] : memref<10128x128xf32, #tpu.memory_space<vmem_shared>> -> memref<10128x128xf32, #tpu.memory_space<vmem_shared>>
        tpu.wait_indirect_dma semaphore(%arg10 : memref<!tpu.dma_semaphore, #tpu.memory_space<semaphore_mem>>) src(%arg7 : memref<128x128xf32, #tpu.memory_space<vmem>>) dst(%dma_wait3A_203 : memref<10128x128xf32, #tpu.memory_space<vmem_shared>>)
        %dma_wait3A_204 = arith.constant 2 : i32
        %dma_wait3A_205 = arith.constant 0 : i32
        %dma_wait3A_206 = tpu.memref_slice %arg6[%rem3A_104, %dma_wait3A_204, %dma_wait3A_205] : memref<3x8x128xi32, #tpu.memory_space<vmem>> -> memref<1x1x128xi32, #tpu.memory_space<vmem>>
        %dma_wait3A_207 = tpu.memref_squeeze %dma_wait3A_206 : memref<1x1x128xi32, #tpu.memory_space<vmem>> -> memref<128xi32, #tpu.memory_space<vmem>>
        %dma_wait3A_208 = arith.constant 0 : i32
        %dma_wait3A_209 = arith.constant 0 : i32
        %dma_wait3A_210 = tpu.memref_slice %arg8[%dma_wait3A_208, %dma_wait3A_209] : memref<10128x128xf32, #tpu.memory_space<vmem_shared>> -> memref<10128x128xf32, #tpu.memory_space<vmem_shared>>
        tpu.wait_indirect_dma semaphore(%arg10 : memref<!tpu.dma_semaphore, #tpu.memory_space<semaphore_mem>>) src(%arg7 : memref<128x128xf32, #tpu.memory_space<vmem>>) dst(%dma_wait3A_210 : memref<10128x128xf32, #tpu.memory_space<vmem_shared>>)
        %dma_wait3A_211 = arith.constant 3 : i32
        %dma_wait3A_212 = arith.constant 0 : i32
        %dma_wait3A_213 = tpu.memref_slice %arg6[%rem3A_104, %dma_wait3A_211, %dma_wait3A_212] : memref<3x8x128xi32, #tpu.memory_space<vmem>> -> memref<1x1x128xi32, #tpu.memory_space<vmem>>
        %dma_wait3A_214 = tpu.memref_squeeze %dma_wait3A_213 : memref<1x1x128xi32, #tpu.memory_space<vmem>> -> memref<128xi32, #tpu.memory_space<vmem>>
        %dma_wait3A_215 = arith.constant 0 : i32
        %dma_wait3A_216 = arith.constant 0 : i32
        %dma_wait3A_217 = tpu.memref_slice %arg8[%dma_wait3A_215, %dma_wait3A_216] : memref<10128x128xf32, #tpu.memory_space<vmem_shared>> -> memref<10128x128xf32, #tpu.memory_space<vmem_shared>>
        tpu.wait_indirect_dma semaphore(%arg10 : memref<!tpu.dma_semaphore, #tpu.memory_space<semaphore_mem>>) src(%arg7 : memref<128x128xf32, #tpu.memory_space<vmem>>) dst(%dma_wait3A_217 : memref<10128x128xf32, #tpu.memory_space<vmem_shared>>)
        %dma_wait3A_218 = arith.constant 4 : i32
        %dma_wait3A_219 = arith.constant 0 : i32
        %dma_wait3A_220 = tpu.memref_slice %arg6[%rem3A_104, %dma_wait3A_218, %dma_wait3A_219] : memref<3x8x128xi32, #tpu.memory_space<vmem>> -> memref<1x1x128xi32, #tpu.memory_space<vmem>>
        %dma_wait3A_221 = tpu.memref_squeeze %dma_wait3A_220 : memref<1x1x128xi32, #tpu.memory_space<vmem>> -> memref<128xi32, #tpu.memory_space<vmem>>
        %dma_wait3A_222 = arith.constant 0 : i32
        %dma_wait3A_223 = arith.constant 0 : i32
        %dma_wait3A_224 = tpu.memref_slice %arg8[%dma_wait3A_222, %dma_wait3A_223] : memref<10128x128xf32, #tpu.memory_space<vmem_shared>> -> memref<10128x128xf32, #tpu.memory_space<vmem_shared>>
        tpu.wait_indirect_dma semaphore(%arg10 : memref<!tpu.dma_semaphore, #tpu.memory_space<semaphore_mem>>) src(%arg7 : memref<128x128xf32, #tpu.memory_space<vmem>>) dst(%dma_wait3A_224 : memref<10128x128xf32, #tpu.memory_space<vmem_shared>>)
        %dma_wait3A_225 = arith.constant 5 : i32
        %dma_wait3A_226 = arith.constant 0 : i32
        %dma_wait3A_227 = tpu.memref_slice %arg6[%rem3A_104, %dma_wait3A_225, %dma_wait3A_226] : memref<3x8x128xi32, #tpu.memory_space<vmem>> -> memref<1x1x128xi32, #tpu.memory_space<vmem>>
        %dma_wait3A_228 = tpu.memref_squeeze %dma_wait3A_227 : memref<1x1x128xi32, #tpu.memory_space<vmem>> -> memref<128xi32, #tpu.memory_space<vmem>>
        %dma_wait3A_229 = arith.constant 0 : i32
        %dma_wait3A_230 = arith.constant 0 : i32
        %dma_wait3A_231 = tpu.memref_slice %arg8[%dma_wait3A_229, %dma_wait3A_230] : memref<10128x128xf32, #tpu.memory_space<vmem_shared>> -> memref<10128x128xf32, #tpu.memory_space<vmem_shared>>
        tpu.wait_indirect_dma semaphore(%arg10 : memref<!tpu.dma_semaphore, #tpu.memory_space<semaphore_mem>>) src(%arg7 : memref<128x128xf32, #tpu.memory_space<vmem>>) dst(%dma_wait3A_231 : memref<10128x128xf32, #tpu.memory_space<vmem_shared>>)
        %dma_wait3A_232 = arith.constant 6 : i32
        %dma_wait3A_233 = arith.constant 0 : i32
        %dma_wait3A_234 = tpu.memref_slice %arg6[%rem3A_104, %dma_wait3A_232, %dma_wait3A_233] : memref<3x8x128xi32, #tpu.memory_space<vmem>> -> memref<1x1x128xi32, #tpu.memory_space<vmem>>
        %dma_wait3A_235 = tpu.memref_squeeze %dma_wait3A_234 : memref<1x1x128xi32, #tpu.memory_space<vmem>> -> memref<128xi32, #tpu.memory_space<vmem>>
        %dma_wait3A_236 = arith.constant 0 : i32
        %dma_wait3A_237 = arith.constant 0 : i32
        %dma_wait3A_238 = tpu.memref_slice %arg8[%dma_wait3A_236, %dma_wait3A_237] : memref<10128x128xf32, #tpu.memory_space<vmem_shared>> -> memref<10128x128xf32, #tpu.memory_space<vmem_shared>>
        tpu.wait_indirect_dma semaphore(%arg10 : memref<!tpu.dma_semaphore, #tpu.memory_space<semaphore_mem>>) src(%arg7 : memref<128x128xf32, #tpu.memory_space<vmem>>) dst(%dma_wait3A_238 : memref<10128x128xf32, #tpu.memory_space<vmem_shared>>)
        %dma_wait3A_239 = arith.constant 7 : i32
        %dma_wait3A_240 = arith.constant 0 : i32
        %dma_wait3A_241 = tpu.memref_slice %arg6[%rem3A_104, %dma_wait3A_239, %dma_wait3A_240] : memref<3x8x128xi32, #tpu.memory_space<vmem>> -> memref<1x1x128xi32, #tpu.memory_space<vmem>>
        %dma_wait3A_242 = tpu.memref_squeeze %dma_wait3A_241 : memref<1x1x128xi32, #tpu.memory_space<vmem>> -> memref<128xi32, #tpu.memory_space<vmem>>
        %dma_wait3A_243 = arith.constant 0 : i32
        %dma_wait3A_244 = arith.constant 0 : i32
        %dma_wait3A_245 = tpu.memref_slice %arg8[%dma_wait3A_243, %dma_wait3A_244] : memref<10128x128xf32, #tpu.memory_space<vmem_shared>> -> memref<10128x128xf32, #tpu.memory_space<vmem_shared>>
        tpu.wait_indirect_dma semaphore(%arg10 : memref<!tpu.dma_semaphore, #tpu.memory_space<semaphore_mem>>) src(%arg7 : memref<128x128xf32, #tpu.memory_space<vmem>>) dst(%dma_wait3A_245 : memref<10128x128xf32, #tpu.memory_space<vmem_shared>>)
      } else {
      }
      %rem3A_115 = arith.constant 3 : i32
      %rem3A_116 = arith.remsi %add3A_98, %rem3A_115 : i32
      %mul3A_117 = arith.constant 8 : i32
      %mul3A_118 = arith.muli %add3A_98, %mul3A_117 : i32
      %add3A_119 = arith.addi %mul3A_4, %mul3A_118 : i32
      %dma_wait3A_120 = arith.constant 0 : i32
      %dma_wait3A_121 = arith.constant 0 : i32
      %dma_wait3A_122 = tpu.memref_slice %arg6[%rem3A_116, %dma_wait3A_120, %dma_wait3A_121] : memref<3x8x128xi32, #tpu.memory_space<vmem>> -> memref<1x8x128xi32, #tpu.memory_space<vmem>>
      %dma_wait3A_123 = tpu.memref_squeeze %dma_wait3A_122 : memref<1x8x128xi32, #tpu.memory_space<vmem>> -> memref<8x128xi32, #tpu.memory_space<vmem>>
      %dma_wait3A_124 = arith.constant 0 : i32
      %dma_wait3A_125 = tpu.memref_slice %arg2[%arg0, %add3A_119, %dma_wait3A_124] : memref<2x2560x128xi32, #tpu.memory_space<hbm>> -> memref<1x8x128xi32, #tpu.memory_space<hbm>>
      %dma_wait3A_126 = tpu.memref_squeeze %dma_wait3A_125 : memref<1x8x128xi32, #tpu.memory_space<hbm>> -> memref<8x128xi32, #tpu.memory_space<hbm>>
      %dma_wait3A_127 = arith.constant 0 : i32
      %dma_wait3A_128 = arith.constant 0 : i32
      %dma_wait3A_129 = tpu.memref_slice %arg6[%rem3A_116, %dma_wait3A_127, %dma_wait3A_128] : memref<3x8x128xi32, #tpu.memory_space<vmem>> -> memref<1x8x128xi32, #tpu.memory_space<vmem>>
      %dma_wait3A_130 = tpu.memref_squeeze %dma_wait3A_129 : memref<1x8x128xi32, #tpu.memory_space<vmem>> -> memref<8x128xi32, #tpu.memory_space<vmem>>
      %dma_wait3A_131 = arith.constant 0 : i32
      %dma_wait3A_132 = tpu.memref_slice %arg2[%arg0, %add3A_119, %dma_wait3A_131] : memref<2x2560x128xi32, #tpu.memory_space<hbm>> -> memref<1x8x128xi32, #tpu.memory_space<hbm>>
      %dma_wait3A_133 = tpu.memref_squeeze %dma_wait3A_132 : memref<1x8x128xi32, #tpu.memory_space<hbm>> -> memref<8x128xi32, #tpu.memory_space<hbm>>
      tpu.wait_dma2 semaphore(%arg9 : memref<!tpu.dma_semaphore, #tpu.memory_space<semaphore_mem>>) src(%dma_wait3A_133 : memref<8x128xi32, #tpu.memory_space<hbm>>) dst(%dma_wait3A_130 : memref<8x128xi32, #tpu.memory_space<vmem>>)
      %dma_start3A_134 = arith.constant 0 : i32
      %dma_start3A_135 = arith.constant 0 : i32
      %dma_start3A_136 = tpu.memref_slice %arg6[%rem3A_100, %dma_start3A_134, %dma_start3A_135] : memref<3x8x128xi32, #tpu.memory_space<vmem>> -> memref<1x1x128xi32, #tpu.memory_space<vmem>>
      %dma_start3A_137 = tpu.memref_squeeze %dma_start3A_136 : memref<1x1x128xi32, #tpu.memory_space<vmem>> -> memref<128xi32, #tpu.memory_space<vmem>>
      %dma_start3A_138 = arith.constant 0 : i32
      %dma_start3A_139 = arith.constant 0 : i32
      %dma_start3A_140 = tpu.memref_slice %arg8[%dma_start3A_138, %dma_start3A_139] : memref<10128x128xf32, #tpu.memory_space<vmem_shared>> -> memref<10128x128xf32, #tpu.memory_space<vmem_shared>>
      tpu.enqueue_indirect_dma source(%arg7 : memref<128x128xf32, #tpu.memory_space<vmem>>) target(%dma_start3A_140 : memref<10128x128xf32, #tpu.memory_space<vmem_shared>>) offsets(%dma_start3A_137 : memref<128xi32, #tpu.memory_space<vmem>>) semaphore(%arg10 : memref<!tpu.dma_semaphore, #tpu.memory_space<semaphore_mem>>) {add = true}
      %dma_start3A_141 = arith.constant 1 : i32
      %dma_start3A_142 = arith.constant 0 : i32
      %dma_start3A_143 = tpu.memref_slice %arg6[%rem3A_100, %dma_start3A_141, %dma_start3A_142] : memref<3x8x128xi32, #tpu.memory_space<vmem>> -> memref<1x1x128xi32, #tpu.memory_space<vmem>>
      %dma_start3A_144 = tpu.memref_squeeze %dma_start3A_143 : memref<1x1x128xi32, #tpu.memory_space<vmem>> -> memref<128xi32, #tpu.memory_space<vmem>>
      %dma_start3A_145 = arith.constant 0 : i32
      %dma_start3A_146 = arith.constant 0 : i32
      %dma_start3A_147 = tpu.memref_slice %arg8[%dma_start3A_145, %dma_start3A_146] : memref<10128x128xf32, #tpu.memory_space<vmem_shared>> -> memref<10128x128xf32, #tpu.memory_space<vmem_shared>>
      tpu.enqueue_indirect_dma source(%arg7 : memref<128x128xf32, #tpu.memory_space<vmem>>) target(%dma_start3A_147 : memref<10128x128xf32, #tpu.memory_space<vmem_shared>>) offsets(%dma_start3A_144 : memref<128xi32, #tpu.memory_space<vmem>>) semaphore(%arg10 : memref<!tpu.dma_semaphore, #tpu.memory_space<semaphore_mem>>) {add = true}
      %dma_start3A_148 = arith.constant 2 : i32
      %dma_start3A_149 = arith.constant 0 : i32
      %dma_start3A_150 = tpu.memref_slice %arg6[%rem3A_100, %dma_start3A_148, %dma_start3A_149] : memref<3x8x128xi32, #tpu.memory_space<vmem>> -> memref<1x1x128xi32, #tpu.memory_space<vmem>>
      %dma_start3A_151 = tpu.memref_squeeze %dma_start3A_150 : memref<1x1x128xi32, #tpu.memory_space<vmem>> -> memref<128xi32, #tpu.memory_space<vmem>>
      %dma_start3A_152 = arith.constant 0 : i32
      %dma_start3A_153 = arith.constant 0 : i32
      %dma_start3A_154 = tpu.memref_slice %arg8[%dma_start3A_152, %dma_start3A_153] : memref<10128x128xf32, #tpu.memory_space<vmem_shared>> -> memref<10128x128xf32, #tpu.memory_space<vmem_shared>>
      tpu.enqueue_indirect_dma source(%arg7 : memref<128x128xf32, #tpu.memory_space<vmem>>) target(%dma_start3A_154 : memref<10128x128xf32, #tpu.memory_space<vmem_shared>>) offsets(%dma_start3A_151 : memref<128xi32, #tpu.memory_space<vmem>>) semaphore(%arg10 : memref<!tpu.dma_semaphore, #tpu.memory_space<semaphore_mem>>) {add = true}
      %dma_start3A_155 = arith.constant 3 : i32
      %dma_start3A_156 = arith.constant 0 : i32
      %dma_start3A_157 = tpu.memref_slice %arg6[%rem3A_100, %dma_start3A_155, %dma_start3A_156] : memref<3x8x128xi32, #tpu.memory_space<vmem>> -> memref<1x1x128xi32, #tpu.memory_space<vmem>>
      %dma_start3A_158 = tpu.memref_squeeze %dma_start3A_157 : memref<1x1x128xi32, #tpu.memory_space<vmem>> -> memref<128xi32, #tpu.memory_space<vmem>>
      %dma_start3A_159 = arith.constant 0 : i32
      %dma_start3A_160 = arith.constant 0 : i32
      %dma_start3A_161 = tpu.memref_slice %arg8[%dma_start3A_159, %dma_start3A_160] : memref<10128x128xf32, #tpu.memory_space<vmem_shared>> -> memref<10128x128xf32, #tpu.memory_space<vmem_shared>>
      tpu.enqueue_indirect_dma source(%arg7 : memref<128x128xf32, #tpu.memory_space<vmem>>) target(%dma_start3A_161 : memref<10128x128xf32, #tpu.memory_space<vmem_shared>>) offsets(%dma_start3A_158 : memref<128xi32, #tpu.memory_space<vmem>>) semaphore(%arg10 : memref<!tpu.dma_semaphore, #tpu.memory_space<semaphore_mem>>) {add = true}
      %dma_start3A_162 = arith.constant 4 : i32
      %dma_start3A_163 = arith.constant 0 : i32
      %dma_start3A_164 = tpu.memref_slice %arg6[%rem3A_100, %dma_start3A_162, %dma_start3A_163] : memref<3x8x128xi32, #tpu.memory_space<vmem>> -> memref<1x1x128xi32, #tpu.memory_space<vmem>>
      %dma_start3A_165 = tpu.memref_squeeze %dma_start3A_164 : memref<1x1x128xi32, #tpu.memory_space<vmem>> -> memref<128xi32, #tpu.memory_space<vmem>>
      %dma_start3A_166 = arith.constant 0 : i32
      %dma_start3A_167 = arith.constant 0 : i32
      %dma_start3A_168 = tpu.memref_slice %arg8[%dma_start3A_166, %dma_start3A_167] : memref<10128x128xf32, #tpu.memory_space<vmem_shared>> -> memref<10128x128xf32, #tpu.memory_space<vmem_shared>>
      tpu.enqueue_indirect_dma source(%arg7 : memref<128x128xf32, #tpu.memory_space<vmem>>) target(%dma_start3A_168 : memref<10128x128xf32, #tpu.memory_space<vmem_shared>>) offsets(%dma_start3A_165 : memref<128xi32, #tpu.memory_space<vmem>>) semaphore(%arg10 : memref<!tpu.dma_semaphore, #tpu.memory_space<semaphore_mem>>) {add = true}
      %dma_start3A_169 = arith.constant 5 : i32
      %dma_start3A_170 = arith.constant 0 : i32
      %dma_start3A_171 = tpu.memref_slice %arg6[%rem3A_100, %dma_start3A_169, %dma_start3A_170] : memref<3x8x128xi32, #tpu.memory_space<vmem>> -> memref<1x1x128xi32, #tpu.memory_space<vmem>>
      %dma_start3A_172 = tpu.memref_squeeze %dma_start3A_171 : memref<1x1x128xi32, #tpu.memory_space<vmem>> -> memref<128xi32, #tpu.memory_space<vmem>>
      %dma_start3A_173 = arith.constant 0 : i32
      %dma_start3A_174 = arith.constant 0 : i32
      %dma_start3A_175 = tpu.memref_slice %arg8[%dma_start3A_173, %dma_start3A_174] : memref<10128x128xf32, #tpu.memory_space<vmem_shared>> -> memref<10128x128xf32, #tpu.memory_space<vmem_shared>>
      tpu.enqueue_indirect_dma source(%arg7 : memref<128x128xf32, #tpu.memory_space<vmem>>) target(%dma_start3A_175 : memref<10128x128xf32, #tpu.memory_space<vmem_shared>>) offsets(%dma_start3A_172 : memref<128xi32, #tpu.memory_space<vmem>>) semaphore(%arg10 : memref<!tpu.dma_semaphore, #tpu.memory_space<semaphore_mem>>) {add = true}
      %dma_start3A_176 = arith.constant 6 : i32
      %dma_start3A_177 = arith.constant 0 : i32
      %dma_start3A_178 = tpu.memref_slice %arg6[%rem3A_100, %dma_start3A_176, %dma_start3A_177] : memref<3x8x128xi32, #tpu.memory_space<vmem>> -> memref<1x1x128xi32, #tpu.memory_space<vmem>>
      %dma_start3A_179 = tpu.memref_squeeze %dma_start3A_178 : memref<1x1x128xi32, #tpu.memory_space<vmem>> -> memref<128xi32, #tpu.memory_space<vmem>>
      %dma_start3A_180 = arith.constant 0 : i32
      %dma_start3A_181 = arith.constant 0 : i32
      %dma_start3A_182 = tpu.memref_slice %arg8[%dma_start3A_180, %dma_start3A_181] : memref<10128x128xf32, #tpu.memory_space<vmem_shared>> -> memref<10128x128xf32, #tpu.memory_space<vmem_shared>>
      tpu.enqueue_indirect_dma source(%arg7 : memref<128x128xf32, #tpu.memory_space<vmem>>) target(%dma_start3A_182 : memref<10128x128xf32, #tpu.memory_space<vmem_shared>>) offsets(%dma_start3A_179 : memref<128xi32, #tpu.memory_space<vmem>>) semaphore(%arg10 : memref<!tpu.dma_semaphore, #tpu.memory_space<semaphore_mem>>) {add = true}
      %dma_start3A_183 = arith.constant 7 : i32
      %dma_start3A_184 = arith.constant 0 : i32
      %dma_start3A_185 = tpu.memref_slice %arg6[%rem3A_100, %dma_start3A_183, %dma_start3A_184] : memref<3x8x128xi32, #tpu.memory_space<vmem>> -> memref<1x1x128xi32, #tpu.memory_space<vmem>>
      %dma_start3A_186 = tpu.memref_squeeze %dma_start3A_185 : memref<1x1x128xi32, #tpu.memory_space<vmem>> -> memref<128xi32, #tpu.memory_space<vmem>>
      %dma_start3A_187 = arith.constant 0 : i32
      %dma_start3A_188 = arith.constant 0 : i32
      %dma_start3A_189 = tpu.memref_slice %arg8[%dma_start3A_187, %dma_start3A_188] : memref<10128x128xf32, #tpu.memory_space<vmem_shared>> -> memref<10128x128xf32, #tpu.memory_space<vmem_shared>>
      tpu.enqueue_indirect_dma source(%arg7 : memref<128x128xf32, #tpu.memory_space<vmem>>) target(%dma_start3A_189 : memref<10128x128xf32, #tpu.memory_space<vmem_shared>>) offsets(%dma_start3A_186 : memref<128xi32, #tpu.memory_space<vmem>>) semaphore(%arg10 : memref<!tpu.dma_semaphore, #tpu.memory_space<semaphore_mem>>) {add = true}
    }
    %scan3A_24 = arith.constant 20 : i32
    %dma_wait3A = arith.constant 1 : i32
    %dma_wait3A_25 = arith.constant 0 : i32
    %dma_wait3A_26 = arith.constant 0 : i32
    %dma_wait3A_27 = tpu.memref_slice %arg6[%dma_wait3A, %dma_wait3A_25, %dma_wait3A_26] : memref<3x8x128xi32, #tpu.memory_space<vmem>> -> memref<1x1x128xi32, #tpu.memory_space<vmem>>
    %dma_wait3A_28 = tpu.memref_squeeze %dma_wait3A_27 : memref<1x1x128xi32, #tpu.memory_space<vmem>> -> memref<128xi32, #tpu.memory_space<vmem>>
    %dma_wait3A_29 = arith.constant 0 : i32
    %dma_wait3A_30 = arith.constant 0 : i32
    %dma_wait3A_31 = tpu.memref_slice %arg8[%dma_wait3A_29, %dma_wait3A_30] : memref<10128x128xf32, #tpu.memory_space<vmem_shared>> -> memref<10128x128xf32, #tpu.memory_space<vmem_shared>>
    tpu.wait_indirect_dma semaphore(%arg10 : memref<!tpu.dma_semaphore, #tpu.memory_space<semaphore_mem>>) src(%arg7 : memref<128x128xf32, #tpu.memory_space<vmem>>) dst(%dma_wait3A_31 : memref<10128x128xf32, #tpu.memory_space<vmem_shared>>)
    %dma_wait3A_32 = arith.constant 1 : i32
    %dma_wait3A_33 = arith.constant 1 : i32
    %dma_wait3A_34 = arith.constant 0 : i32
    %dma_wait3A_35 = tpu.memref_slice %arg6[%dma_wait3A_32, %dma_wait3A_33, %dma_wait3A_34] : memref<3x8x128xi32, #tpu.memory_space<vmem>> -> memref<1x1x128xi32, #tpu.memory_space<vmem>>
    %dma_wait3A_36 = tpu.memref_squeeze %dma_wait3A_35 : memref<1x1x128xi32, #tpu.memory_space<vmem>> -> memref<128xi32, #tpu.memory_space<vmem>>
    %dma_wait3A_37 = arith.constant 0 : i32
    %dma_wait3A_38 = arith.constant 0 : i32
    %dma_wait3A_39 = tpu.memref_slice %arg8[%dma_wait3A_37, %dma_wait3A_38] : memref<10128x128xf32, #tpu.memory_space<vmem_shared>> -> memref<10128x128xf32, #tpu.memory_space<vmem_shared>>
    tpu.wait_indirect_dma semaphore(%arg10 : memref<!tpu.dma_semaphore, #tpu.memory_space<semaphore_mem>>) src(%arg7 : memref<128x128xf32, #tpu.memory_space<vmem>>) dst(%dma_wait3A_39 : memref<10128x128xf32, #tpu.memory_space<vmem_shared>>)
    %dma_wait3A_40 = arith.constant 1 : i32
    %dma_wait3A_41 = arith.constant 2 : i32
    %dma_wait3A_42 = arith.constant 0 : i32
    %dma_wait3A_43 = tpu.memref_slice %arg6[%dma_wait3A_40, %dma_wait3A_41, %dma_wait3A_42] : memref<3x8x128xi32, #tpu.memory_space<vmem>> -> memref<1x1x128xi32, #tpu.memory_space<vmem>>
    %dma_wait3A_44 = tpu.memref_squeeze %dma_wait3A_43 : memref<1x1x128xi32, #tpu.memory_space<vmem>> -> memref<128xi32, #tpu.memory_space<vmem>>
    %dma_wait3A_45 = arith.constant 0 : i32
    %dma_wait3A_46 = arith.constant 0 : i32
    %dma_wait3A_47 = tpu.memref_slice %arg8[%dma_wait3A_45, %dma_wait3A_46] : memref<10128x128xf32, #tpu.memory_space<vmem_shared>> -> memref<10128x128xf32, #tpu.memory_space<vmem_shared>>
    tpu.wait_indirect_dma semaphore(%arg10 : memref<!tpu.dma_semaphore, #tpu.memory_space<semaphore_mem>>) src(%arg7 : memref<128x128xf32, #tpu.memory_space<vmem>>) dst(%dma_wait3A_47 : memref<10128x128xf32, #tpu.memory_space<vmem_shared>>)
    %dma_wait3A_48 = arith.constant 1 : i32
    %dma_wait3A_49 = arith.constant 3 : i32
    %dma_wait3A_50 = arith.constant 0 : i32
    %dma_wait3A_51 = tpu.memref_slice %arg6[%dma_wait3A_48, %dma_wait3A_49, %dma_wait3A_50] : memref<3x8x128xi32, #tpu.memory_space<vmem>> -> memref<1x1x128xi32, #tpu.memory_space<vmem>>
    %dma_wait3A_52 = tpu.memref_squeeze %dma_wait3A_51 : memref<1x1x128xi32, #tpu.memory_space<vmem>> -> memref<128xi32, #tpu.memory_space<vmem>>
    %dma_wait3A_53 = arith.constant 0 : i32
    %dma_wait3A_54 = arith.constant 0 : i32
    %dma_wait3A_55 = tpu.memref_slice %arg8[%dma_wait3A_53, %dma_wait3A_54] : memref<10128x128xf32, #tpu.memory_space<vmem_shared>> -> memref<10128x128xf32, #tpu.memory_space<vmem_shared>>
    tpu.wait_indirect_dma semaphore(%arg10 : memref<!tpu.dma_semaphore, #tpu.memory_space<semaphore_mem>>) src(%arg7 : memref<128x128xf32, #tpu.memory_space<vmem>>) dst(%dma_wait3A_55 : memref<10128x128xf32, #tpu.memory_space<vmem_shared>>)
    %dma_wait3A_56 = arith.constant 1 : i32
    %dma_wait3A_57 = arith.constant 4 : i32
    %dma_wait3A_58 = arith.constant 0 : i32
    %dma_wait3A_59 = tpu.memref_slice %arg6[%dma_wait3A_56, %dma_wait3A_57, %dma_wait3A_58] : memref<3x8x128xi32, #tpu.memory_space<vmem>> -> memref<1x1x128xi32, #tpu.memory_space<vmem>>
    %dma_wait3A_60 = tpu.memref_squeeze %dma_wait3A_59 : memref<1x1x128xi32, #tpu.memory_space<vmem>> -> memref<128xi32, #tpu.memory_space<vmem>>
    %dma_wait3A_61 = arith.constant 0 : i32
    %dma_wait3A_62 = arith.constant 0 : i32
    %dma_wait3A_63 = tpu.memref_slice %arg8[%dma_wait3A_61, %dma_wait3A_62] : memref<10128x128xf32, #tpu.memory_space<vmem_shared>> -> memref<10128x128xf32, #tpu.memory_space<vmem_shared>>
    tpu.wait_indirect_dma semaphore(%arg10 : memref<!tpu.dma_semaphore, #tpu.memory_space<semaphore_mem>>) src(%arg7 : memref<128x128xf32, #tpu.memory_space<vmem>>) dst(%dma_wait3A_63 : memref<10128x128xf32, #tpu.memory_space<vmem_shared>>)
    %dma_wait3A_64 = arith.constant 1 : i32
    %dma_wait3A_65 = arith.constant 5 : i32
    %dma_wait3A_66 = arith.constant 0 : i32
    %dma_wait3A_67 = tpu.memref_slice %arg6[%dma_wait3A_64, %dma_wait3A_65, %dma_wait3A_66] : memref<3x8x128xi32, #tpu.memory_space<vmem>> -> memref<1x1x128xi32, #tpu.memory_space<vmem>>
    %dma_wait3A_68 = tpu.memref_squeeze %dma_wait3A_67 : memref<1x1x128xi32, #tpu.memory_space<vmem>> -> memref<128xi32, #tpu.memory_space<vmem>>
    %dma_wait3A_69 = arith.constant 0 : i32
    %dma_wait3A_70 = arith.constant 0 : i32
    %dma_wait3A_71 = tpu.memref_slice %arg8[%dma_wait3A_69, %dma_wait3A_70] : memref<10128x128xf32, #tpu.memory_space<vmem_shared>> -> memref<10128x128xf32, #tpu.memory_space<vmem_shared>>
    tpu.wait_indirect_dma semaphore(%arg10 : memref<!tpu.dma_semaphore, #tpu.memory_space<semaphore_mem>>) src(%arg7 : memref<128x128xf32, #tpu.memory_space<vmem>>) dst(%dma_wait3A_71 : memref<10128x128xf32, #tpu.memory_space<vmem_shared>>)
    %dma_wait3A_72 = arith.constant 1 : i32
    %dma_wait3A_73 = arith.constant 6 : i32
    %dma_wait3A_74 = arith.constant 0 : i32
    %dma_wait3A_75 = tpu.memref_slice %arg6[%dma_wait3A_72, %dma_wait3A_73, %dma_wait3A_74] : memref<3x8x128xi32, #tpu.memory_space<vmem>> -> memref<1x1x128xi32, #tpu.memory_space<vmem>>
    %dma_wait3A_76 = tpu.memref_squeeze %dma_wait3A_75 : memref<1x1x128xi32, #tpu.memory_space<vmem>> -> memref<128xi32, #tpu.memory_space<vmem>>
    %dma_wait3A_77 = arith.constant 0 : i32
    %dma_wait3A_78 = arith.constant 0 : i32
    %dma_wait3A_79 = tpu.memref_slice %arg8[%dma_wait3A_77, %dma_wait3A_78] : memref<10128x128xf32, #tpu.memory_space<vmem_shared>> -> memref<10128x128xf32, #tpu.memory_space<vmem_shared>>
    tpu.wait_indirect_dma semaphore(%arg10 : memref<!tpu.dma_semaphore, #tpu.memory_space<semaphore_mem>>) src(%arg7 : memref<128x128xf32, #tpu.memory_space<vmem>>) dst(%dma_wait3A_79 : memref<10128x128xf32, #tpu.memory_space<vmem_shared>>)
    %dma_wait3A_80 = arith.constant 1 : i32
    %dma_wait3A_81 = arith.constant 7 : i32
    %dma_wait3A_82 = arith.constant 0 : i32
    %dma_wait3A_83 = tpu.memref_slice %arg6[%dma_wait3A_80, %dma_wait3A_81, %dma_wait3A_82] : memref<3x8x128xi32, #tpu.memory_space<vmem>> -> memref<1x1x128xi32, #tpu.memory_space<vmem>>
    %dma_wait3A_84 = tpu.memref_squeeze %dma_wait3A_83 : memref<1x1x128xi32, #tpu.memory_space<vmem>> -> memref<128xi32, #tpu.memory_space<vmem>>
    %dma_wait3A_85 = arith.constant 0 : i32
    %dma_wait3A_86 = arith.constant 0 : i32
    %dma_wait3A_87 = tpu.memref_slice %arg8[%dma_wait3A_85, %dma_wait3A_86] : memref<10128x128xf32, #tpu.memory_space<vmem_shared>> -> memref<10128x128xf32, #tpu.memory_space<vmem_shared>>
    tpu.wait_indirect_dma semaphore(%arg10 : memref<!tpu.dma_semaphore, #tpu.memory_space<semaphore_mem>>) src(%arg7 : memref<128x128xf32, #tpu.memory_space<vmem>>) dst(%dma_wait3A_87 : memref<10128x128xf32, #tpu.memory_space<vmem_shared>>)
    %barrier3A_88 = arith.constant 0 : index
    tpu.barrier barrier_id(%barrier3A_88)
    "tpu.region"() ({
      %run_scoped3A = tpu.sem_alloc : memref<!tpu.dma_semaphore, #tpu.memory_space<semaphore_mem>>
      %dma_start3A_94 = arith.constant 0 : i32
      %dma_start3A_95 = tpu.memref_slice %arg5[%arg0, %mul3A_0, %dma_start3A_94] : memref<2x10000x128xf32, #tpu.memory_space<hbm>> -> memref<1x624x128xf32, #tpu.memory_space<hbm>>
      %dma_start3A_96 = tpu.memref_squeeze %dma_start3A_95 : memref<1x624x128xf32, #tpu.memory_space<hbm>> -> memref<624x128xf32, #tpu.memory_space<hbm>>
      %dma_start3A_97 = arith.constant 0 : i32
      %dma_start3A_98 = tpu.memref_slice %arg8[%mul3A_0, %dma_start3A_97] : memref<10128x128xf32, #tpu.memory_space<vmem_shared>> -> memref<624x128xf32, #tpu.memory_space<vmem_shared>>
      tpu.enqueue_dma source(%dma_start3A_98 : memref<624x128xf32, #tpu.memory_space<vmem_shared>>) target(%dma_start3A_96 : memref<624x128xf32, #tpu.memory_space<hbm>>) target_semaphore(%run_scoped3A : memref<!tpu.dma_semaphore, #tpu.memory_space<semaphore_mem>>)
      %dma_wait3A_99 = arith.constant 0 : i32
      %dma_wait3A_100 = tpu.memref_slice %arg5[%arg0, %mul3A_0, %dma_wait3A_99] : memref<2x10000x128xf32, #tpu.memory_space<hbm>> -> memref<1x624x128xf32, #tpu.memory_space<hbm>>
      %dma_wait3A_101 = tpu.memref_squeeze %dma_wait3A_100 : memref<1x624x128xf32, #tpu.memory_space<hbm>> -> memref<624x128xf32, #tpu.memory_space<hbm>>
      %dma_wait3A_102 = arith.constant 0 : i32
      %dma_wait3A_103 = tpu.memref_slice %arg8[%mul3A_0, %dma_wait3A_102] : memref<10128x128xf32, #tpu.memory_space<vmem_shared>> -> memref<624x128xf32, #tpu.memory_space<vmem_shared>>
      tpu.wait_dma2 semaphore(%run_scoped3A : memref<!tpu.dma_semaphore, #tpu.memory_space<semaphore_mem>>) src(%dma_wait3A_103 : memref<624x128xf32, #tpu.memory_space<vmem_shared>>) dst(%dma_wait3A_101 : memref<624x128xf32, #tpu.memory_space<hbm>>)
      tpu.yield
    }) : () -> ()
    %eq3A_89 = arith.constant 0 : i32
    %eq3A_90 = arith.cmpi eq, %arg1, %eq3A_89 : i32
    %convert_element_type3A_91 = arith.extui %eq3A_90 : i1 to i32
    %cond3A_92 = arith.constant 0 : i32
    %cond3A_93 = arith.cmpi ne, %convert_element_type3A_91, %cond3A_92 : i32
    scf.if %cond3A_93 {
      "tpu.region"() ({
        %run_scoped3A = tpu.sem_alloc : memref<!tpu.dma_semaphore, #tpu.memory_space<semaphore_mem>>
        %dma_start3A_94 = arith.constant 9984 : i32
        %dma_start3A_95 = arith.constant 0 : i32
        %dma_start3A_96 = tpu.memref_slice %arg5[%arg0, %dma_start3A_94, %dma_start3A_95] : memref<2x10000x128xf32, #tpu.memory_space<hbm>> -> memref<1x16x128xf32, #tpu.memory_space<hbm>>
        %dma_start3A_97 = tpu.memref_squeeze %dma_start3A_96 : memref<1x16x128xf32, #tpu.memory_space<hbm>> -> memref<16x128xf32, #tpu.memory_space<hbm>>
        %dma_start3A_98 = arith.constant 9984 : i32
        %dma_start3A_99 = arith.constant 0 : i32
        %dma_start3A_100 = tpu.memref_slice %arg8[%dma_start3A_98, %dma_start3A_99] : memref<10128x128xf32, #tpu.memory_space<vmem_shared>> -> memref<16x128xf32, #tpu.memory_space<vmem_shared>>
        tpu.enqueue_dma source(%dma_start3A_100 : memref<16x128xf32, #tpu.memory_space<vmem_shared>>) target(%dma_start3A_97 : memref<16x128xf32, #tpu.memory_space<hbm>>) target_semaphore(%run_scoped3A : memref<!tpu.dma_semaphore, #tpu.memory_space<semaphore_mem>>)
        %dma_wait3A_101 = arith.constant 9984 : i32
        %dma_wait3A_102 = arith.constant 0 : i32
        %dma_wait3A_103 = tpu.memref_slice %arg5[%arg0, %dma_wait3A_101, %dma_wait3A_102] : memref<2x10000x128xf32, #tpu.memory_space<hbm>> -> memref<1x16x128xf32, #tpu.memory_space<hbm>>
        %dma_wait3A_104 = tpu.memref_squeeze %dma_wait3A_103 : memref<1x16x128xf32, #tpu.memory_space<hbm>> -> memref<16x128xf32, #tpu.memory_space<hbm>>
        %dma_wait3A_105 = arith.constant 9984 : i32
        %dma_wait3A_106 = arith.constant 0 : i32
        %dma_wait3A_107 = tpu.memref_slice %arg8[%dma_wait3A_105, %dma_wait3A_106] : memref<10128x128xf32, #tpu.memory_space<vmem_shared>> -> memref<16x128xf32, #tpu.memory_space<vmem_shared>>
        tpu.wait_dma2 semaphore(%run_scoped3A : memref<!tpu.dma_semaphore, #tpu.memory_space<semaphore_mem>>) src(%dma_wait3A_107 : memref<16x128xf32, #tpu.memory_space<vmem_shared>>) dst(%dma_wait3A_104 : memref<16x128xf32, #tpu.memory_space<hbm>>)
        tpu.yield
      }) : () -> ()
    } else {
    }
    return
  }
}

#map = affine_map<(d0, d1) -> (0, 0)>
#map1 = affine_map<(d0, d1) -> (0, 0, 0)>
module attributes {stable_mosaic.version = 14 : i64} {
  func.func @_agg_body(%arg0: i32, %arg1: i32, %arg2: memref<10000x128xf32, #tpu.memory_space<hbm>>, %arg3: memref<2560x128xi32, #tpu.memory_space<hbm>>, %arg4: memref<2560x128xi32, #tpu.memory_space<hbm>>, %arg5: memref<10128x128xf32, #tpu.memory_space<hbm>>, %arg6: memref<2x10000x128xf32, #tpu.memory_space<hbm>>, %arg7: memref<3x8x128xi32, #tpu.memory_space<vmem>>, %arg8: memref<3x8x128xi32, #tpu.memory_space<vmem>>, %arg9: memref<2x128x128xf32, #tpu.memory_space<vmem>>, %arg10: memref<10128x128xf32, #tpu.memory_space<vmem_shared>>, %arg11: memref<!tpu.dma_semaphore, #tpu.memory_space<semaphore_mem>>, %arg12: memref<!tpu.dma_semaphore, #tpu.memory_space<semaphore_mem>>, %arg13: memref<!tpu.dma_semaphore, #tpu.memory_space<semaphore_mem>>, %arg14: memref<!tpu.dma_semaphore, #tpu.memory_space<semaphore_mem>>) attributes {dimension_semantics = [#tpu.dimension_semantics<core_parallel>, #tpu.dimension_semantics<subcore_parallel>], iteration_bounds = array<i64: 2, 16>, scalar_prefetch = 0 : i64, scratch_operands = 8 : i64, tpu.core_type = #tpu.core_type<sc_vector_subcore>, window_params = [{transform_indices = #map}, {transform_indices = #map}, {transform_indices = #map}, {transform_indices = #map}, {transform_indices = #map1}]} {
    %mul3A = arith.constant 624 : i32
    %mul3A_0 = arith.muli %arg1, %mul3A : i32
    %mul3A_1 = arith.constant 16 : i32
    %mul3A_2 = arith.muli %arg0, %mul3A_1 : i32
    %add3A = arith.addi %mul3A_2, %arg1 : i32
    %mul3A_3 = arith.constant 80 : i32
    %mul3A_4 = arith.muli %add3A, %mul3A_3 : i32
    %rem3A = arith.constant 0 : i32
    %rem3A_5 = arith.constant 3 : i32
    %rem3A_6 = arith.remsi %rem3A, %rem3A_5 : i32
    %add3A_7 = arith.constant 0 : i32
    %add3A_8 = arith.addi %mul3A_4, %add3A_7 : i32
    %dma_start3A = arith.constant 0 : i32
    %dma_start3A_9 = arith.constant 0 : i32
    %dma_start3A_10 = tpu.memref_slice %arg7[%rem3A_6, %dma_start3A, %dma_start3A_9] : memref<3x8x128xi32, #tpu.memory_space<vmem>> -> memref<1x8x128xi32, #tpu.memory_space<vmem>>
    %dma_start3A_11 = tpu.memref_squeeze %dma_start3A_10 : memref<1x8x128xi32, #tpu.memory_space<vmem>> -> memref<8x128xi32, #tpu.memory_space<vmem>>
    %dma_start3A_12 = arith.constant 0 : i32
    %dma_start3A_13 = tpu.memref_slice %arg3[%add3A_8, %dma_start3A_12] : memref<2560x128xi32, #tpu.memory_space<hbm>> -> memref<8x128xi32, #tpu.memory_space<hbm>>
    %dma_start3A_14 = arith.constant 0 : i32
    %dma_start3A_15 = arith.constant 0 : i32
    %dma_start3A_16 = tpu.memref_slice %arg7[%rem3A_6, %dma_start3A_14, %dma_start3A_15] : memref<3x8x128xi32, #tpu.memory_space<vmem>> -> memref<1x8x128xi32, #tpu.memory_space<vmem>>
    %dma_start3A_17 = tpu.memref_squeeze %dma_start3A_16 : memref<1x8x128xi32, #tpu.memory_space<vmem>> -> memref<8x128xi32, #tpu.memory_space<vmem>>
    %dma_start3A_18 = arith.constant 0 : i32
    %dma_start3A_19 = tpu.memref_slice %arg3[%add3A_8, %dma_start3A_18] : memref<2560x128xi32, #tpu.memory_space<hbm>> -> memref<8x128xi32, #tpu.memory_space<hbm>>
    tpu.enqueue_dma source(%dma_start3A_19 : memref<8x128xi32, #tpu.memory_space<hbm>>) target(%dma_start3A_17 : memref<8x128xi32, #tpu.memory_space<vmem>>) target_semaphore(%arg11 : memref<!tpu.dma_semaphore, #tpu.memory_space<semaphore_mem>>)
    %dma_start3A_20 = arith.constant 0 : i32
    %dma_start3A_21 = arith.constant 0 : i32
    %dma_start3A_22 = tpu.memref_slice %arg8[%rem3A_6, %dma_start3A_20, %dma_start3A_21] : memref<3x8x128xi32, #tpu.memory_space<vmem>> -> memref<1x8x128xi32, #tpu.memory_space<vmem>>
    %dma_start3A_23 = tpu.memref_squeeze %dma_start3A_22 : memref<1x8x128xi32, #tpu.memory_space<vmem>> -> memref<8x128xi32, #tpu.memory_space<vmem>>
    %dma_start3A_24 = arith.constant 0 : i32
    %dma_start3A_25 = tpu.memref_slice %arg4[%add3A_8, %dma_start3A_24] : memref<2560x128xi32, #tpu.memory_space<hbm>> -> memref<8x128xi32, #tpu.memory_space<hbm>>
    %dma_start3A_26 = arith.constant 0 : i32
    %dma_start3A_27 = arith.constant 0 : i32
    %dma_start3A_28 = tpu.memref_slice %arg8[%rem3A_6, %dma_start3A_26, %dma_start3A_27] : memref<3x8x128xi32, #tpu.memory_space<vmem>> -> memref<1x8x128xi32, #tpu.memory_space<vmem>>
    %dma_start3A_29 = tpu.memref_squeeze %dma_start3A_28 : memref<1x8x128xi32, #tpu.memory_space<vmem>> -> memref<8x128xi32, #tpu.memory_space<vmem>>
    %dma_start3A_30 = arith.constant 0 : i32
    %dma_start3A_31 = tpu.memref_slice %arg4[%add3A_8, %dma_start3A_30] : memref<2560x128xi32, #tpu.memory_space<hbm>> -> memref<8x128xi32, #tpu.memory_space<hbm>>
    tpu.enqueue_dma source(%dma_start3A_31 : memref<8x128xi32, #tpu.memory_space<hbm>>) target(%dma_start3A_29 : memref<8x128xi32, #tpu.memory_space<vmem>>) target_semaphore(%arg11 : memref<!tpu.dma_semaphore, #tpu.memory_space<semaphore_mem>>)
    "tpu.region"() ({
      %run_scoped3A = tpu.sem_alloc : memref<!tpu.dma_semaphore, #tpu.memory_space<semaphore_mem>>
      %dma_start3A_69 = arith.constant 0 : i32
      %dma_start3A_70 = tpu.memref_slice %arg10[%mul3A_0, %dma_start3A_69] : memref<10128x128xf32, #tpu.memory_space<vmem_shared>> -> memref<624x128xf32, #tpu.memory_space<vmem_shared>>
      %dma_start3A_71 = arith.constant 0 : i32
      %dma_start3A_72 = tpu.memref_slice %arg5[%mul3A_0, %dma_start3A_71] : memref<10128x128xf32, #tpu.memory_space<hbm>> -> memref<624x128xf32, #tpu.memory_space<hbm>>
      tpu.enqueue_dma source(%dma_start3A_72 : memref<624x128xf32, #tpu.memory_space<hbm>>) target(%dma_start3A_70 : memref<624x128xf32, #tpu.memory_space<vmem_shared>>) target_semaphore(%run_scoped3A : memref<!tpu.dma_semaphore, #tpu.memory_space<semaphore_mem>>)
      %dma_wait3A_73 = arith.constant 0 : i32
      %dma_wait3A_74 = tpu.memref_slice %arg10[%mul3A_0, %dma_wait3A_73] : memref<10128x128xf32, #tpu.memory_space<vmem_shared>> -> memref<624x128xf32, #tpu.memory_space<vmem_shared>>
      %dma_wait3A_75 = arith.constant 0 : i32
      %dma_wait3A_76 = tpu.memref_slice %arg5[%mul3A_0, %dma_wait3A_75] : memref<10128x128xf32, #tpu.memory_space<hbm>> -> memref<624x128xf32, #tpu.memory_space<hbm>>
      tpu.wait_dma2 semaphore(%run_scoped3A : memref<!tpu.dma_semaphore, #tpu.memory_space<semaphore_mem>>) src(%dma_wait3A_76 : memref<624x128xf32, #tpu.memory_space<hbm>>) dst(%dma_wait3A_74 : memref<624x128xf32, #tpu.memory_space<vmem_shared>>)
      tpu.yield
    }) : () -> ()
    %eq3A = arith.constant 0 : i32
    %eq3A_32 = arith.cmpi eq, %arg1, %eq3A : i32
    %convert_element_type3A = arith.extui %eq3A_32 : i1 to i32
    %cond3A = arith.constant 0 : i32
    %cond3A_33 = arith.cmpi ne, %convert_element_type3A, %cond3A : i32
    scf.if %cond3A_33 {
      "tpu.region"() ({
        %run_scoped3A = tpu.sem_alloc : memref<!tpu.dma_semaphore, #tpu.memory_space<semaphore_mem>>
        %dma_start3A_69 = arith.constant 9984 : i32
        %dma_start3A_70 = arith.constant 0 : i32
        %dma_start3A_71 = tpu.memref_slice %arg10[%dma_start3A_69, %dma_start3A_70] : memref<10128x128xf32, #tpu.memory_space<vmem_shared>> -> memref<144x128xf32, #tpu.memory_space<vmem_shared>>
        %dma_start3A_72 = arith.constant 0 : i32
        %dma_start3A_73 = arith.constant 0 : i32
        %dma_start3A_74 = tpu.memref_slice %arg5[%dma_start3A_72, %dma_start3A_73] : memref<10128x128xf32, #tpu.memory_space<hbm>> -> memref<144x128xf32, #tpu.memory_space<hbm>>
        tpu.enqueue_dma source(%dma_start3A_74 : memref<144x128xf32, #tpu.memory_space<hbm>>) target(%dma_start3A_71 : memref<144x128xf32, #tpu.memory_space<vmem_shared>>) target_semaphore(%run_scoped3A : memref<!tpu.dma_semaphore, #tpu.memory_space<semaphore_mem>>)
        %dma_wait3A_75 = arith.constant 9984 : i32
        %dma_wait3A_76 = arith.constant 0 : i32
        %dma_wait3A_77 = tpu.memref_slice %arg10[%dma_wait3A_75, %dma_wait3A_76] : memref<10128x128xf32, #tpu.memory_space<vmem_shared>> -> memref<144x128xf32, #tpu.memory_space<vmem_shared>>
        %dma_wait3A_78 = arith.constant 0 : i32
        %dma_wait3A_79 = arith.constant 0 : i32
        %dma_wait3A_80 = tpu.memref_slice %arg5[%dma_wait3A_78, %dma_wait3A_79] : memref<10128x128xf32, #tpu.memory_space<hbm>> -> memref<144x128xf32, #tpu.memory_space<hbm>>
        tpu.wait_dma2 semaphore(%run_scoped3A : memref<!tpu.dma_semaphore, #tpu.memory_space<semaphore_mem>>) src(%dma_wait3A_80 : memref<144x128xf32, #tpu.memory_space<hbm>>) dst(%dma_wait3A_77 : memref<144x128xf32, #tpu.memory_space<vmem_shared>>)
        tpu.yield
      }) : () -> ()
    } else {
    }
    %barrier3A = arith.constant 0 : index
    tpu.barrier barrier_id(%barrier3A)
    %scan3A = arith.constant 0 : i32
    %scan3A_34 = arith.constant 10 : i32
    %scan3A_35 = arith.addi %scan3A, %scan3A_34 : i32
    %scan3A_36 = arith.constant 1 : i32
    scf.for %scan3A_69 = %scan3A to %scan3A_35 step %scan3A_36  : i32 {
      %mul3A_70 = arith.constant 1 : i32
      %mul3A_71 = arith.muli %scan3A_69, %mul3A_70 : i32
      %add3A_72 = arith.constant 0 : i32
      %add3A_73 = arith.addi %add3A_72, %mul3A_71 : i32
      %rem3A_74 = arith.constant 3 : i32
      %rem3A_75 = arith.remsi %add3A_73, %rem3A_74 : i32
      %add3A_76 = arith.constant 2 : i32
      %add3A_77 = arith.addi %add3A_73, %add3A_76 : i32
      %rem3A_78 = arith.constant 3 : i32
      %rem3A_79 = arith.remsi %add3A_77, %rem3A_78 : i32
      %add3A_80 = arith.constant 1 : i32
      %add3A_81 = arith.addi %add3A_73, %add3A_80 : i32
      %lt3A = arith.constant 10 : i32
      %lt3A_82 = arith.cmpi slt, %add3A_81, %lt3A : i32
      %convert_element_type3A_83 = arith.extui %lt3A_82 : i1 to i32
      %cond3A_84 = arith.constant 0 : i32
      %cond3A_85 = arith.cmpi ne, %convert_element_type3A_83, %cond3A_84 : i32
      scf.if %cond3A_85 {
        %add3A_484 = arith.constant 1 : i32
        %add3A_485 = arith.addi %add3A_73, %add3A_484 : i32
        %rem3A_486 = arith.constant 3 : i32
        %rem3A_487 = arith.remsi %add3A_485, %rem3A_486 : i32
        %mul3A_488 = arith.constant 8 : i32
        %mul3A_489 = arith.muli %add3A_485, %mul3A_488 : i32
        %add3A_490 = arith.addi %mul3A_4, %mul3A_489 : i32
        %dma_start3A_491 = arith.constant 0 : i32
        %dma_start3A_492 = arith.constant 0 : i32
        %dma_start3A_493 = tpu.memref_slice %arg7[%rem3A_487, %dma_start3A_491, %dma_start3A_492] : memref<3x8x128xi32, #tpu.memory_space<vmem>> -> memref<1x8x128xi32, #tpu.memory_space<vmem>>
        %dma_start3A_494 = tpu.memref_squeeze %dma_start3A_493 : memref<1x8x128xi32, #tpu.memory_space<vmem>> -> memref<8x128xi32, #tpu.memory_space<vmem>>
        %dma_start3A_495 = arith.constant 0 : i32
        %dma_start3A_496 = tpu.memref_slice %arg3[%add3A_490, %dma_start3A_495] : memref<2560x128xi32, #tpu.memory_space<hbm>> -> memref<8x128xi32, #tpu.memory_space<hbm>>
        %dma_start3A_497 = arith.constant 0 : i32
        %dma_start3A_498 = arith.constant 0 : i32
        %dma_start3A_499 = tpu.memref_slice %arg7[%rem3A_487, %dma_start3A_497, %dma_start3A_498] : memref<3x8x128xi32, #tpu.memory_space<vmem>> -> memref<1x8x128xi32, #tpu.memory_space<vmem>>
        %dma_start3A_500 = tpu.memref_squeeze %dma_start3A_499 : memref<1x8x128xi32, #tpu.memory_space<vmem>> -> memref<8x128xi32, #tpu.memory_space<vmem>>
        %dma_start3A_501 = arith.constant 0 : i32
        %dma_start3A_502 = tpu.memref_slice %arg3[%add3A_490, %dma_start3A_501] : memref<2560x128xi32, #tpu.memory_space<hbm>> -> memref<8x128xi32, #tpu.memory_space<hbm>>
        tpu.enqueue_dma source(%dma_start3A_502 : memref<8x128xi32, #tpu.memory_space<hbm>>) target(%dma_start3A_500 : memref<8x128xi32, #tpu.memory_space<vmem>>) target_semaphore(%arg11 : memref<!tpu.dma_semaphore, #tpu.memory_space<semaphore_mem>>)
        %dma_start3A_503 = arith.constant 0 : i32
        %dma_start3A_504 = arith.constant 0 : i32
        %dma_start3A_505 = tpu.memref_slice %arg8[%rem3A_487, %dma_start3A_503, %dma_start3A_504] : memref<3x8x128xi32, #tpu.memory_space<vmem>> -> memref<1x8x128xi32, #tpu.memory_space<vmem>>
        %dma_start3A_506 = tpu.memref_squeeze %dma_start3A_505 : memref<1x8x128xi32, #tpu.memory_space<vmem>> -> memref<8x128xi32, #tpu.memory_space<vmem>>
        %dma_start3A_507 = arith.constant 0 : i32
        %dma_start3A_508 = tpu.memref_slice %arg4[%add3A_490, %dma_start3A_507] : memref<2560x128xi32, #tpu.memory_space<hbm>> -> memref<8x128xi32, #tpu.memory_space<hbm>>
        %dma_start3A_509 = arith.constant 0 : i32
        %dma_start3A_510 = arith.constant 0 : i32
        %dma_start3A_511 = tpu.memref_slice %arg8[%rem3A_487, %dma_start3A_509, %dma_start3A_510] : memref<3x8x128xi32, #tpu.memory_space<vmem>> -> memref<1x8x128xi32, #tpu.memory_space<vmem>>
        %dma_start3A_512 = tpu.memref_squeeze %dma_start3A_511 : memref<1x8x128xi32, #tpu.memory_space<vmem>> -> memref<8x128xi32, #tpu.memory_space<vmem>>
        %dma_start3A_513 = arith.constant 0 : i32
        %dma_start3A_514 = tpu.memref_slice %arg4[%add3A_490, %dma_start3A_513] : memref<2560x128xi32, #tpu.memory_space<hbm>> -> memref<8x128xi32, #tpu.memory_space<hbm>>
        tpu.enqueue_dma source(%dma_start3A_514 : memref<8x128xi32, #tpu.memory_space<hbm>>) target(%dma_start3A_512 : memref<8x128xi32, #tpu.memory_space<vmem>>) target_semaphore(%arg11 : memref<!tpu.dma_semaphore, #tpu.memory_space<semaphore_mem>>)
      } else {
      }
      %rem3A_86 = arith.constant 3 : i32
      %rem3A_87 = arith.remsi %add3A_73, %rem3A_86 : i32
      %mul3A_88 = arith.constant 8 : i32
      %mul3A_89 = arith.muli %add3A_73, %mul3A_88 : i32
      %add3A_90 = arith.addi %mul3A_4, %mul3A_89 : i32
      %dma_wait3A_91 = arith.constant 0 : i32
      %dma_wait3A_92 = arith.constant 0 : i32
      %dma_wait3A_93 = tpu.memref_slice %arg7[%rem3A_87, %dma_wait3A_91, %dma_wait3A_92] : memref<3x8x128xi32, #tpu.memory_space<vmem>> -> memref<1x8x128xi32, #tpu.memory_space<vmem>>
      %dma_wait3A_94 = tpu.memref_squeeze %dma_wait3A_93 : memref<1x8x128xi32, #tpu.memory_space<vmem>> -> memref<8x128xi32, #tpu.memory_space<vmem>>
      %dma_wait3A_95 = arith.constant 0 : i32
      %dma_wait3A_96 = tpu.memref_slice %arg3[%add3A_90, %dma_wait3A_95] : memref<2560x128xi32, #tpu.memory_space<hbm>> -> memref<8x128xi32, #tpu.memory_space<hbm>>
      %dma_wait3A_97 = arith.constant 0 : i32
      %dma_wait3A_98 = arith.constant 0 : i32
      %dma_wait3A_99 = tpu.memref_slice %arg7[%rem3A_87, %dma_wait3A_97, %dma_wait3A_98] : memref<3x8x128xi32, #tpu.memory_space<vmem>> -> memref<1x8x128xi32, #tpu.memory_space<vmem>>
      %dma_wait3A_100 = tpu.memref_squeeze %dma_wait3A_99 : memref<1x8x128xi32, #tpu.memory_space<vmem>> -> memref<8x128xi32, #tpu.memory_space<vmem>>
      %dma_wait3A_101 = arith.constant 0 : i32
      %dma_wait3A_102 = tpu.memref_slice %arg3[%add3A_90, %dma_wait3A_101] : memref<2560x128xi32, #tpu.memory_space<hbm>> -> memref<8x128xi32, #tpu.memory_space<hbm>>
      tpu.wait_dma2 semaphore(%arg11 : memref<!tpu.dma_semaphore, #tpu.memory_space<semaphore_mem>>) src(%dma_wait3A_102 : memref<8x128xi32, #tpu.memory_space<hbm>>) dst(%dma_wait3A_100 : memref<8x128xi32, #tpu.memory_space<vmem>>)
      %dma_wait3A_103 = arith.constant 0 : i32
      %dma_wait3A_104 = arith.constant 0 : i32
      %dma_wait3A_105 = tpu.memref_slice %arg8[%rem3A_87, %dma_wait3A_103, %dma_wait3A_104] : memref<3x8x128xi32, #tpu.memory_space<vmem>> -> memref<1x8x128xi32, #tpu.memory_space<vmem>>
      %dma_wait3A_106 = tpu.memref_squeeze %dma_wait3A_105 : memref<1x8x128xi32, #tpu.memory_space<vmem>> -> memref<8x128xi32, #tpu.memory_space<vmem>>
      %dma_wait3A_107 = arith.constant 0 : i32
      %dma_wait3A_108 = tpu.memref_slice %arg4[%add3A_90, %dma_wait3A_107] : memref<2560x128xi32, #tpu.memory_space<hbm>> -> memref<8x128xi32, #tpu.memory_space<hbm>>
      %dma_wait3A_109 = arith.constant 0 : i32
      %dma_wait3A_110 = arith.constant 0 : i32
      %dma_wait3A_111 = tpu.memref_slice %arg8[%rem3A_87, %dma_wait3A_109, %dma_wait3A_110] : memref<3x8x128xi32, #tpu.memory_space<vmem>> -> memref<1x8x128xi32, #tpu.memory_space<vmem>>
      %dma_wait3A_112 = tpu.memref_squeeze %dma_wait3A_111 : memref<1x8x128xi32, #tpu.memory_space<vmem>> -> memref<8x128xi32, #tpu.memory_space<vmem>>
      %dma_wait3A_113 = arith.constant 0 : i32
      %dma_wait3A_114 = tpu.memref_slice %arg4[%add3A_90, %dma_wait3A_113] : memref<2560x128xi32, #tpu.memory_space<hbm>> -> memref<8x128xi32, #tpu.memory_space<hbm>>
      tpu.wait_dma2 semaphore(%arg11 : memref<!tpu.dma_semaphore, #tpu.memory_space<semaphore_mem>>) src(%dma_wait3A_114 : memref<8x128xi32, #tpu.memory_space<hbm>>) dst(%dma_wait3A_112 : memref<8x128xi32, #tpu.memory_space<vmem>>)
      %gt3A = arith.constant 0 : i32
      %gt3A_115 = arith.cmpi sgt, %add3A_73, %gt3A : i32
      %convert_element_type3A_116 = arith.extui %gt3A_115 : i1 to i32
      %cond3A_117 = arith.constant 0 : i32
      %cond3A_118 = arith.cmpi ne, %convert_element_type3A_116, %cond3A_117 : i32
      scf.if %cond3A_118 {
        %dma_wait3A_484 = arith.constant 0 : i32
        %dma_wait3A_485 = arith.constant 6 : i32
        %dma_wait3A_486 = arith.constant 0 : i32
        %dma_wait3A_487 = arith.constant 0 : i32
        %dma_wait3A_488 = tpu.memref_slice %arg9[%dma_wait3A_484, %dma_wait3A_486, %dma_wait3A_487] : memref<2x128x128xf32, #tpu.memory_space<vmem>> -> memref<1x128x128xf32, #tpu.memory_space<vmem>>
        %dma_wait3A_489 = tpu.memref_squeeze %dma_wait3A_488 : memref<1x128x128xf32, #tpu.memory_space<vmem>> -> memref<128x128xf32, #tpu.memory_space<vmem>>
        %dma_wait3A_490 = arith.constant 0 : i32
        %dma_wait3A_491 = tpu.memref_slice %arg8[%rem3A_79, %dma_wait3A_485, %dma_wait3A_490] : memref<3x8x128xi32, #tpu.memory_space<vmem>> -> memref<1x1x128xi32, #tpu.memory_space<vmem>>
        %dma_wait3A_492 = tpu.memref_squeeze %dma_wait3A_491 : memref<1x1x128xi32, #tpu.memory_space<vmem>> -> memref<128xi32, #tpu.memory_space<vmem>>
        %dma_wait3A_493 = arith.constant 0 : i32
        %dma_wait3A_494 = arith.constant 0 : i32
        %dma_wait3A_495 = tpu.memref_slice %arg10[%dma_wait3A_493, %dma_wait3A_494] : memref<10128x128xf32, #tpu.memory_space<vmem_shared>> -> memref<10128x128xf32, #tpu.memory_space<vmem_shared>>
        tpu.wait_indirect_dma semaphore(%arg13 : memref<!tpu.dma_semaphore, #tpu.memory_space<semaphore_mem>>) src(%dma_wait3A_489 : memref<128x128xf32, #tpu.memory_space<vmem>>) dst(%dma_wait3A_495 : memref<10128x128xf32, #tpu.memory_space<vmem_shared>>)
      } else {
      }
      %dma_start3A_119 = arith.constant 0 : i32
      %dma_start3A_120 = arith.constant 0 : i32
      %dma_start3A_121 = arith.constant 0 : i32
      %dma_start3A_122 = arith.constant 0 : i32
      %dma_start3A_123 = tpu.memref_slice %arg9[%dma_start3A_120, %dma_start3A_121, %dma_start3A_122] : memref<2x128x128xf32, #tpu.memory_space<vmem>> -> memref<1x128x128xf32, #tpu.memory_space<vmem>>
      %dma_start3A_124 = tpu.memref_squeeze %dma_start3A_123 : memref<1x128x128xf32, #tpu.memory_space<vmem>> -> memref<128x128xf32, #tpu.memory_space<vmem>>
      %dma_start3A_125 = arith.constant 0 : i32
      %dma_start3A_126 = tpu.memref_slice %arg7[%rem3A_75, %dma_start3A_119, %dma_start3A_125] : memref<3x8x128xi32, #tpu.memory_space<vmem>> -> memref<1x1x128xi32, #tpu.memory_space<vmem>>
      %dma_start3A_127 = tpu.memref_squeeze %dma_start3A_126 : memref<1x1x128xi32, #tpu.memory_space<vmem>> -> memref<128xi32, #tpu.memory_space<vmem>>
      %dma_start3A_128 = arith.constant 0 : i32
      %dma_start3A_129 = arith.constant 0 : i32
      %dma_start3A_130 = tpu.memref_slice %arg2[%dma_start3A_128, %dma_start3A_129] : memref<10000x128xf32, #tpu.memory_space<hbm>> -> memref<10000x128xf32, #tpu.memory_space<hbm>>
      tpu.enqueue_indirect_dma source(%dma_start3A_130 : memref<10000x128xf32, #tpu.memory_space<hbm>>) target(%dma_start3A_124 : memref<128x128xf32, #tpu.memory_space<vmem>>) offsets(%dma_start3A_127 : memref<128xi32, #tpu.memory_space<vmem>>) semaphore(%arg12 : memref<!tpu.dma_semaphore, #tpu.memory_space<semaphore_mem>>)
      %dma_wait3A_131 = arith.constant 0 : i32
      %dma_wait3A_132 = arith.constant 0 : i32
      %dma_wait3A_133 = arith.constant 0 : i32
      %dma_wait3A_134 = arith.constant 0 : i32
      %dma_wait3A_135 = tpu.memref_slice %arg9[%dma_wait3A_132, %dma_wait3A_133, %dma_wait3A_134] : memref<2x128x128xf32, #tpu.memory_space<vmem>> -> memref<1x128x128xf32, #tpu.memory_space<vmem>>
      %dma_wait3A_136 = tpu.memref_squeeze %dma_wait3A_135 : memref<1x128x128xf32, #tpu.memory_space<vmem>> -> memref<128x128xf32, #tpu.memory_space<vmem>>
      %dma_wait3A_137 = arith.constant 0 : i32
      %dma_wait3A_138 = tpu.memref_slice %arg7[%rem3A_75, %dma_wait3A_131, %dma_wait3A_137] : memref<3x8x128xi32, #tpu.memory_space<vmem>> -> memref<1x1x128xi32, #tpu.memory_space<vmem>>
      %dma_wait3A_139 = tpu.memref_squeeze %dma_wait3A_138 : memref<1x1x128xi32, #tpu.memory_space<vmem>> -> memref<128xi32, #tpu.memory_space<vmem>>
      %dma_wait3A_140 = arith.constant 0 : i32
      %dma_wait3A_141 = arith.constant 0 : i32
      %dma_wait3A_142 = tpu.memref_slice %arg2[%dma_wait3A_140, %dma_wait3A_141] : memref<10000x128xf32, #tpu.memory_space<hbm>> -> memref<10000x128xf32, #tpu.memory_space<hbm>>
      tpu.wait_indirect_dma semaphore(%arg12 : memref<!tpu.dma_semaphore, #tpu.memory_space<semaphore_mem>>) src(%dma_wait3A_142 : memref<10000x128xf32, #tpu.memory_space<hbm>>) dst(%dma_wait3A_136 : memref<128x128xf32, #tpu.memory_space<vmem>>)
      %dma_start3A_143 = arith.constant 0 : i32
      %dma_start3A_144 = arith.constant 0 : i32
      %dma_start3A_145 = arith.constant 0 : i32
      %dma_start3A_146 = arith.constant 0 : i32
      %dma_start3A_147 = tpu.memref_slice %arg9[%dma_start3A_143, %dma_start3A_145, %dma_start3A_146] : memref<2x128x128xf32, #tpu.memory_space<vmem>> -> memref<1x128x128xf32, #tpu.memory_space<vmem>>
      %dma_start3A_148 = tpu.memref_squeeze %dma_start3A_147 : memref<1x128x128xf32, #tpu.memory_space<vmem>> -> memref<128x128xf32, #tpu.memory_space<vmem>>
      %dma_start3A_149 = arith.constant 0 : i32
      %dma_start3A_150 = tpu.memref_slice %arg8[%rem3A_75, %dma_start3A_144, %dma_start3A_149] : memref<3x8x128xi32, #tpu.memory_space<vmem>> -> memref<1x1x128xi32, #tpu.memory_space<vmem>>
      %dma_start3A_151 = tpu.memref_squeeze %dma_start3A_150 : memref<1x1x128xi32, #tpu.memory_space<vmem>> -> memref<128xi32, #tpu.memory_space<vmem>>
      %dma_start3A_152 = arith.constant 0 : i32
      %dma_start3A_153 = arith.constant 0 : i32
      %dma_start3A_154 = tpu.memref_slice %arg10[%dma_start3A_152, %dma_start3A_153] : memref<10128x128xf32, #tpu.memory_space<vmem_shared>> -> memref<10128x128xf32, #tpu.memory_space<vmem_shared>>
      tpu.enqueue_indirect_dma source(%dma_start3A_148 : memref<128x128xf32, #tpu.memory_space<vmem>>) target(%dma_start3A_154 : memref<10128x128xf32, #tpu.memory_space<vmem_shared>>) offsets(%dma_start3A_151 : memref<128xi32, #tpu.memory_space<vmem>>) semaphore(%arg13 : memref<!tpu.dma_semaphore, #tpu.memory_space<semaphore_mem>>) {add = true}
      %gt3A_155 = arith.constant 0 : i32
      %gt3A_156 = arith.cmpi sgt, %add3A_73, %gt3A_155 : i32
      %convert_element_type3A_157 = arith.extui %gt3A_156 : i1 to i32
      %cond3A_158 = arith.constant 0 : i32
      %cond3A_159 = arith.cmpi ne, %convert_element_type3A_157, %cond3A_158 : i32
      scf.if %cond3A_159 {
        %dma_wait3A_484 = arith.constant 1 : i32
        %dma_wait3A_485 = arith.constant 7 : i32
        %dma_wait3A_486 = arith.constant 0 : i32
        %dma_wait3A_487 = arith.constant 0 : i32
        %dma_wait3A_488 = tpu.memref_slice %arg9[%dma_wait3A_484, %dma_wait3A_486, %dma_wait3A_487] : memref<2x128x128xf32, #tpu.memory_space<vmem>> -> memref<1x128x128xf32, #tpu.memory_space<vmem>>
        %dma_wait3A_489 = tpu.memref_squeeze %dma_wait3A_488 : memref<1x128x128xf32, #tpu.memory_space<vmem>> -> memref<128x128xf32, #tpu.memory_space<vmem>>
        %dma_wait3A_490 = arith.constant 0 : i32
        %dma_wait3A_491 = tpu.memref_slice %arg8[%rem3A_79, %dma_wait3A_485, %dma_wait3A_490] : memref<3x8x128xi32, #tpu.memory_space<vmem>> -> memref<1x1x128xi32, #tpu.memory_space<vmem>>
        %dma_wait3A_492 = tpu.memref_squeeze %dma_wait3A_491 : memref<1x1x128xi32, #tpu.memory_space<vmem>> -> memref<128xi32, #tpu.memory_space<vmem>>
        %dma_wait3A_493 = arith.constant 0 : i32
        %dma_wait3A_494 = arith.constant 0 : i32
        %dma_wait3A_495 = tpu.memref_slice %arg10[%dma_wait3A_493, %dma_wait3A_494] : memref<10128x128xf32, #tpu.memory_space<vmem_shared>> -> memref<10128x128xf32, #tpu.memory_space<vmem_shared>>
        tpu.wait_indirect_dma semaphore(%arg14 : memref<!tpu.dma_semaphore, #tpu.memory_space<semaphore_mem>>) src(%dma_wait3A_489 : memref<128x128xf32, #tpu.memory_space<vmem>>) dst(%dma_wait3A_495 : memref<10128x128xf32, #tpu.memory_space<vmem_shared>>)
      } else {
      }
      %dma_start3A_160 = arith.constant 1 : i32
      %dma_start3A_161 = arith.constant 1 : i32
      %dma_start3A_162 = arith.constant 0 : i32
      %dma_start3A_163 = arith.constant 0 : i32
      %dma_start3A_164 = tpu.memref_slice %arg9[%dma_start3A_161, %dma_start3A_162, %dma_start3A_163] : memref<2x128x128xf32, #tpu.memory_space<vmem>> -> memref<1x128x128xf32, #tpu.memory_space<vmem>>
      %dma_start3A_165 = tpu.memref_squeeze %dma_start3A_164 : memref<1x128x128xf32, #tpu.memory_space<vmem>> -> memref<128x128xf32, #tpu.memory_space<vmem>>
      %dma_start3A_166 = arith.constant 0 : i32
      %dma_start3A_167 = tpu.memref_slice %arg7[%rem3A_75, %dma_start3A_160, %dma_start3A_166] : memref<3x8x128xi32, #tpu.memory_space<vmem>> -> memref<1x1x128xi32, #tpu.memory_space<vmem>>
      %dma_start3A_168 = tpu.memref_squeeze %dma_start3A_167 : memref<1x1x128xi32, #tpu.memory_space<vmem>> -> memref<128xi32, #tpu.memory_space<vmem>>
      %dma_start3A_169 = arith.constant 0 : i32
      %dma_start3A_170 = arith.constant 0 : i32
      %dma_start3A_171 = tpu.memref_slice %arg2[%dma_start3A_169, %dma_start3A_170] : memref<10000x128xf32, #tpu.memory_space<hbm>> -> memref<10000x128xf32, #tpu.memory_space<hbm>>
      tpu.enqueue_indirect_dma source(%dma_start3A_171 : memref<10000x128xf32, #tpu.memory_space<hbm>>) target(%dma_start3A_165 : memref<128x128xf32, #tpu.memory_space<vmem>>) offsets(%dma_start3A_168 : memref<128xi32, #tpu.memory_space<vmem>>) semaphore(%arg12 : memref<!tpu.dma_semaphore, #tpu.memory_space<semaphore_mem>>)
      %dma_wait3A_172 = arith.constant 1 : i32
      %dma_wait3A_173 = arith.constant 1 : i32
      %dma_wait3A_174 = arith.constant 0 : i32
      %dma_wait3A_175 = arith.constant 0 : i32
      %dma_wait3A_176 = tpu.memref_slice %arg9[%dma_wait3A_173, %dma_wait3A_174, %dma_wait3A_175] : memref<2x128x128xf32, #tpu.memory_space<vmem>> -> memref<1x128x128xf32, #tpu.memory_space<vmem>>
      %dma_wait3A_177 = tpu.memref_squeeze %dma_wait3A_176 : memref<1x128x128xf32, #tpu.memory_space<vmem>> -> memref<128x128xf32, #tpu.memory_space<vmem>>
      %dma_wait3A_178 = arith.constant 0 : i32
      %dma_wait3A_179 = tpu.memref_slice %arg7[%rem3A_75, %dma_wait3A_172, %dma_wait3A_178] : memref<3x8x128xi32, #tpu.memory_space<vmem>> -> memref<1x1x128xi32, #tpu.memory_space<vmem>>
      %dma_wait3A_180 = tpu.memref_squeeze %dma_wait3A_179 : memref<1x1x128xi32, #tpu.memory_space<vmem>> -> memref<128xi32, #tpu.memory_space<vmem>>
      %dma_wait3A_181 = arith.constant 0 : i32
      %dma_wait3A_182 = arith.constant 0 : i32
      %dma_wait3A_183 = tpu.memref_slice %arg2[%dma_wait3A_181, %dma_wait3A_182] : memref<10000x128xf32, #tpu.memory_space<hbm>> -> memref<10000x128xf32, #tpu.memory_space<hbm>>
      tpu.wait_indirect_dma semaphore(%arg12 : memref<!tpu.dma_semaphore, #tpu.memory_space<semaphore_mem>>) src(%dma_wait3A_183 : memref<10000x128xf32, #tpu.memory_space<hbm>>) dst(%dma_wait3A_177 : memref<128x128xf32, #tpu.memory_space<vmem>>)
      %dma_start3A_184 = arith.constant 1 : i32
      %dma_start3A_185 = arith.constant 1 : i32
      %dma_start3A_186 = arith.constant 0 : i32
      %dma_start3A_187 = arith.constant 0 : i32
      %dma_start3A_188 = tpu.memref_slice %arg9[%dma_start3A_184, %dma_start3A_186, %dma_start3A_187] : memref<2x128x128xf32, #tpu.memory_space<vmem>> -> memref<1x128x128xf32, #tpu.memory_space<vmem>>
      %dma_start3A_189 = tpu.memref_squeeze %dma_start3A_188 : memref<1x128x128xf32, #tpu.memory_space<vmem>> -> memref<128x128xf32, #tpu.memory_space<vmem>>
      %dma_start3A_190 = arith.constant 0 : i32
      %dma_start3A_191 = tpu.memref_slice %arg8[%rem3A_75, %dma_start3A_185, %dma_start3A_190] : memref<3x8x128xi32, #tpu.memory_space<vmem>> -> memref<1x1x128xi32, #tpu.memory_space<vmem>>
      %dma_start3A_192 = tpu.memref_squeeze %dma_start3A_191 : memref<1x1x128xi32, #tpu.memory_space<vmem>> -> memref<128xi32, #tpu.memory_space<vmem>>
      %dma_start3A_193 = arith.constant 0 : i32
      %dma_start3A_194 = arith.constant 0 : i32
      %dma_start3A_195 = tpu.memref_slice %arg10[%dma_start3A_193, %dma_start3A_194] : memref<10128x128xf32, #tpu.memory_space<vmem_shared>> -> memref<10128x128xf32, #tpu.memory_space<vmem_shared>>
      tpu.enqueue_indirect_dma source(%dma_start3A_189 : memref<128x128xf32, #tpu.memory_space<vmem>>) target(%dma_start3A_195 : memref<10128x128xf32, #tpu.memory_space<vmem_shared>>) offsets(%dma_start3A_192 : memref<128xi32, #tpu.memory_space<vmem>>) semaphore(%arg14 : memref<!tpu.dma_semaphore, #tpu.memory_space<semaphore_mem>>) {add = true}
      %dma_wait3A_196 = arith.constant 0 : i32
      %dma_wait3A_197 = arith.constant 0 : i32
      %dma_wait3A_198 = arith.constant 0 : i32
      %dma_wait3A_199 = arith.constant 0 : i32
      %dma_wait3A_200 = tpu.memref_slice %arg9[%dma_wait3A_196, %dma_wait3A_198, %dma_wait3A_199] : memref<2x128x128xf32, #tpu.memory_space<vmem>> -> memref<1x128x128xf32, #tpu.memory_space<vmem>>
      %dma_wait3A_201 = tpu.memref_squeeze %dma_wait3A_200 : memref<1x128x128xf32, #tpu.memory_space<vmem>> -> memref<128x128xf32, #tpu.memory_space<vmem>>
      %dma_wait3A_202 = arith.constant 0 : i32
      %dma_wait3A_203 = tpu.memref_slice %arg8[%rem3A_75, %dma_wait3A_197, %dma_wait3A_202] : memref<3x8x128xi32, #tpu.memory_space<vmem>> -> memref<1x1x128xi32, #tpu.memory_space<vmem>>
      %dma_wait3A_204 = tpu.memref_squeeze %dma_wait3A_203 : memref<1x1x128xi32, #tpu.memory_space<vmem>> -> memref<128xi32, #tpu.memory_space<vmem>>
      %dma_wait3A_205 = arith.constant 0 : i32
      %dma_wait3A_206 = arith.constant 0 : i32
      %dma_wait3A_207 = tpu.memref_slice %arg10[%dma_wait3A_205, %dma_wait3A_206] : memref<10128x128xf32, #tpu.memory_space<vmem_shared>> -> memref<10128x128xf32, #tpu.memory_space<vmem_shared>>
      tpu.wait_indirect_dma semaphore(%arg13 : memref<!tpu.dma_semaphore, #tpu.memory_space<semaphore_mem>>) src(%dma_wait3A_201 : memref<128x128xf32, #tpu.memory_space<vmem>>) dst(%dma_wait3A_207 : memref<10128x128xf32, #tpu.memory_space<vmem_shared>>)
      %dma_start3A_208 = arith.constant 2 : i32
      %dma_start3A_209 = arith.constant 0 : i32
      %dma_start3A_210 = arith.constant 0 : i32
      %dma_start3A_211 = arith.constant 0 : i32
      %dma_start3A_212 = tpu.memref_slice %arg9[%dma_start3A_209, %dma_start3A_210, %dma_start3A_211] : memref<2x128x128xf32, #tpu.memory_space<vmem>> -> memref<1x128x128xf32, #tpu.memory_space<vmem>>
      %dma_start3A_213 = tpu.memref_squeeze %dma_start3A_212 : memref<1x128x128xf32, #tpu.memory_space<vmem>> -> memref<128x128xf32, #tpu.memory_space<vmem>>
      %dma_start3A_214 = arith.constant 0 : i32
      %dma_start3A_215 = tpu.memref_slice %arg7[%rem3A_75, %dma_start3A_208, %dma_start3A_214] : memref<3x8x128xi32, #tpu.memory_space<vmem>> -> memref<1x1x128xi32, #tpu.memory_space<vmem>>
      %dma_start3A_216 = tpu.memref_squeeze %dma_start3A_215 : memref<1x1x128xi32, #tpu.memory_space<vmem>> -> memref<128xi32, #tpu.memory_space<vmem>>
      %dma_start3A_217 = arith.constant 0 : i32
      %dma_start3A_218 = arith.constant 0 : i32
      %dma_start3A_219 = tpu.memref_slice %arg2[%dma_start3A_217, %dma_start3A_218] : memref<10000x128xf32, #tpu.memory_space<hbm>> -> memref<10000x128xf32, #tpu.memory_space<hbm>>
      tpu.enqueue_indirect_dma source(%dma_start3A_219 : memref<10000x128xf32, #tpu.memory_space<hbm>>) target(%dma_start3A_213 : memref<128x128xf32, #tpu.memory_space<vmem>>) offsets(%dma_start3A_216 : memref<128xi32, #tpu.memory_space<vmem>>) semaphore(%arg12 : memref<!tpu.dma_semaphore, #tpu.memory_space<semaphore_mem>>)
      %dma_wait3A_220 = arith.constant 2 : i32
      %dma_wait3A_221 = arith.constant 0 : i32
      %dma_wait3A_222 = arith.constant 0 : i32
      %dma_wait3A_223 = arith.constant 0 : i32
      %dma_wait3A_224 = tpu.memref_slice %arg9[%dma_wait3A_221, %dma_wait3A_222, %dma_wait3A_223] : memref<2x128x128xf32, #tpu.memory_space<vmem>> -> memref<1x128x128xf32, #tpu.memory_space<vmem>>
      %dma_wait3A_225 = tpu.memref_squeeze %dma_wait3A_224 : memref<1x128x128xf32, #tpu.memory_space<vmem>> -> memref<128x128xf32, #tpu.memory_space<vmem>>
      %dma_wait3A_226 = arith.constant 0 : i32
      %dma_wait3A_227 = tpu.memref_slice %arg7[%rem3A_75, %dma_wait3A_220, %dma_wait3A_226] : memref<3x8x128xi32, #tpu.memory_space<vmem>> -> memref<1x1x128xi32, #tpu.memory_space<vmem>>
      %dma_wait3A_228 = tpu.memref_squeeze %dma_wait3A_227 : memref<1x1x128xi32, #tpu.memory_space<vmem>> -> memref<128xi32, #tpu.memory_space<vmem>>
      %dma_wait3A_229 = arith.constant 0 : i32
      %dma_wait3A_230 = arith.constant 0 : i32
      %dma_wait3A_231 = tpu.memref_slice %arg2[%dma_wait3A_229, %dma_wait3A_230] : memref<10000x128xf32, #tpu.memory_space<hbm>> -> memref<10000x128xf32, #tpu.memory_space<hbm>>
      tpu.wait_indirect_dma semaphore(%arg12 : memref<!tpu.dma_semaphore, #tpu.memory_space<semaphore_mem>>) src(%dma_wait3A_231 : memref<10000x128xf32, #tpu.memory_space<hbm>>) dst(%dma_wait3A_225 : memref<128x128xf32, #tpu.memory_space<vmem>>)
      %dma_start3A_232 = arith.constant 0 : i32
      %dma_start3A_233 = arith.constant 2 : i32
      %dma_start3A_234 = arith.constant 0 : i32
      %dma_start3A_235 = arith.constant 0 : i32
      %dma_start3A_236 = tpu.memref_slice %arg9[%dma_start3A_232, %dma_start3A_234, %dma_start3A_235] : memref<2x128x128xf32, #tpu.memory_space<vmem>> -> memref<1x128x128xf32, #tpu.memory_space<vmem>>
      %dma_start3A_237 = tpu.memref_squeeze %dma_start3A_236 : memref<1x128x128xf32, #tpu.memory_space<vmem>> -> memref<128x128xf32, #tpu.memory_space<vmem>>
      %dma_start3A_238 = arith.constant 0 : i32
      %dma_start3A_239 = tpu.memref_slice %arg8[%rem3A_75, %dma_start3A_233, %dma_start3A_238] : memref<3x8x128xi32, #tpu.memory_space<vmem>> -> memref<1x1x128xi32, #tpu.memory_space<vmem>>
      %dma_start3A_240 = tpu.memref_squeeze %dma_start3A_239 : memref<1x1x128xi32, #tpu.memory_space<vmem>> -> memref<128xi32, #tpu.memory_space<vmem>>
      %dma_start3A_241 = arith.constant 0 : i32
      %dma_start3A_242 = arith.constant 0 : i32
      %dma_start3A_243 = tpu.memref_slice %arg10[%dma_start3A_241, %dma_start3A_242] : memref<10128x128xf32, #tpu.memory_space<vmem_shared>> -> memref<10128x128xf32, #tpu.memory_space<vmem_shared>>
      tpu.enqueue_indirect_dma source(%dma_start3A_237 : memref<128x128xf32, #tpu.memory_space<vmem>>) target(%dma_start3A_243 : memref<10128x128xf32, #tpu.memory_space<vmem_shared>>) offsets(%dma_start3A_240 : memref<128xi32, #tpu.memory_space<vmem>>) semaphore(%arg13 : memref<!tpu.dma_semaphore, #tpu.memory_space<semaphore_mem>>) {add = true}
      %dma_wait3A_244 = arith.constant 1 : i32
      %dma_wait3A_245 = arith.constant 1 : i32
      %dma_wait3A_246 = arith.constant 0 : i32
      %dma_wait3A_247 = arith.constant 0 : i32
      %dma_wait3A_248 = tpu.memref_slice %arg9[%dma_wait3A_244, %dma_wait3A_246, %dma_wait3A_247] : memref<2x128x128xf32, #tpu.memory_space<vmem>> -> memref<1x128x128xf32, #tpu.memory_space<vmem>>
      %dma_wait3A_249 = tpu.memref_squeeze %dma_wait3A_248 : memref<1x128x128xf32, #tpu.memory_space<vmem>> -> memref<128x128xf32, #tpu.memory_space<vmem>>
      %dma_wait3A_250 = arith.constant 0 : i32
      %dma_wait3A_251 = tpu.memref_slice %arg8[%rem3A_75, %dma_wait3A_245, %dma_wait3A_250] : memref<3x8x128xi32, #tpu.memory_space<vmem>> -> memref<1x1x128xi32, #tpu.memory_space<vmem>>
      %dma_wait3A_252 = tpu.memref_squeeze %dma_wait3A_251 : memref<1x1x128xi32, #tpu.memory_space<vmem>> -> memref<128xi32, #tpu.memory_space<vmem>>
      %dma_wait3A_253 = arith.constant 0 : i32
      %dma_wait3A_254 = arith.constant 0 : i32
      %dma_wait3A_255 = tpu.memref_slice %arg10[%dma_wait3A_253, %dma_wait3A_254] : memref<10128x128xf32, #tpu.memory_space<vmem_shared>> -> memref<10128x128xf32, #tpu.memory_space<vmem_shared>>
      tpu.wait_indirect_dma semaphore(%arg14 : memref<!tpu.dma_semaphore, #tpu.memory_space<semaphore_mem>>) src(%dma_wait3A_249 : memref<128x128xf32, #tpu.memory_space<vmem>>) dst(%dma_wait3A_255 : memref<10128x128xf32, #tpu.memory_space<vmem_shared>>)
      %dma_start3A_256 = arith.constant 3 : i32
      %dma_start3A_257 = arith.constant 1 : i32
      %dma_start3A_258 = arith.constant 0 : i32
      %dma_start3A_259 = arith.constant 0 : i32
      %dma_start3A_260 = tpu.memref_slice %arg9[%dma_start3A_257, %dma_start3A_258, %dma_start3A_259] : memref<2x128x128xf32, #tpu.memory_space<vmem>> -> memref<1x128x128xf32, #tpu.memory_space<vmem>>
      %dma_start3A_261 = tpu.memref_squeeze %dma_start3A_260 : memref<1x128x128xf32, #tpu.memory_space<vmem>> -> memref<128x128xf32, #tpu.memory_space<vmem>>
      %dma_start3A_262 = arith.constant 0 : i32
      %dma_start3A_263 = tpu.memref_slice %arg7[%rem3A_75, %dma_start3A_256, %dma_start3A_262] : memref<3x8x128xi32, #tpu.memory_space<vmem>> -> memref<1x1x128xi32, #tpu.memory_space<vmem>>
      %dma_start3A_264 = tpu.memref_squeeze %dma_start3A_263 : memref<1x1x128xi32, #tpu.memory_space<vmem>> -> memref<128xi32, #tpu.memory_space<vmem>>
      %dma_start3A_265 = arith.constant 0 : i32
      %dma_start3A_266 = arith.constant 0 : i32
      %dma_start3A_267 = tpu.memref_slice %arg2[%dma_start3A_265, %dma_start3A_266] : memref<10000x128xf32, #tpu.memory_space<hbm>> -> memref<10000x128xf32, #tpu.memory_space<hbm>>
      tpu.enqueue_indirect_dma source(%dma_start3A_267 : memref<10000x128xf32, #tpu.memory_space<hbm>>) target(%dma_start3A_261 : memref<128x128xf32, #tpu.memory_space<vmem>>) offsets(%dma_start3A_264 : memref<128xi32, #tpu.memory_space<vmem>>) semaphore(%arg12 : memref<!tpu.dma_semaphore, #tpu.memory_space<semaphore_mem>>)
      %dma_wait3A_268 = arith.constant 3 : i32
      %dma_wait3A_269 = arith.constant 1 : i32
      %dma_wait3A_270 = arith.constant 0 : i32
      %dma_wait3A_271 = arith.constant 0 : i32
      %dma_wait3A_272 = tpu.memref_slice %arg9[%dma_wait3A_269, %dma_wait3A_270, %dma_wait3A_271] : memref<2x128x128xf32, #tpu.memory_space<vmem>> -> memref<1x128x128xf32, #tpu.memory_space<vmem>>
      %dma_wait3A_273 = tpu.memref_squeeze %dma_wait3A_272 : memref<1x128x128xf32, #tpu.memory_space<vmem>> -> memref<128x128xf32, #tpu.memory_space<vmem>>
      %dma_wait3A_274 = arith.constant 0 : i32
      %dma_wait3A_275 = tpu.memref_slice %arg7[%rem3A_75, %dma_wait3A_268, %dma_wait3A_274] : memref<3x8x128xi32, #tpu.memory_space<vmem>> -> memref<1x1x128xi32, #tpu.memory_space<vmem>>
      %dma_wait3A_276 = tpu.memref_squeeze %dma_wait3A_275 : memref<1x1x128xi32, #tpu.memory_space<vmem>> -> memref<128xi32, #tpu.memory_space<vmem>>
      %dma_wait3A_277 = arith.constant 0 : i32
      %dma_wait3A_278 = arith.constant 0 : i32
      %dma_wait3A_279 = tpu.memref_slice %arg2[%dma_wait3A_277, %dma_wait3A_278] : memref<10000x128xf32, #tpu.memory_space<hbm>> -> memref<10000x128xf32, #tpu.memory_space<hbm>>
      tpu.wait_indirect_dma semaphore(%arg12 : memref<!tpu.dma_semaphore, #tpu.memory_space<semaphore_mem>>) src(%dma_wait3A_279 : memref<10000x128xf32, #tpu.memory_space<hbm>>) dst(%dma_wait3A_273 : memref<128x128xf32, #tpu.memory_space<vmem>>)
      %dma_start3A_280 = arith.constant 1 : i32
      %dma_start3A_281 = arith.constant 3 : i32
      %dma_start3A_282 = arith.constant 0 : i32
      %dma_start3A_283 = arith.constant 0 : i32
      %dma_start3A_284 = tpu.memref_slice %arg9[%dma_start3A_280, %dma_start3A_282, %dma_start3A_283] : memref<2x128x128xf32, #tpu.memory_space<vmem>> -> memref<1x128x128xf32, #tpu.memory_space<vmem>>
      %dma_start3A_285 = tpu.memref_squeeze %dma_start3A_284 : memref<1x128x128xf32, #tpu.memory_space<vmem>> -> memref<128x128xf32, #tpu.memory_space<vmem>>
      %dma_start3A_286 = arith.constant 0 : i32
      %dma_start3A_287 = tpu.memref_slice %arg8[%rem3A_75, %dma_start3A_281, %dma_start3A_286] : memref<3x8x128xi32, #tpu.memory_space<vmem>> -> memref<1x1x128xi32, #tpu.memory_space<vmem>>
      %dma_start3A_288 = tpu.memref_squeeze %dma_start3A_287 : memref<1x1x128xi32, #tpu.memory_space<vmem>> -> memref<128xi32, #tpu.memory_space<vmem>>
      %dma_start3A_289 = arith.constant 0 : i32
      %dma_start3A_290 = arith.constant 0 : i32
      %dma_start3A_291 = tpu.memref_slice %arg10[%dma_start3A_289, %dma_start3A_290] : memref<10128x128xf32, #tpu.memory_space<vmem_shared>> -> memref<10128x128xf32, #tpu.memory_space<vmem_shared>>
      tpu.enqueue_indirect_dma source(%dma_start3A_285 : memref<128x128xf32, #tpu.memory_space<vmem>>) target(%dma_start3A_291 : memref<10128x128xf32, #tpu.memory_space<vmem_shared>>) offsets(%dma_start3A_288 : memref<128xi32, #tpu.memory_space<vmem>>) semaphore(%arg14 : memref<!tpu.dma_semaphore, #tpu.memory_space<semaphore_mem>>) {add = true}
      %dma_wait3A_292 = arith.constant 0 : i32
      %dma_wait3A_293 = arith.constant 2 : i32
      %dma_wait3A_294 = arith.constant 0 : i32
      %dma_wait3A_295 = arith.constant 0 : i32
      %dma_wait3A_296 = tpu.memref_slice %arg9[%dma_wait3A_292, %dma_wait3A_294, %dma_wait3A_295] : memref<2x128x128xf32, #tpu.memory_space<vmem>> -> memref<1x128x128xf32, #tpu.memory_space<vmem>>
      %dma_wait3A_297 = tpu.memref_squeeze %dma_wait3A_296 : memref<1x128x128xf32, #tpu.memory_space<vmem>> -> memref<128x128xf32, #tpu.memory_space<vmem>>
      %dma_wait3A_298 = arith.constant 0 : i32
      %dma_wait3A_299 = tpu.memref_slice %arg8[%rem3A_75, %dma_wait3A_293, %dma_wait3A_298] : memref<3x8x128xi32, #tpu.memory_space<vmem>> -> memref<1x1x128xi32, #tpu.memory_space<vmem>>
      %dma_wait3A_300 = tpu.memref_squeeze %dma_wait3A_299 : memref<1x1x128xi32, #tpu.memory_space<vmem>> -> memref<128xi32, #tpu.memory_space<vmem>>
      %dma_wait3A_301 = arith.constant 0 : i32
      %dma_wait3A_302 = arith.constant 0 : i32
      %dma_wait3A_303 = tpu.memref_slice %arg10[%dma_wait3A_301, %dma_wait3A_302] : memref<10128x128xf32, #tpu.memory_space<vmem_shared>> -> memref<10128x128xf32, #tpu.memory_space<vmem_shared>>
      tpu.wait_indirect_dma semaphore(%arg13 : memref<!tpu.dma_semaphore, #tpu.memory_space<semaphore_mem>>) src(%dma_wait3A_297 : memref<128x128xf32, #tpu.memory_space<vmem>>) dst(%dma_wait3A_303 : memref<10128x128xf32, #tpu.memory_space<vmem_shared>>)
      %dma_start3A_304 = arith.constant 4 : i32
      %dma_start3A_305 = arith.constant 0 : i32
      %dma_start3A_306 = arith.constant 0 : i32
      %dma_start3A_307 = arith.constant 0 : i32
      %dma_start3A_308 = tpu.memref_slice %arg9[%dma_start3A_305, %dma_start3A_306, %dma_start3A_307] : memref<2x128x128xf32, #tpu.memory_space<vmem>> -> memref<1x128x128xf32, #tpu.memory_space<vmem>>
      %dma_start3A_309 = tpu.memref_squeeze %dma_start3A_308 : memref<1x128x128xf32, #tpu.memory_space<vmem>> -> memref<128x128xf32, #tpu.memory_space<vmem>>
      %dma_start3A_310 = arith.constant 0 : i32
      %dma_start3A_311 = tpu.memref_slice %arg7[%rem3A_75, %dma_start3A_304, %dma_start3A_310] : memref<3x8x128xi32, #tpu.memory_space<vmem>> -> memref<1x1x128xi32, #tpu.memory_space<vmem>>
      %dma_start3A_312 = tpu.memref_squeeze %dma_start3A_311 : memref<1x1x128xi32, #tpu.memory_space<vmem>> -> memref<128xi32, #tpu.memory_space<vmem>>
      %dma_start3A_313 = arith.constant 0 : i32
      %dma_start3A_314 = arith.constant 0 : i32
      %dma_start3A_315 = tpu.memref_slice %arg2[%dma_start3A_313, %dma_start3A_314] : memref<10000x128xf32, #tpu.memory_space<hbm>> -> memref<10000x128xf32, #tpu.memory_space<hbm>>
      tpu.enqueue_indirect_dma source(%dma_start3A_315 : memref<10000x128xf32, #tpu.memory_space<hbm>>) target(%dma_start3A_309 : memref<128x128xf32, #tpu.memory_space<vmem>>) offsets(%dma_start3A_312 : memref<128xi32, #tpu.memory_space<vmem>>) semaphore(%arg12 : memref<!tpu.dma_semaphore, #tpu.memory_space<semaphore_mem>>)
      %dma_wait3A_316 = arith.constant 4 : i32
      %dma_wait3A_317 = arith.constant 0 : i32
      %dma_wait3A_318 = arith.constant 0 : i32
      %dma_wait3A_319 = arith.constant 0 : i32
      %dma_wait3A_320 = tpu.memref_slice %arg9[%dma_wait3A_317, %dma_wait3A_318, %dma_wait3A_319] : memref<2x128x128xf32, #tpu.memory_space<vmem>> -> memref<1x128x128xf32, #tpu.memory_space<vmem>>
      %dma_wait3A_321 = tpu.memref_squeeze %dma_wait3A_320 : memref<1x128x128xf32, #tpu.memory_space<vmem>> -> memref<128x128xf32, #tpu.memory_space<vmem>>
      %dma_wait3A_322 = arith.constant 0 : i32
      %dma_wait3A_323 = tpu.memref_slice %arg7[%rem3A_75, %dma_wait3A_316, %dma_wait3A_322] : memref<3x8x128xi32, #tpu.memory_space<vmem>> -> memref<1x1x128xi32, #tpu.memory_space<vmem>>
      %dma_wait3A_324 = tpu.memref_squeeze %dma_wait3A_323 : memref<1x1x128xi32, #tpu.memory_space<vmem>> -> memref<128xi32, #tpu.memory_space<vmem>>
      %dma_wait3A_325 = arith.constant 0 : i32
      %dma_wait3A_326 = arith.constant 0 : i32
      %dma_wait3A_327 = tpu.memref_slice %arg2[%dma_wait3A_325, %dma_wait3A_326] : memref<10000x128xf32, #tpu.memory_space<hbm>> -> memref<10000x128xf32, #tpu.memory_space<hbm>>
      tpu.wait_indirect_dma semaphore(%arg12 : memref<!tpu.dma_semaphore, #tpu.memory_space<semaphore_mem>>) src(%dma_wait3A_327 : memref<10000x128xf32, #tpu.memory_space<hbm>>) dst(%dma_wait3A_321 : memref<128x128xf32, #tpu.memory_space<vmem>>)
      %dma_start3A_328 = arith.constant 0 : i32
      %dma_start3A_329 = arith.constant 4 : i32
      %dma_start3A_330 = arith.constant 0 : i32
      %dma_start3A_331 = arith.constant 0 : i32
      %dma_start3A_332 = tpu.memref_slice %arg9[%dma_start3A_328, %dma_start3A_330, %dma_start3A_331] : memref<2x128x128xf32, #tpu.memory_space<vmem>> -> memref<1x128x128xf32, #tpu.memory_space<vmem>>
      %dma_start3A_333 = tpu.memref_squeeze %dma_start3A_332 : memref<1x128x128xf32, #tpu.memory_space<vmem>> -> memref<128x128xf32, #tpu.memory_space<vmem>>
      %dma_start3A_334 = arith.constant 0 : i32
      %dma_start3A_335 = tpu.memref_slice %arg8[%rem3A_75, %dma_start3A_329, %dma_start3A_334] : memref<3x8x128xi32, #tpu.memory_space<vmem>> -> memref<1x1x128xi32, #tpu.memory_space<vmem>>
      %dma_start3A_336 = tpu.memref_squeeze %dma_start3A_335 : memref<1x1x128xi32, #tpu.memory_space<vmem>> -> memref<128xi32, #tpu.memory_space<vmem>>
      %dma_start3A_337 = arith.constant 0 : i32
      %dma_start3A_338 = arith.constant 0 : i32
      %dma_start3A_339 = tpu.memref_slice %arg10[%dma_start3A_337, %dma_start3A_338] : memref<10128x128xf32, #tpu.memory_space<vmem_shared>> -> memref<10128x128xf32, #tpu.memory_space<vmem_shared>>
      tpu.enqueue_indirect_dma source(%dma_start3A_333 : memref<128x128xf32, #tpu.memory_space<vmem>>) target(%dma_start3A_339 : memref<10128x128xf32, #tpu.memory_space<vmem_shared>>) offsets(%dma_start3A_336 : memref<128xi32, #tpu.memory_space<vmem>>) semaphore(%arg13 : memref<!tpu.dma_semaphore, #tpu.memory_space<semaphore_mem>>) {add = true}
      %dma_wait3A_340 = arith.constant 1 : i32
      %dma_wait3A_341 = arith.constant 3 : i32
      %dma_wait3A_342 = arith.constant 0 : i32
      %dma_wait3A_343 = arith.constant 0 : i32
      %dma_wait3A_344 = tpu.memref_slice %arg9[%dma_wait3A_340, %dma_wait3A_342, %dma_wait3A_343] : memref<2x128x128xf32, #tpu.memory_space<vmem>> -> memref<1x128x128xf32, #tpu.memory_space<vmem>>
      %dma_wait3A_345 = tpu.memref_squeeze %dma_wait3A_344 : memref<1x128x128xf32, #tpu.memory_space<vmem>> -> memref<128x128xf32, #tpu.memory_space<vmem>>
      %dma_wait3A_346 = arith.constant 0 : i32
      %dma_wait3A_347 = tpu.memref_slice %arg8[%rem3A_75, %dma_wait3A_341, %dma_wait3A_346] : memref<3x8x128xi32, #tpu.memory_space<vmem>> -> memref<1x1x128xi32, #tpu.memory_space<vmem>>
      %dma_wait3A_348 = tpu.memref_squeeze %dma_wait3A_347 : memref<1x1x128xi32, #tpu.memory_space<vmem>> -> memref<128xi32, #tpu.memory_space<vmem>>
      %dma_wait3A_349 = arith.constant 0 : i32
      %dma_wait3A_350 = arith.constant 0 : i32
      %dma_wait3A_351 = tpu.memref_slice %arg10[%dma_wait3A_349, %dma_wait3A_350] : memref<10128x128xf32, #tpu.memory_space<vmem_shared>> -> memref<10128x128xf32, #tpu.memory_space<vmem_shared>>
      tpu.wait_indirect_dma semaphore(%arg14 : memref<!tpu.dma_semaphore, #tpu.memory_space<semaphore_mem>>) src(%dma_wait3A_345 : memref<128x128xf32, #tpu.memory_space<vmem>>) dst(%dma_wait3A_351 : memref<10128x128xf32, #tpu.memory_space<vmem_shared>>)
      %dma_start3A_352 = arith.constant 5 : i32
      %dma_start3A_353 = arith.constant 1 : i32
      %dma_start3A_354 = arith.constant 0 : i32
      %dma_start3A_355 = arith.constant 0 : i32
      %dma_start3A_356 = tpu.memref_slice %arg9[%dma_start3A_353, %dma_start3A_354, %dma_start3A_355] : memref<2x128x128xf32, #tpu.memory_space<vmem>> -> memref<1x128x128xf32, #tpu.memory_space<vmem>>
      %dma_start3A_357 = tpu.memref_squeeze %dma_start3A_356 : memref<1x128x128xf32, #tpu.memory_space<vmem>> -> memref<128x128xf32, #tpu.memory_space<vmem>>
      %dma_start3A_358 = arith.constant 0 : i32
      %dma_start3A_359 = tpu.memref_slice %arg7[%rem3A_75, %dma_start3A_352, %dma_start3A_358] : memref<3x8x128xi32, #tpu.memory_space<vmem>> -> memref<1x1x128xi32, #tpu.memory_space<vmem>>
      %dma_start3A_360 = tpu.memref_squeeze %dma_start3A_359 : memref<1x1x128xi32, #tpu.memory_space<vmem>> -> memref<128xi32, #tpu.memory_space<vmem>>
      %dma_start3A_361 = arith.constant 0 : i32
      %dma_start3A_362 = arith.constant 0 : i32
      %dma_start3A_363 = tpu.memref_slice %arg2[%dma_start3A_361, %dma_start3A_362] : memref<10000x128xf32, #tpu.memory_space<hbm>> -> memref<10000x128xf32, #tpu.memory_space<hbm>>
      tpu.enqueue_indirect_dma source(%dma_start3A_363 : memref<10000x128xf32, #tpu.memory_space<hbm>>) target(%dma_start3A_357 : memref<128x128xf32, #tpu.memory_space<vmem>>) offsets(%dma_start3A_360 : memref<128xi32, #tpu.memory_space<vmem>>) semaphore(%arg12 : memref<!tpu.dma_semaphore, #tpu.memory_space<semaphore_mem>>)
      %dma_wait3A_364 = arith.constant 5 : i32
      %dma_wait3A_365 = arith.constant 1 : i32
      %dma_wait3A_366 = arith.constant 0 : i32
      %dma_wait3A_367 = arith.constant 0 : i32
      %dma_wait3A_368 = tpu.memref_slice %arg9[%dma_wait3A_365, %dma_wait3A_366, %dma_wait3A_367] : memref<2x128x128xf32, #tpu.memory_space<vmem>> -> memref<1x128x128xf32, #tpu.memory_space<vmem>>
      %dma_wait3A_369 = tpu.memref_squeeze %dma_wait3A_368 : memref<1x128x128xf32, #tpu.memory_space<vmem>> -> memref<128x128xf32, #tpu.memory_space<vmem>>
      %dma_wait3A_370 = arith.constant 0 : i32
      %dma_wait3A_371 = tpu.memref_slice %arg7[%rem3A_75, %dma_wait3A_364, %dma_wait3A_370] : memref<3x8x128xi32, #tpu.memory_space<vmem>> -> memref<1x1x128xi32, #tpu.memory_space<vmem>>
      %dma_wait3A_372 = tpu.memref_squeeze %dma_wait3A_371 : memref<1x1x128xi32, #tpu.memory_space<vmem>> -> memref<128xi32, #tpu.memory_space<vmem>>
      %dma_wait3A_373 = arith.constant 0 : i32
      %dma_wait3A_374 = arith.constant 0 : i32
      %dma_wait3A_375 = tpu.memref_slice %arg2[%dma_wait3A_373, %dma_wait3A_374] : memref<10000x128xf32, #tpu.memory_space<hbm>> -> memref<10000x128xf32, #tpu.memory_space<hbm>>
      tpu.wait_indirect_dma semaphore(%arg12 : memref<!tpu.dma_semaphore, #tpu.memory_space<semaphore_mem>>) src(%dma_wait3A_375 : memref<10000x128xf32, #tpu.memory_space<hbm>>) dst(%dma_wait3A_369 : memref<128x128xf32, #tpu.memory_space<vmem>>)
      %dma_start3A_376 = arith.constant 1 : i32
      %dma_start3A_377 = arith.constant 5 : i32
      %dma_start3A_378 = arith.constant 0 : i32
      %dma_start3A_379 = arith.constant 0 : i32
      %dma_start3A_380 = tpu.memref_slice %arg9[%dma_start3A_376, %dma_start3A_378, %dma_start3A_379] : memref<2x128x128xf32, #tpu.memory_space<vmem>> -> memref<1x128x128xf32, #tpu.memory_space<vmem>>
      %dma_start3A_381 = tpu.memref_squeeze %dma_start3A_380 : memref<1x128x128xf32, #tpu.memory_space<vmem>> -> memref<128x128xf32, #tpu.memory_space<vmem>>
      %dma_start3A_382 = arith.constant 0 : i32
      %dma_start3A_383 = tpu.memref_slice %arg8[%rem3A_75, %dma_start3A_377, %dma_start3A_382] : memref<3x8x128xi32, #tpu.memory_space<vmem>> -> memref<1x1x128xi32, #tpu.memory_space<vmem>>
      %dma_start3A_384 = tpu.memref_squeeze %dma_start3A_383 : memref<1x1x128xi32, #tpu.memory_space<vmem>> -> memref<128xi32, #tpu.memory_space<vmem>>
      %dma_start3A_385 = arith.constant 0 : i32
      %dma_start3A_386 = arith.constant 0 : i32
      %dma_start3A_387 = tpu.memref_slice %arg10[%dma_start3A_385, %dma_start3A_386] : memref<10128x128xf32, #tpu.memory_space<vmem_shared>> -> memref<10128x128xf32, #tpu.memory_space<vmem_shared>>
      tpu.enqueue_indirect_dma source(%dma_start3A_381 : memref<128x128xf32, #tpu.memory_space<vmem>>) target(%dma_start3A_387 : memref<10128x128xf32, #tpu.memory_space<vmem_shared>>) offsets(%dma_start3A_384 : memref<128xi32, #tpu.memory_space<vmem>>) semaphore(%arg14 : memref<!tpu.dma_semaphore, #tpu.memory_space<semaphore_mem>>) {add = true}
      %dma_wait3A_388 = arith.constant 0 : i32
      %dma_wait3A_389 = arith.constant 4 : i32
      %dma_wait3A_390 = arith.constant 0 : i32
      %dma_wait3A_391 = arith.constant 0 : i32
      %dma_wait3A_392 = tpu.memref_slice %arg9[%dma_wait3A_388, %dma_wait3A_390, %dma_wait3A_391] : memref<2x128x128xf32, #tpu.memory_space<vmem>> -> memref<1x128x128xf32, #tpu.memory_space<vmem>>
      %dma_wait3A_393 = tpu.memref_squeeze %dma_wait3A_392 : memref<1x128x128xf32, #tpu.memory_space<vmem>> -> memref<128x128xf32, #tpu.memory_space<vmem>>
      %dma_wait3A_394 = arith.constant 0 : i32
      %dma_wait3A_395 = tpu.memref_slice %arg8[%rem3A_75, %dma_wait3A_389, %dma_wait3A_394] : memref<3x8x128xi32, #tpu.memory_space<vmem>> -> memref<1x1x128xi32, #tpu.memory_space<vmem>>
      %dma_wait3A_396 = tpu.memref_squeeze %dma_wait3A_395 : memref<1x1x128xi32, #tpu.memory_space<vmem>> -> memref<128xi32, #tpu.memory_space<vmem>>
      %dma_wait3A_397 = arith.constant 0 : i32
      %dma_wait3A_398 = arith.constant 0 : i32
      %dma_wait3A_399 = tpu.memref_slice %arg10[%dma_wait3A_397, %dma_wait3A_398] : memref<10128x128xf32, #tpu.memory_space<vmem_shared>> -> memref<10128x128xf32, #tpu.memory_space<vmem_shared>>
      tpu.wait_indirect_dma semaphore(%arg13 : memref<!tpu.dma_semaphore, #tpu.memory_space<semaphore_mem>>) src(%dma_wait3A_393 : memref<128x128xf32, #tpu.memory_space<vmem>>) dst(%dma_wait3A_399 : memref<10128x128xf32, #tpu.memory_space<vmem_shared>>)
      %dma_start3A_400 = arith.constant 6 : i32
      %dma_start3A_401 = arith.constant 0 : i32
      %dma_start3A_402 = arith.constant 0 : i32
      %dma_start3A_403 = arith.constant 0 : i32
      %dma_start3A_404 = tpu.memref_slice %arg9[%dma_start3A_401, %dma_start3A_402, %dma_start3A_403] : memref<2x128x128xf32, #tpu.memory_space<vmem>> -> memref<1x128x128xf32, #tpu.memory_space<vmem>>
      %dma_start3A_405 = tpu.memref_squeeze %dma_start3A_404 : memref<1x128x128xf32, #tpu.memory_space<vmem>> -> memref<128x128xf32, #tpu.memory_space<vmem>>
      %dma_start3A_406 = arith.constant 0 : i32
      %dma_start3A_407 = tpu.memref_slice %arg7[%rem3A_75, %dma_start3A_400, %dma_start3A_406] : memref<3x8x128xi32, #tpu.memory_space<vmem>> -> memref<1x1x128xi32, #tpu.memory_space<vmem>>
      %dma_start3A_408 = tpu.memref_squeeze %dma_start3A_407 : memref<1x1x128xi32, #tpu.memory_space<vmem>> -> memref<128xi32, #tpu.memory_space<vmem>>
      %dma_start3A_409 = arith.constant 0 : i32
      %dma_start3A_410 = arith.constant 0 : i32
      %dma_start3A_411 = tpu.memref_slice %arg2[%dma_start3A_409, %dma_start3A_410] : memref<10000x128xf32, #tpu.memory_space<hbm>> -> memref<10000x128xf32, #tpu.memory_space<hbm>>
      tpu.enqueue_indirect_dma source(%dma_start3A_411 : memref<10000x128xf32, #tpu.memory_space<hbm>>) target(%dma_start3A_405 : memref<128x128xf32, #tpu.memory_space<vmem>>) offsets(%dma_start3A_408 : memref<128xi32, #tpu.memory_space<vmem>>) semaphore(%arg12 : memref<!tpu.dma_semaphore, #tpu.memory_space<semaphore_mem>>)
      %dma_wait3A_412 = arith.constant 6 : i32
      %dma_wait3A_413 = arith.constant 0 : i32
      %dma_wait3A_414 = arith.constant 0 : i32
      %dma_wait3A_415 = arith.constant 0 : i32
      %dma_wait3A_416 = tpu.memref_slice %arg9[%dma_wait3A_413, %dma_wait3A_414, %dma_wait3A_415] : memref<2x128x128xf32, #tpu.memory_space<vmem>> -> memref<1x128x128xf32, #tpu.memory_space<vmem>>
      %dma_wait3A_417 = tpu.memref_squeeze %dma_wait3A_416 : memref<1x128x128xf32, #tpu.memory_space<vmem>> -> memref<128x128xf32, #tpu.memory_space<vmem>>
      %dma_wait3A_418 = arith.constant 0 : i32
      %dma_wait3A_419 = tpu.memref_slice %arg7[%rem3A_75, %dma_wait3A_412, %dma_wait3A_418] : memref<3x8x128xi32, #tpu.memory_space<vmem>> -> memref<1x1x128xi32, #tpu.memory_space<vmem>>
      %dma_wait3A_420 = tpu.memref_squeeze %dma_wait3A_419 : memref<1x1x128xi32, #tpu.memory_space<vmem>> -> memref<128xi32, #tpu.memory_space<vmem>>
      %dma_wait3A_421 = arith.constant 0 : i32
      %dma_wait3A_422 = arith.constant 0 : i32
      %dma_wait3A_423 = tpu.memref_slice %arg2[%dma_wait3A_421, %dma_wait3A_422] : memref<10000x128xf32, #tpu.memory_space<hbm>> -> memref<10000x128xf32, #tpu.memory_space<hbm>>
      tpu.wait_indirect_dma semaphore(%arg12 : memref<!tpu.dma_semaphore, #tpu.memory_space<semaphore_mem>>) src(%dma_wait3A_423 : memref<10000x128xf32, #tpu.memory_space<hbm>>) dst(%dma_wait3A_417 : memref<128x128xf32, #tpu.memory_space<vmem>>)
      %dma_start3A_424 = arith.constant 0 : i32
      %dma_start3A_425 = arith.constant 6 : i32
      %dma_start3A_426 = arith.constant 0 : i32
      %dma_start3A_427 = arith.constant 0 : i32
      %dma_start3A_428 = tpu.memref_slice %arg9[%dma_start3A_424, %dma_start3A_426, %dma_start3A_427] : memref<2x128x128xf32, #tpu.memory_space<vmem>> -> memref<1x128x128xf32, #tpu.memory_space<vmem>>
      %dma_start3A_429 = tpu.memref_squeeze %dma_start3A_428 : memref<1x128x128xf32, #tpu.memory_space<vmem>> -> memref<128x128xf32, #tpu.memory_space<vmem>>
      %dma_start3A_430 = arith.constant 0 : i32
      %dma_start3A_431 = tpu.memref_slice %arg8[%rem3A_75, %dma_start3A_425, %dma_start3A_430] : memref<3x8x128xi32, #tpu.memory_space<vmem>> -> memref<1x1x128xi32, #tpu.memory_space<vmem>>
      %dma_start3A_432 = tpu.memref_squeeze %dma_start3A_431 : memref<1x1x128xi32, #tpu.memory_space<vmem>> -> memref<128xi32, #tpu.memory_space<vmem>>
      %dma_start3A_433 = arith.constant 0 : i32
      %dma_start3A_434 = arith.constant 0 : i32
      %dma_start3A_435 = tpu.memref_slice %arg10[%dma_start3A_433, %dma_start3A_434] : memref<10128x128xf32, #tpu.memory_space<vmem_shared>> -> memref<10128x128xf32, #tpu.memory_space<vmem_shared>>
      tpu.enqueue_indirect_dma source(%dma_start3A_429 : memref<128x128xf32, #tpu.memory_space<vmem>>) target(%dma_start3A_435 : memref<10128x128xf32, #tpu.memory_space<vmem_shared>>) offsets(%dma_start3A_432 : memref<128xi32, #tpu.memory_space<vmem>>) semaphore(%arg13 : memref<!tpu.dma_semaphore, #tpu.memory_space<semaphore_mem>>) {add = true}
      %dma_wait3A_436 = arith.constant 1 : i32
      %dma_wait3A_437 = arith.constant 5 : i32
      %dma_wait3A_438 = arith.constant 0 : i32
      %dma_wait3A_439 = arith.constant 0 : i32
      %dma_wait3A_440 = tpu.memref_slice %arg9[%dma_wait3A_436, %dma_wait3A_438, %dma_wait3A_439] : memref<2x128x128xf32, #tpu.memory_space<vmem>> -> memref<1x128x128xf32, #tpu.memory_space<vmem>>
      %dma_wait3A_441 = tpu.memref_squeeze %dma_wait3A_440 : memref<1x128x128xf32, #tpu.memory_space<vmem>> -> memref<128x128xf32, #tpu.memory_space<vmem>>
      %dma_wait3A_442 = arith.constant 0 : i32
      %dma_wait3A_443 = tpu.memref_slice %arg8[%rem3A_75, %dma_wait3A_437, %dma_wait3A_442] : memref<3x8x128xi32, #tpu.memory_space<vmem>> -> memref<1x1x128xi32, #tpu.memory_space<vmem>>
      %dma_wait3A_444 = tpu.memref_squeeze %dma_wait3A_443 : memref<1x1x128xi32, #tpu.memory_space<vmem>> -> memref<128xi32, #tpu.memory_space<vmem>>
      %dma_wait3A_445 = arith.constant 0 : i32
      %dma_wait3A_446 = arith.constant 0 : i32
      %dma_wait3A_447 = tpu.memref_slice %arg10[%dma_wait3A_445, %dma_wait3A_446] : memref<10128x128xf32, #tpu.memory_space<vmem_shared>> -> memref<10128x128xf32, #tpu.memory_space<vmem_shared>>
      tpu.wait_indirect_dma semaphore(%arg14 : memref<!tpu.dma_semaphore, #tpu.memory_space<semaphore_mem>>) src(%dma_wait3A_441 : memref<128x128xf32, #tpu.memory_space<vmem>>) dst(%dma_wait3A_447 : memref<10128x128xf32, #tpu.memory_space<vmem_shared>>)
      %dma_start3A_448 = arith.constant 7 : i32
      %dma_start3A_449 = arith.constant 1 : i32
      %dma_start3A_450 = arith.constant 0 : i32
      %dma_start3A_451 = arith.constant 0 : i32
      %dma_start3A_452 = tpu.memref_slice %arg9[%dma_start3A_449, %dma_start3A_450, %dma_start3A_451] : memref<2x128x128xf32, #tpu.memory_space<vmem>> -> memref<1x128x128xf32, #tpu.memory_space<vmem>>
      %dma_start3A_453 = tpu.memref_squeeze %dma_start3A_452 : memref<1x128x128xf32, #tpu.memory_space<vmem>> -> memref<128x128xf32, #tpu.memory_space<vmem>>
      %dma_start3A_454 = arith.constant 0 : i32
      %dma_start3A_455 = tpu.memref_slice %arg7[%rem3A_75, %dma_start3A_448, %dma_start3A_454] : memref<3x8x128xi32, #tpu.memory_space<vmem>> -> memref<1x1x128xi32, #tpu.memory_space<vmem>>
      %dma_start3A_456 = tpu.memref_squeeze %dma_start3A_455 : memref<1x1x128xi32, #tpu.memory_space<vmem>> -> memref<128xi32, #tpu.memory_space<vmem>>
      %dma_start3A_457 = arith.constant 0 : i32
      %dma_start3A_458 = arith.constant 0 : i32
      %dma_start3A_459 = tpu.memref_slice %arg2[%dma_start3A_457, %dma_start3A_458] : memref<10000x128xf32, #tpu.memory_space<hbm>> -> memref<10000x128xf32, #tpu.memory_space<hbm>>
      tpu.enqueue_indirect_dma source(%dma_start3A_459 : memref<10000x128xf32, #tpu.memory_space<hbm>>) target(%dma_start3A_453 : memref<128x128xf32, #tpu.memory_space<vmem>>) offsets(%dma_start3A_456 : memref<128xi32, #tpu.memory_space<vmem>>) semaphore(%arg12 : memref<!tpu.dma_semaphore, #tpu.memory_space<semaphore_mem>>)
      %dma_wait3A_460 = arith.constant 7 : i32
      %dma_wait3A_461 = arith.constant 1 : i32
      %dma_wait3A_462 = arith.constant 0 : i32
      %dma_wait3A_463 = arith.constant 0 : i32
      %dma_wait3A_464 = tpu.memref_slice %arg9[%dma_wait3A_461, %dma_wait3A_462, %dma_wait3A_463] : memref<2x128x128xf32, #tpu.memory_space<vmem>> -> memref<1x128x128xf32, #tpu.memory_space<vmem>>
      %dma_wait3A_465 = tpu.memref_squeeze %dma_wait3A_464 : memref<1x128x128xf32, #tpu.memory_space<vmem>> -> memref<128x128xf32, #tpu.memory_space<vmem>>
      %dma_wait3A_466 = arith.constant 0 : i32
      %dma_wait3A_467 = tpu.memref_slice %arg7[%rem3A_75, %dma_wait3A_460, %dma_wait3A_466] : memref<3x8x128xi32, #tpu.memory_space<vmem>> -> memref<1x1x128xi32, #tpu.memory_space<vmem>>
      %dma_wait3A_468 = tpu.memref_squeeze %dma_wait3A_467 : memref<1x1x128xi32, #tpu.memory_space<vmem>> -> memref<128xi32, #tpu.memory_space<vmem>>
      %dma_wait3A_469 = arith.constant 0 : i32
      %dma_wait3A_470 = arith.constant 0 : i32
      %dma_wait3A_471 = tpu.memref_slice %arg2[%dma_wait3A_469, %dma_wait3A_470] : memref<10000x128xf32, #tpu.memory_space<hbm>> -> memref<10000x128xf32, #tpu.memory_space<hbm>>
      tpu.wait_indirect_dma semaphore(%arg12 : memref<!tpu.dma_semaphore, #tpu.memory_space<semaphore_mem>>) src(%dma_wait3A_471 : memref<10000x128xf32, #tpu.memory_space<hbm>>) dst(%dma_wait3A_465 : memref<128x128xf32, #tpu.memory_space<vmem>>)
      %dma_start3A_472 = arith.constant 1 : i32
      %dma_start3A_473 = arith.constant 7 : i32
      %dma_start3A_474 = arith.constant 0 : i32
      %dma_start3A_475 = arith.constant 0 : i32
      %dma_start3A_476 = tpu.memref_slice %arg9[%dma_start3A_472, %dma_start3A_474, %dma_start3A_475] : memref<2x128x128xf32, #tpu.memory_space<vmem>> -> memref<1x128x128xf32, #tpu.memory_space<vmem>>
      %dma_start3A_477 = tpu.memref_squeeze %dma_start3A_476 : memref<1x128x128xf32, #tpu.memory_space<vmem>> -> memref<128x128xf32, #tpu.memory_space<vmem>>
      %dma_start3A_478 = arith.constant 0 : i32
      %dma_start3A_479 = tpu.memref_slice %arg8[%rem3A_75, %dma_start3A_473, %dma_start3A_478] : memref<3x8x128xi32, #tpu.memory_space<vmem>> -> memref<1x1x128xi32, #tpu.memory_space<vmem>>
      %dma_start3A_480 = tpu.memref_squeeze %dma_start3A_479 : memref<1x1x128xi32, #tpu.memory_space<vmem>> -> memref<128xi32, #tpu.memory_space<vmem>>
      %dma_start3A_481 = arith.constant 0 : i32
      %dma_start3A_482 = arith.constant 0 : i32
      %dma_start3A_483 = tpu.memref_slice %arg10[%dma_start3A_481, %dma_start3A_482] : memref<10128x128xf32, #tpu.memory_space<vmem_shared>> -> memref<10128x128xf32, #tpu.memory_space<vmem_shared>>
      tpu.enqueue_indirect_dma source(%dma_start3A_477 : memref<128x128xf32, #tpu.memory_space<vmem>>) target(%dma_start3A_483 : memref<10128x128xf32, #tpu.memory_space<vmem_shared>>) offsets(%dma_start3A_480 : memref<128xi32, #tpu.memory_space<vmem>>) semaphore(%arg14 : memref<!tpu.dma_semaphore, #tpu.memory_space<semaphore_mem>>) {add = true}
    }
    %scan3A_37 = arith.constant 10 : i32
    %dma_wait3A = arith.constant 0 : i32
    %dma_wait3A_38 = arith.constant 0 : i32
    %dma_wait3A_39 = arith.constant 6 : i32
    %dma_wait3A_40 = arith.constant 0 : i32
    %dma_wait3A_41 = arith.constant 0 : i32
    %dma_wait3A_42 = tpu.memref_slice %arg9[%dma_wait3A, %dma_wait3A_40, %dma_wait3A_41] : memref<2x128x128xf32, #tpu.memory_space<vmem>> -> memref<1x128x128xf32, #tpu.memory_space<vmem>>
    %dma_wait3A_43 = tpu.memref_squeeze %dma_wait3A_42 : memref<1x128x128xf32, #tpu.memory_space<vmem>> -> memref<128x128xf32, #tpu.memory_space<vmem>>
    %dma_wait3A_44 = arith.constant 0 : i32
    %dma_wait3A_45 = tpu.memref_slice %arg8[%dma_wait3A_38, %dma_wait3A_39, %dma_wait3A_44] : memref<3x8x128xi32, #tpu.memory_space<vmem>> -> memref<1x1x128xi32, #tpu.memory_space<vmem>>
    %dma_wait3A_46 = tpu.memref_squeeze %dma_wait3A_45 : memref<1x1x128xi32, #tpu.memory_space<vmem>> -> memref<128xi32, #tpu.memory_space<vmem>>
    %dma_wait3A_47 = arith.constant 0 : i32
    %dma_wait3A_48 = arith.constant 0 : i32
    %dma_wait3A_49 = tpu.memref_slice %arg10[%dma_wait3A_47, %dma_wait3A_48] : memref<10128x128xf32, #tpu.memory_space<vmem_shared>> -> memref<10128x128xf32, #tpu.memory_space<vmem_shared>>
    tpu.wait_indirect_dma semaphore(%arg13 : memref<!tpu.dma_semaphore, #tpu.memory_space<semaphore_mem>>) src(%dma_wait3A_43 : memref<128x128xf32, #tpu.memory_space<vmem>>) dst(%dma_wait3A_49 : memref<10128x128xf32, #tpu.memory_space<vmem_shared>>)
    %dma_wait3A_50 = arith.constant 1 : i32
    %dma_wait3A_51 = arith.constant 0 : i32
    %dma_wait3A_52 = arith.constant 7 : i32
    %dma_wait3A_53 = arith.constant 0 : i32
    %dma_wait3A_54 = arith.constant 0 : i32
    %dma_wait3A_55 = tpu.memref_slice %arg9[%dma_wait3A_50, %dma_wait3A_53, %dma_wait3A_54] : memref<2x128x128xf32, #tpu.memory_space<vmem>> -> memref<1x128x128xf32, #tpu.memory_space<vmem>>
    %dma_wait3A_56 = tpu.memref_squeeze %dma_wait3A_55 : memref<1x128x128xf32, #tpu.memory_space<vmem>> -> memref<128x128xf32, #tpu.memory_space<vmem>>
    %dma_wait3A_57 = arith.constant 0 : i32
    %dma_wait3A_58 = tpu.memref_slice %arg8[%dma_wait3A_51, %dma_wait3A_52, %dma_wait3A_57] : memref<3x8x128xi32, #tpu.memory_space<vmem>> -> memref<1x1x128xi32, #tpu.memory_space<vmem>>
    %dma_wait3A_59 = tpu.memref_squeeze %dma_wait3A_58 : memref<1x1x128xi32, #tpu.memory_space<vmem>> -> memref<128xi32, #tpu.memory_space<vmem>>
    %dma_wait3A_60 = arith.constant 0 : i32
    %dma_wait3A_61 = arith.constant 0 : i32
    %dma_wait3A_62 = tpu.memref_slice %arg10[%dma_wait3A_60, %dma_wait3A_61] : memref<10128x128xf32, #tpu.memory_space<vmem_shared>> -> memref<10128x128xf32, #tpu.memory_space<vmem_shared>>
    tpu.wait_indirect_dma semaphore(%arg14 : memref<!tpu.dma_semaphore, #tpu.memory_space<semaphore_mem>>) src(%dma_wait3A_56 : memref<128x128xf32, #tpu.memory_space<vmem>>) dst(%dma_wait3A_62 : memref<10128x128xf32, #tpu.memory_space<vmem_shared>>)
    %barrier3A_63 = arith.constant 0 : index
    tpu.barrier barrier_id(%barrier3A_63)
    "tpu.region"() ({
      %run_scoped3A = tpu.sem_alloc : memref<!tpu.dma_semaphore, #tpu.memory_space<semaphore_mem>>
      %dma_start3A_69 = arith.constant 0 : i32
      %dma_start3A_70 = tpu.memref_slice %arg6[%arg0, %mul3A_0, %dma_start3A_69] : memref<2x10000x128xf32, #tpu.memory_space<hbm>> -> memref<1x624x128xf32, #tpu.memory_space<hbm>>
      %dma_start3A_71 = tpu.memref_squeeze %dma_start3A_70 : memref<1x624x128xf32, #tpu.memory_space<hbm>> -> memref<624x128xf32, #tpu.memory_space<hbm>>
      %dma_start3A_72 = arith.constant 0 : i32
      %dma_start3A_73 = tpu.memref_slice %arg10[%mul3A_0, %dma_start3A_72] : memref<10128x128xf32, #tpu.memory_space<vmem_shared>> -> memref<624x128xf32, #tpu.memory_space<vmem_shared>>
      tpu.enqueue_dma source(%dma_start3A_73 : memref<624x128xf32, #tpu.memory_space<vmem_shared>>) target(%dma_start3A_71 : memref<624x128xf32, #tpu.memory_space<hbm>>) target_semaphore(%run_scoped3A : memref<!tpu.dma_semaphore, #tpu.memory_space<semaphore_mem>>)
      %dma_wait3A_74 = arith.constant 0 : i32
      %dma_wait3A_75 = tpu.memref_slice %arg6[%arg0, %mul3A_0, %dma_wait3A_74] : memref<2x10000x128xf32, #tpu.memory_space<hbm>> -> memref<1x624x128xf32, #tpu.memory_space<hbm>>
      %dma_wait3A_76 = tpu.memref_squeeze %dma_wait3A_75 : memref<1x624x128xf32, #tpu.memory_space<hbm>> -> memref<624x128xf32, #tpu.memory_space<hbm>>
      %dma_wait3A_77 = arith.constant 0 : i32
      %dma_wait3A_78 = tpu.memref_slice %arg10[%mul3A_0, %dma_wait3A_77] : memref<10128x128xf32, #tpu.memory_space<vmem_shared>> -> memref<624x128xf32, #tpu.memory_space<vmem_shared>>
      tpu.wait_dma2 semaphore(%run_scoped3A : memref<!tpu.dma_semaphore, #tpu.memory_space<semaphore_mem>>) src(%dma_wait3A_78 : memref<624x128xf32, #tpu.memory_space<vmem_shared>>) dst(%dma_wait3A_76 : memref<624x128xf32, #tpu.memory_space<hbm>>)
      tpu.yield
    }) : () -> ()
    %eq3A_64 = arith.constant 0 : i32
    %eq3A_65 = arith.cmpi eq, %arg1, %eq3A_64 : i32
    %convert_element_type3A_66 = arith.extui %eq3A_65 : i1 to i32
    %cond3A_67 = arith.constant 0 : i32
    %cond3A_68 = arith.cmpi ne, %convert_element_type3A_66, %cond3A_67 : i32
    scf.if %cond3A_68 {
      "tpu.region"() ({
        %run_scoped3A = tpu.sem_alloc : memref<!tpu.dma_semaphore, #tpu.memory_space<semaphore_mem>>
        %dma_start3A_69 = arith.constant 9984 : i32
        %dma_start3A_70 = arith.constant 0 : i32
        %dma_start3A_71 = tpu.memref_slice %arg6[%arg0, %dma_start3A_69, %dma_start3A_70] : memref<2x10000x128xf32, #tpu.memory_space<hbm>> -> memref<1x16x128xf32, #tpu.memory_space<hbm>>
        %dma_start3A_72 = tpu.memref_squeeze %dma_start3A_71 : memref<1x16x128xf32, #tpu.memory_space<hbm>> -> memref<16x128xf32, #tpu.memory_space<hbm>>
        %dma_start3A_73 = arith.constant 9984 : i32
        %dma_start3A_74 = arith.constant 0 : i32
        %dma_start3A_75 = tpu.memref_slice %arg10[%dma_start3A_73, %dma_start3A_74] : memref<10128x128xf32, #tpu.memory_space<vmem_shared>> -> memref<16x128xf32, #tpu.memory_space<vmem_shared>>
        tpu.enqueue_dma source(%dma_start3A_75 : memref<16x128xf32, #tpu.memory_space<vmem_shared>>) target(%dma_start3A_72 : memref<16x128xf32, #tpu.memory_space<hbm>>) target_semaphore(%run_scoped3A : memref<!tpu.dma_semaphore, #tpu.memory_space<semaphore_mem>>)
        %dma_wait3A_76 = arith.constant 9984 : i32
        %dma_wait3A_77 = arith.constant 0 : i32
        %dma_wait3A_78 = tpu.memref_slice %arg6[%arg0, %dma_wait3A_76, %dma_wait3A_77] : memref<2x10000x128xf32, #tpu.memory_space<hbm>> -> memref<1x16x128xf32, #tpu.memory_space<hbm>>
        %dma_wait3A_79 = tpu.memref_squeeze %dma_wait3A_78 : memref<1x16x128xf32, #tpu.memory_space<hbm>> -> memref<16x128xf32, #tpu.memory_space<hbm>>
        %dma_wait3A_80 = arith.constant 9984 : i32
        %dma_wait3A_81 = arith.constant 0 : i32
        %dma_wait3A_82 = tpu.memref_slice %arg10[%dma_wait3A_80, %dma_wait3A_81] : memref<10128x128xf32, #tpu.memory_space<vmem_shared>> -> memref<16x128xf32, #tpu.memory_space<vmem_shared>>
        tpu.wait_dma2 semaphore(%run_scoped3A : memref<!tpu.dma_semaphore, #tpu.memory_space<semaphore_mem>>) src(%dma_wait3A_82 : memref<16x128xf32, #tpu.memory_space<vmem_shared>>) dst(%dma_wait3A_79 : memref<16x128xf32, #tpu.memory_space<hbm>>)
        tpu.yield
      }) : () -> ()
    } else {
    }
    return
  }
}

#map = affine_map<(d0, d1) -> (0, 0)>
#map1 = affine_map<(d0, d1) -> (0, 0, 0)>
module attributes {stable_mosaic.version = 14 : i64} {
  func.func @_agg_body(%arg0: i32, %arg1: i32, %arg2: memref<10000x128xf32, #tpu.memory_space<hbm>>, %arg3: memref<2560x128xi32, #tpu.memory_space<hbm>>, %arg4: memref<2560x128xi32, #tpu.memory_space<hbm>>, %arg5: memref<10128x128xf32, #tpu.memory_space<hbm>>, %arg6: memref<2x10000x128xf32, #tpu.memory_space<hbm>>, %arg7: memref<3x8x128xi32, #tpu.memory_space<vmem>>, %arg8: memref<3x8x128xi32, #tpu.memory_space<vmem>>, %arg9: memref<2x128x128xf32, #tpu.memory_space<vmem>>, %arg10: memref<10128x128xf32, #tpu.memory_space<vmem_shared>>, %arg11: memref<!tpu.dma_semaphore, #tpu.memory_space<semaphore_mem>>, %arg12: memref<!tpu.dma_semaphore, #tpu.memory_space<semaphore_mem>>, %arg13: memref<!tpu.dma_semaphore, #tpu.memory_space<semaphore_mem>>, %arg14: memref<!tpu.dma_semaphore, #tpu.memory_space<semaphore_mem>>) attributes {dimension_semantics = [#tpu.dimension_semantics<core_parallel>, #tpu.dimension_semantics<subcore_parallel>], iteration_bounds = array<i64: 2, 16>, scalar_prefetch = 0 : i64, scratch_operands = 8 : i64, tpu.core_type = #tpu.core_type<sc_vector_subcore>, window_params = [{transform_indices = #map}, {transform_indices = #map}, {transform_indices = #map}, {transform_indices = #map}, {transform_indices = #map1}]} {
    %mul3A = arith.constant 624 : i32
    %mul3A_0 = arith.muli %arg1, %mul3A : i32
    %mul3A_1 = arith.constant 16 : i32
    %mul3A_2 = arith.muli %arg0, %mul3A_1 : i32
    %add3A = arith.addi %mul3A_2, %arg1 : i32
    %mul3A_3 = arith.constant 80 : i32
    %mul3A_4 = arith.muli %add3A, %mul3A_3 : i32
    %rem3A = arith.constant 0 : i32
    %rem3A_5 = arith.constant 3 : i32
    %rem3A_6 = arith.remsi %rem3A, %rem3A_5 : i32
    %add3A_7 = arith.constant 0 : i32
    %add3A_8 = arith.addi %mul3A_4, %add3A_7 : i32
    %dma_start3A = arith.constant 0 : i32
    %dma_start3A_9 = arith.constant 0 : i32
    %dma_start3A_10 = tpu.memref_slice %arg7[%rem3A_6, %dma_start3A, %dma_start3A_9] : memref<3x8x128xi32, #tpu.memory_space<vmem>> -> memref<1x8x128xi32, #tpu.memory_space<vmem>>
    %dma_start3A_11 = tpu.memref_squeeze %dma_start3A_10 : memref<1x8x128xi32, #tpu.memory_space<vmem>> -> memref<8x128xi32, #tpu.memory_space<vmem>>
    %dma_start3A_12 = arith.constant 0 : i32
    %dma_start3A_13 = tpu.memref_slice %arg3[%add3A_8, %dma_start3A_12] : memref<2560x128xi32, #tpu.memory_space<hbm>> -> memref<8x128xi32, #tpu.memory_space<hbm>>
    %dma_start3A_14 = arith.constant 0 : i32
    %dma_start3A_15 = arith.constant 0 : i32
    %dma_start3A_16 = tpu.memref_slice %arg7[%rem3A_6, %dma_start3A_14, %dma_start3A_15] : memref<3x8x128xi32, #tpu.memory_space<vmem>> -> memref<1x8x128xi32, #tpu.memory_space<vmem>>
    %dma_start3A_17 = tpu.memref_squeeze %dma_start3A_16 : memref<1x8x128xi32, #tpu.memory_space<vmem>> -> memref<8x128xi32, #tpu.memory_space<vmem>>
    %dma_start3A_18 = arith.constant 0 : i32
    %dma_start3A_19 = tpu.memref_slice %arg3[%add3A_8, %dma_start3A_18] : memref<2560x128xi32, #tpu.memory_space<hbm>> -> memref<8x128xi32, #tpu.memory_space<hbm>>
    tpu.enqueue_dma source(%dma_start3A_19 : memref<8x128xi32, #tpu.memory_space<hbm>>) target(%dma_start3A_17 : memref<8x128xi32, #tpu.memory_space<vmem>>) target_semaphore(%arg11 : memref<!tpu.dma_semaphore, #tpu.memory_space<semaphore_mem>>)
    %dma_start3A_20 = arith.constant 0 : i32
    %dma_start3A_21 = arith.constant 0 : i32
    %dma_start3A_22 = tpu.memref_slice %arg8[%rem3A_6, %dma_start3A_20, %dma_start3A_21] : memref<3x8x128xi32, #tpu.memory_space<vmem>> -> memref<1x8x128xi32, #tpu.memory_space<vmem>>
    %dma_start3A_23 = tpu.memref_squeeze %dma_start3A_22 : memref<1x8x128xi32, #tpu.memory_space<vmem>> -> memref<8x128xi32, #tpu.memory_space<vmem>>
    %dma_start3A_24 = arith.constant 0 : i32
    %dma_start3A_25 = tpu.memref_slice %arg4[%add3A_8, %dma_start3A_24] : memref<2560x128xi32, #tpu.memory_space<hbm>> -> memref<8x128xi32, #tpu.memory_space<hbm>>
    %dma_start3A_26 = arith.constant 0 : i32
    %dma_start3A_27 = arith.constant 0 : i32
    %dma_start3A_28 = tpu.memref_slice %arg8[%rem3A_6, %dma_start3A_26, %dma_start3A_27] : memref<3x8x128xi32, #tpu.memory_space<vmem>> -> memref<1x8x128xi32, #tpu.memory_space<vmem>>
    %dma_start3A_29 = tpu.memref_squeeze %dma_start3A_28 : memref<1x8x128xi32, #tpu.memory_space<vmem>> -> memref<8x128xi32, #tpu.memory_space<vmem>>
    %dma_start3A_30 = arith.constant 0 : i32
    %dma_start3A_31 = tpu.memref_slice %arg4[%add3A_8, %dma_start3A_30] : memref<2560x128xi32, #tpu.memory_space<hbm>> -> memref<8x128xi32, #tpu.memory_space<hbm>>
    tpu.enqueue_dma source(%dma_start3A_31 : memref<8x128xi32, #tpu.memory_space<hbm>>) target(%dma_start3A_29 : memref<8x128xi32, #tpu.memory_space<vmem>>) target_semaphore(%arg11 : memref<!tpu.dma_semaphore, #tpu.memory_space<semaphore_mem>>)
    "tpu.region"() ({
      %run_scoped3A = tpu.sem_alloc : memref<!tpu.dma_semaphore, #tpu.memory_space<semaphore_mem>>
      %dma_start3A_69 = arith.constant 0 : i32
      %dma_start3A_70 = tpu.memref_slice %arg10[%mul3A_0, %dma_start3A_69] : memref<10128x128xf32, #tpu.memory_space<vmem_shared>> -> memref<624x128xf32, #tpu.memory_space<vmem_shared>>
      %dma_start3A_71 = arith.constant 0 : i32
      %dma_start3A_72 = tpu.memref_slice %arg5[%mul3A_0, %dma_start3A_71] : memref<10128x128xf32, #tpu.memory_space<hbm>> -> memref<624x128xf32, #tpu.memory_space<hbm>>
      tpu.enqueue_dma source(%dma_start3A_72 : memref<624x128xf32, #tpu.memory_space<hbm>>) target(%dma_start3A_70 : memref<624x128xf32, #tpu.memory_space<vmem_shared>>) target_semaphore(%run_scoped3A : memref<!tpu.dma_semaphore, #tpu.memory_space<semaphore_mem>>)
      %dma_wait3A_73 = arith.constant 0 : i32
      %dma_wait3A_74 = tpu.memref_slice %arg10[%mul3A_0, %dma_wait3A_73] : memref<10128x128xf32, #tpu.memory_space<vmem_shared>> -> memref<624x128xf32, #tpu.memory_space<vmem_shared>>
      %dma_wait3A_75 = arith.constant 0 : i32
      %dma_wait3A_76 = tpu.memref_slice %arg5[%mul3A_0, %dma_wait3A_75] : memref<10128x128xf32, #tpu.memory_space<hbm>> -> memref<624x128xf32, #tpu.memory_space<hbm>>
      tpu.wait_dma2 semaphore(%run_scoped3A : memref<!tpu.dma_semaphore, #tpu.memory_space<semaphore_mem>>) src(%dma_wait3A_76 : memref<624x128xf32, #tpu.memory_space<hbm>>) dst(%dma_wait3A_74 : memref<624x128xf32, #tpu.memory_space<vmem_shared>>)
      tpu.yield
    }) : () -> ()
    %eq3A = arith.constant 0 : i32
    %eq3A_32 = arith.cmpi eq, %arg1, %eq3A : i32
    %convert_element_type3A = arith.extui %eq3A_32 : i1 to i32
    %cond3A = arith.constant 0 : i32
    %cond3A_33 = arith.cmpi ne, %convert_element_type3A, %cond3A : i32
    scf.if %cond3A_33 {
      "tpu.region"() ({
        %run_scoped3A = tpu.sem_alloc : memref<!tpu.dma_semaphore, #tpu.memory_space<semaphore_mem>>
        %dma_start3A_69 = arith.constant 9984 : i32
        %dma_start3A_70 = arith.constant 0 : i32
        %dma_start3A_71 = tpu.memref_slice %arg10[%dma_start3A_69, %dma_start3A_70] : memref<10128x128xf32, #tpu.memory_space<vmem_shared>> -> memref<144x128xf32, #tpu.memory_space<vmem_shared>>
        %dma_start3A_72 = arith.constant 0 : i32
        %dma_start3A_73 = arith.constant 0 : i32
        %dma_start3A_74 = tpu.memref_slice %arg5[%dma_start3A_72, %dma_start3A_73] : memref<10128x128xf32, #tpu.memory_space<hbm>> -> memref<144x128xf32, #tpu.memory_space<hbm>>
        tpu.enqueue_dma source(%dma_start3A_74 : memref<144x128xf32, #tpu.memory_space<hbm>>) target(%dma_start3A_71 : memref<144x128xf32, #tpu.memory_space<vmem_shared>>) target_semaphore(%run_scoped3A : memref<!tpu.dma_semaphore, #tpu.memory_space<semaphore_mem>>)
        %dma_wait3A_75 = arith.constant 9984 : i32
        %dma_wait3A_76 = arith.constant 0 : i32
        %dma_wait3A_77 = tpu.memref_slice %arg10[%dma_wait3A_75, %dma_wait3A_76] : memref<10128x128xf32, #tpu.memory_space<vmem_shared>> -> memref<144x128xf32, #tpu.memory_space<vmem_shared>>
        %dma_wait3A_78 = arith.constant 0 : i32
        %dma_wait3A_79 = arith.constant 0 : i32
        %dma_wait3A_80 = tpu.memref_slice %arg5[%dma_wait3A_78, %dma_wait3A_79] : memref<10128x128xf32, #tpu.memory_space<hbm>> -> memref<144x128xf32, #tpu.memory_space<hbm>>
        tpu.wait_dma2 semaphore(%run_scoped3A : memref<!tpu.dma_semaphore, #tpu.memory_space<semaphore_mem>>) src(%dma_wait3A_80 : memref<144x128xf32, #tpu.memory_space<hbm>>) dst(%dma_wait3A_77 : memref<144x128xf32, #tpu.memory_space<vmem_shared>>)
        tpu.yield
      }) : () -> ()
    } else {
    }
    %barrier3A = arith.constant 0 : index
    tpu.barrier barrier_id(%barrier3A)
    %scan3A = arith.constant 0 : i32
    %scan3A_34 = arith.constant 10 : i32
    %scan3A_35 = arith.addi %scan3A, %scan3A_34 : i32
    %scan3A_36 = arith.constant 1 : i32
    scf.for %scan3A_69 = %scan3A to %scan3A_35 step %scan3A_36  : i32 {
      %mul3A_70 = arith.constant 1 : i32
      %mul3A_71 = arith.muli %scan3A_69, %mul3A_70 : i32
      %add3A_72 = arith.constant 0 : i32
      %add3A_73 = arith.addi %add3A_72, %mul3A_71 : i32
      %rem3A_74 = arith.constant 3 : i32
      %rem3A_75 = arith.remsi %add3A_73, %rem3A_74 : i32
      %add3A_76 = arith.constant 2 : i32
      %add3A_77 = arith.addi %add3A_73, %add3A_76 : i32
      %rem3A_78 = arith.constant 3 : i32
      %rem3A_79 = arith.remsi %add3A_77, %rem3A_78 : i32
      %add3A_80 = arith.constant 1 : i32
      %add3A_81 = arith.addi %add3A_73, %add3A_80 : i32
      %lt3A = arith.constant 10 : i32
      %lt3A_82 = arith.cmpi slt, %add3A_81, %lt3A : i32
      %convert_element_type3A_83 = arith.extui %lt3A_82 : i1 to i32
      %cond3A_84 = arith.constant 0 : i32
      %cond3A_85 = arith.cmpi ne, %convert_element_type3A_83, %cond3A_84 : i32
      scf.if %cond3A_85 {
        %add3A_484 = arith.constant 1 : i32
        %add3A_485 = arith.addi %add3A_73, %add3A_484 : i32
        %rem3A_486 = arith.constant 3 : i32
        %rem3A_487 = arith.remsi %add3A_485, %rem3A_486 : i32
        %mul3A_488 = arith.constant 8 : i32
        %mul3A_489 = arith.muli %add3A_485, %mul3A_488 : i32
        %add3A_490 = arith.addi %mul3A_4, %mul3A_489 : i32
        %dma_start3A_491 = arith.constant 0 : i32
        %dma_start3A_492 = arith.constant 0 : i32
        %dma_start3A_493 = tpu.memref_slice %arg7[%rem3A_487, %dma_start3A_491, %dma_start3A_492] : memref<3x8x128xi32, #tpu.memory_space<vmem>> -> memref<1x8x128xi32, #tpu.memory_space<vmem>>
        %dma_start3A_494 = tpu.memref_squeeze %dma_start3A_493 : memref<1x8x128xi32, #tpu.memory_space<vmem>> -> memref<8x128xi32, #tpu.memory_space<vmem>>
        %dma_start3A_495 = arith.constant 0 : i32
        %dma_start3A_496 = tpu.memref_slice %arg3[%add3A_490, %dma_start3A_495] : memref<2560x128xi32, #tpu.memory_space<hbm>> -> memref<8x128xi32, #tpu.memory_space<hbm>>
        %dma_start3A_497 = arith.constant 0 : i32
        %dma_start3A_498 = arith.constant 0 : i32
        %dma_start3A_499 = tpu.memref_slice %arg7[%rem3A_487, %dma_start3A_497, %dma_start3A_498] : memref<3x8x128xi32, #tpu.memory_space<vmem>> -> memref<1x8x128xi32, #tpu.memory_space<vmem>>
        %dma_start3A_500 = tpu.memref_squeeze %dma_start3A_499 : memref<1x8x128xi32, #tpu.memory_space<vmem>> -> memref<8x128xi32, #tpu.memory_space<vmem>>
        %dma_start3A_501 = arith.constant 0 : i32
        %dma_start3A_502 = tpu.memref_slice %arg3[%add3A_490, %dma_start3A_501] : memref<2560x128xi32, #tpu.memory_space<hbm>> -> memref<8x128xi32, #tpu.memory_space<hbm>>
        tpu.enqueue_dma source(%dma_start3A_502 : memref<8x128xi32, #tpu.memory_space<hbm>>) target(%dma_start3A_500 : memref<8x128xi32, #tpu.memory_space<vmem>>) target_semaphore(%arg11 : memref<!tpu.dma_semaphore, #tpu.memory_space<semaphore_mem>>)
        %dma_start3A_503 = arith.constant 0 : i32
        %dma_start3A_504 = arith.constant 0 : i32
        %dma_start3A_505 = tpu.memref_slice %arg8[%rem3A_487, %dma_start3A_503, %dma_start3A_504] : memref<3x8x128xi32, #tpu.memory_space<vmem>> -> memref<1x8x128xi32, #tpu.memory_space<vmem>>
        %dma_start3A_506 = tpu.memref_squeeze %dma_start3A_505 : memref<1x8x128xi32, #tpu.memory_space<vmem>> -> memref<8x128xi32, #tpu.memory_space<vmem>>
        %dma_start3A_507 = arith.constant 0 : i32
        %dma_start3A_508 = tpu.memref_slice %arg4[%add3A_490, %dma_start3A_507] : memref<2560x128xi32, #tpu.memory_space<hbm>> -> memref<8x128xi32, #tpu.memory_space<hbm>>
        %dma_start3A_509 = arith.constant 0 : i32
        %dma_start3A_510 = arith.constant 0 : i32
        %dma_start3A_511 = tpu.memref_slice %arg8[%rem3A_487, %dma_start3A_509, %dma_start3A_510] : memref<3x8x128xi32, #tpu.memory_space<vmem>> -> memref<1x8x128xi32, #tpu.memory_space<vmem>>
        %dma_start3A_512 = tpu.memref_squeeze %dma_start3A_511 : memref<1x8x128xi32, #tpu.memory_space<vmem>> -> memref<8x128xi32, #tpu.memory_space<vmem>>
        %dma_start3A_513 = arith.constant 0 : i32
        %dma_start3A_514 = tpu.memref_slice %arg4[%add3A_490, %dma_start3A_513] : memref<2560x128xi32, #tpu.memory_space<hbm>> -> memref<8x128xi32, #tpu.memory_space<hbm>>
        tpu.enqueue_dma source(%dma_start3A_514 : memref<8x128xi32, #tpu.memory_space<hbm>>) target(%dma_start3A_512 : memref<8x128xi32, #tpu.memory_space<vmem>>) target_semaphore(%arg11 : memref<!tpu.dma_semaphore, #tpu.memory_space<semaphore_mem>>)
      } else {
      }
      %rem3A_86 = arith.constant 3 : i32
      %rem3A_87 = arith.remsi %add3A_73, %rem3A_86 : i32
      %mul3A_88 = arith.constant 8 : i32
      %mul3A_89 = arith.muli %add3A_73, %mul3A_88 : i32
      %add3A_90 = arith.addi %mul3A_4, %mul3A_89 : i32
      %dma_wait3A_91 = arith.constant 0 : i32
      %dma_wait3A_92 = arith.constant 0 : i32
      %dma_wait3A_93 = tpu.memref_slice %arg7[%rem3A_87, %dma_wait3A_91, %dma_wait3A_92] : memref<3x8x128xi32, #tpu.memory_space<vmem>> -> memref<1x8x128xi32, #tpu.memory_space<vmem>>
      %dma_wait3A_94 = tpu.memref_squeeze %dma_wait3A_93 : memref<1x8x128xi32, #tpu.memory_space<vmem>> -> memref<8x128xi32, #tpu.memory_space<vmem>>
      %dma_wait3A_95 = arith.constant 0 : i32
      %dma_wait3A_96 = tpu.memref_slice %arg3[%add3A_90, %dma_wait3A_95] : memref<2560x128xi32, #tpu.memory_space<hbm>> -> memref<8x128xi32, #tpu.memory_space<hbm>>
      %dma_wait3A_97 = arith.constant 0 : i32
      %dma_wait3A_98 = arith.constant 0 : i32
      %dma_wait3A_99 = tpu.memref_slice %arg7[%rem3A_87, %dma_wait3A_97, %dma_wait3A_98] : memref<3x8x128xi32, #tpu.memory_space<vmem>> -> memref<1x8x128xi32, #tpu.memory_space<vmem>>
      %dma_wait3A_100 = tpu.memref_squeeze %dma_wait3A_99 : memref<1x8x128xi32, #tpu.memory_space<vmem>> -> memref<8x128xi32, #tpu.memory_space<vmem>>
      %dma_wait3A_101 = arith.constant 0 : i32
      %dma_wait3A_102 = tpu.memref_slice %arg3[%add3A_90, %dma_wait3A_101] : memref<2560x128xi32, #tpu.memory_space<hbm>> -> memref<8x128xi32, #tpu.memory_space<hbm>>
      tpu.wait_dma2 semaphore(%arg11 : memref<!tpu.dma_semaphore, #tpu.memory_space<semaphore_mem>>) src(%dma_wait3A_102 : memref<8x128xi32, #tpu.memory_space<hbm>>) dst(%dma_wait3A_100 : memref<8x128xi32, #tpu.memory_space<vmem>>)
      %dma_wait3A_103 = arith.constant 0 : i32
      %dma_wait3A_104 = arith.constant 0 : i32
      %dma_wait3A_105 = tpu.memref_slice %arg8[%rem3A_87, %dma_wait3A_103, %dma_wait3A_104] : memref<3x8x128xi32, #tpu.memory_space<vmem>> -> memref<1x8x128xi32, #tpu.memory_space<vmem>>
      %dma_wait3A_106 = tpu.memref_squeeze %dma_wait3A_105 : memref<1x8x128xi32, #tpu.memory_space<vmem>> -> memref<8x128xi32, #tpu.memory_space<vmem>>
      %dma_wait3A_107 = arith.constant 0 : i32
      %dma_wait3A_108 = tpu.memref_slice %arg4[%add3A_90, %dma_wait3A_107] : memref<2560x128xi32, #tpu.memory_space<hbm>> -> memref<8x128xi32, #tpu.memory_space<hbm>>
      %dma_wait3A_109 = arith.constant 0 : i32
      %dma_wait3A_110 = arith.constant 0 : i32
      %dma_wait3A_111 = tpu.memref_slice %arg8[%rem3A_87, %dma_wait3A_109, %dma_wait3A_110] : memref<3x8x128xi32, #tpu.memory_space<vmem>> -> memref<1x8x128xi32, #tpu.memory_space<vmem>>
      %dma_wait3A_112 = tpu.memref_squeeze %dma_wait3A_111 : memref<1x8x128xi32, #tpu.memory_space<vmem>> -> memref<8x128xi32, #tpu.memory_space<vmem>>
      %dma_wait3A_113 = arith.constant 0 : i32
      %dma_wait3A_114 = tpu.memref_slice %arg4[%add3A_90, %dma_wait3A_113] : memref<2560x128xi32, #tpu.memory_space<hbm>> -> memref<8x128xi32, #tpu.memory_space<hbm>>
      tpu.wait_dma2 semaphore(%arg11 : memref<!tpu.dma_semaphore, #tpu.memory_space<semaphore_mem>>) src(%dma_wait3A_114 : memref<8x128xi32, #tpu.memory_space<hbm>>) dst(%dma_wait3A_112 : memref<8x128xi32, #tpu.memory_space<vmem>>)
      %gt3A = arith.constant 0 : i32
      %gt3A_115 = arith.cmpi sgt, %add3A_73, %gt3A : i32
      %convert_element_type3A_116 = arith.extui %gt3A_115 : i1 to i32
      %cond3A_117 = arith.constant 0 : i32
      %cond3A_118 = arith.cmpi ne, %convert_element_type3A_116, %cond3A_117 : i32
      scf.if %cond3A_118 {
        %dma_wait3A_484 = arith.constant 0 : i32
        %dma_wait3A_485 = arith.constant 6 : i32
        %dma_wait3A_486 = arith.constant 0 : i32
        %dma_wait3A_487 = arith.constant 0 : i32
        %dma_wait3A_488 = tpu.memref_slice %arg9[%dma_wait3A_484, %dma_wait3A_486, %dma_wait3A_487] : memref<2x128x128xf32, #tpu.memory_space<vmem>> -> memref<1x128x128xf32, #tpu.memory_space<vmem>>
        %dma_wait3A_489 = tpu.memref_squeeze %dma_wait3A_488 : memref<1x128x128xf32, #tpu.memory_space<vmem>> -> memref<128x128xf32, #tpu.memory_space<vmem>>
        %dma_wait3A_490 = arith.constant 0 : i32
        %dma_wait3A_491 = tpu.memref_slice %arg8[%rem3A_79, %dma_wait3A_485, %dma_wait3A_490] : memref<3x8x128xi32, #tpu.memory_space<vmem>> -> memref<1x1x128xi32, #tpu.memory_space<vmem>>
        %dma_wait3A_492 = tpu.memref_squeeze %dma_wait3A_491 : memref<1x1x128xi32, #tpu.memory_space<vmem>> -> memref<128xi32, #tpu.memory_space<vmem>>
        %dma_wait3A_493 = arith.constant 0 : i32
        %dma_wait3A_494 = arith.constant 0 : i32
        %dma_wait3A_495 = tpu.memref_slice %arg10[%dma_wait3A_493, %dma_wait3A_494] : memref<10128x128xf32, #tpu.memory_space<vmem_shared>> -> memref<10128x128xf32, #tpu.memory_space<vmem_shared>>
        tpu.wait_indirect_dma semaphore(%arg13 : memref<!tpu.dma_semaphore, #tpu.memory_space<semaphore_mem>>) src(%dma_wait3A_489 : memref<128x128xf32, #tpu.memory_space<vmem>>) dst(%dma_wait3A_495 : memref<10128x128xf32, #tpu.memory_space<vmem_shared>>)
      } else {
      }
      %dma_start3A_119 = arith.constant 0 : i32
      %dma_start3A_120 = arith.constant 0 : i32
      %dma_start3A_121 = arith.constant 0 : i32
      %dma_start3A_122 = arith.constant 0 : i32
      %dma_start3A_123 = tpu.memref_slice %arg9[%dma_start3A_120, %dma_start3A_121, %dma_start3A_122] : memref<2x128x128xf32, #tpu.memory_space<vmem>> -> memref<1x128x128xf32, #tpu.memory_space<vmem>>
      %dma_start3A_124 = tpu.memref_squeeze %dma_start3A_123 : memref<1x128x128xf32, #tpu.memory_space<vmem>> -> memref<128x128xf32, #tpu.memory_space<vmem>>
      %dma_start3A_125 = arith.constant 0 : i32
      %dma_start3A_126 = tpu.memref_slice %arg7[%rem3A_75, %dma_start3A_119, %dma_start3A_125] : memref<3x8x128xi32, #tpu.memory_space<vmem>> -> memref<1x1x128xi32, #tpu.memory_space<vmem>>
      %dma_start3A_127 = tpu.memref_squeeze %dma_start3A_126 : memref<1x1x128xi32, #tpu.memory_space<vmem>> -> memref<128xi32, #tpu.memory_space<vmem>>
      %dma_start3A_128 = arith.constant 0 : i32
      %dma_start3A_129 = arith.constant 0 : i32
      %dma_start3A_130 = tpu.memref_slice %arg2[%dma_start3A_128, %dma_start3A_129] : memref<10000x128xf32, #tpu.memory_space<hbm>> -> memref<10000x128xf32, #tpu.memory_space<hbm>>
      tpu.enqueue_indirect_dma source(%dma_start3A_130 : memref<10000x128xf32, #tpu.memory_space<hbm>>) target(%dma_start3A_124 : memref<128x128xf32, #tpu.memory_space<vmem>>) offsets(%dma_start3A_127 : memref<128xi32, #tpu.memory_space<vmem>>) semaphore(%arg12 : memref<!tpu.dma_semaphore, #tpu.memory_space<semaphore_mem>>)
      %dma_wait3A_131 = arith.constant 0 : i32
      %dma_wait3A_132 = arith.constant 0 : i32
      %dma_wait3A_133 = arith.constant 0 : i32
      %dma_wait3A_134 = arith.constant 0 : i32
      %dma_wait3A_135 = tpu.memref_slice %arg9[%dma_wait3A_132, %dma_wait3A_133, %dma_wait3A_134] : memref<2x128x128xf32, #tpu.memory_space<vmem>> -> memref<1x128x128xf32, #tpu.memory_space<vmem>>
      %dma_wait3A_136 = tpu.memref_squeeze %dma_wait3A_135 : memref<1x128x128xf32, #tpu.memory_space<vmem>> -> memref<128x128xf32, #tpu.memory_space<vmem>>
      %dma_wait3A_137 = arith.constant 0 : i32
      %dma_wait3A_138 = tpu.memref_slice %arg7[%rem3A_75, %dma_wait3A_131, %dma_wait3A_137] : memref<3x8x128xi32, #tpu.memory_space<vmem>> -> memref<1x1x128xi32, #tpu.memory_space<vmem>>
      %dma_wait3A_139 = tpu.memref_squeeze %dma_wait3A_138 : memref<1x1x128xi32, #tpu.memory_space<vmem>> -> memref<128xi32, #tpu.memory_space<vmem>>
      %dma_wait3A_140 = arith.constant 0 : i32
      %dma_wait3A_141 = arith.constant 0 : i32
      %dma_wait3A_142 = tpu.memref_slice %arg2[%dma_wait3A_140, %dma_wait3A_141] : memref<10000x128xf32, #tpu.memory_space<hbm>> -> memref<10000x128xf32, #tpu.memory_space<hbm>>
      tpu.wait_indirect_dma semaphore(%arg12 : memref<!tpu.dma_semaphore, #tpu.memory_space<semaphore_mem>>) src(%dma_wait3A_142 : memref<10000x128xf32, #tpu.memory_space<hbm>>) dst(%dma_wait3A_136 : memref<128x128xf32, #tpu.memory_space<vmem>>)
      %dma_start3A_143 = arith.constant 0 : i32
      %dma_start3A_144 = arith.constant 0 : i32
      %dma_start3A_145 = arith.constant 0 : i32
      %dma_start3A_146 = arith.constant 0 : i32
      %dma_start3A_147 = tpu.memref_slice %arg9[%dma_start3A_143, %dma_start3A_145, %dma_start3A_146] : memref<2x128x128xf32, #tpu.memory_space<vmem>> -> memref<1x128x128xf32, #tpu.memory_space<vmem>>
      %dma_start3A_148 = tpu.memref_squeeze %dma_start3A_147 : memref<1x128x128xf32, #tpu.memory_space<vmem>> -> memref<128x128xf32, #tpu.memory_space<vmem>>
      %dma_start3A_149 = arith.constant 0 : i32
      %dma_start3A_150 = tpu.memref_slice %arg8[%rem3A_75, %dma_start3A_144, %dma_start3A_149] : memref<3x8x128xi32, #tpu.memory_space<vmem>> -> memref<1x1x128xi32, #tpu.memory_space<vmem>>
      %dma_start3A_151 = tpu.memref_squeeze %dma_start3A_150 : memref<1x1x128xi32, #tpu.memory_space<vmem>> -> memref<128xi32, #tpu.memory_space<vmem>>
      %dma_start3A_152 = arith.constant 0 : i32
      %dma_start3A_153 = arith.constant 0 : i32
      %dma_start3A_154 = tpu.memref_slice %arg10[%dma_start3A_152, %dma_start3A_153] : memref<10128x128xf32, #tpu.memory_space<vmem_shared>> -> memref<10128x128xf32, #tpu.memory_space<vmem_shared>>
      tpu.enqueue_indirect_dma source(%dma_start3A_148 : memref<128x128xf32, #tpu.memory_space<vmem>>) target(%dma_start3A_154 : memref<10128x128xf32, #tpu.memory_space<vmem_shared>>) offsets(%dma_start3A_151 : memref<128xi32, #tpu.memory_space<vmem>>) semaphore(%arg13 : memref<!tpu.dma_semaphore, #tpu.memory_space<semaphore_mem>>) {add = true}
      %gt3A_155 = arith.constant 0 : i32
      %gt3A_156 = arith.cmpi sgt, %add3A_73, %gt3A_155 : i32
      %convert_element_type3A_157 = arith.extui %gt3A_156 : i1 to i32
      %cond3A_158 = arith.constant 0 : i32
      %cond3A_159 = arith.cmpi ne, %convert_element_type3A_157, %cond3A_158 : i32
      scf.if %cond3A_159 {
        %dma_wait3A_484 = arith.constant 1 : i32
        %dma_wait3A_485 = arith.constant 7 : i32
        %dma_wait3A_486 = arith.constant 0 : i32
        %dma_wait3A_487 = arith.constant 0 : i32
        %dma_wait3A_488 = tpu.memref_slice %arg9[%dma_wait3A_484, %dma_wait3A_486, %dma_wait3A_487] : memref<2x128x128xf32, #tpu.memory_space<vmem>> -> memref<1x128x128xf32, #tpu.memory_space<vmem>>
        %dma_wait3A_489 = tpu.memref_squeeze %dma_wait3A_488 : memref<1x128x128xf32, #tpu.memory_space<vmem>> -> memref<128x128xf32, #tpu.memory_space<vmem>>
        %dma_wait3A_490 = arith.constant 0 : i32
        %dma_wait3A_491 = tpu.memref_slice %arg8[%rem3A_79, %dma_wait3A_485, %dma_wait3A_490] : memref<3x8x128xi32, #tpu.memory_space<vmem>> -> memref<1x1x128xi32, #tpu.memory_space<vmem>>
        %dma_wait3A_492 = tpu.memref_squeeze %dma_wait3A_491 : memref<1x1x128xi32, #tpu.memory_space<vmem>> -> memref<128xi32, #tpu.memory_space<vmem>>
        %dma_wait3A_493 = arith.constant 0 : i32
        %dma_wait3A_494 = arith.constant 0 : i32
        %dma_wait3A_495 = tpu.memref_slice %arg10[%dma_wait3A_493, %dma_wait3A_494] : memref<10128x128xf32, #tpu.memory_space<vmem_shared>> -> memref<10128x128xf32, #tpu.memory_space<vmem_shared>>
        tpu.wait_indirect_dma semaphore(%arg14 : memref<!tpu.dma_semaphore, #tpu.memory_space<semaphore_mem>>) src(%dma_wait3A_489 : memref<128x128xf32, #tpu.memory_space<vmem>>) dst(%dma_wait3A_495 : memref<10128x128xf32, #tpu.memory_space<vmem_shared>>)
      } else {
      }
      %dma_start3A_160 = arith.constant 1 : i32
      %dma_start3A_161 = arith.constant 1 : i32
      %dma_start3A_162 = arith.constant 0 : i32
      %dma_start3A_163 = arith.constant 0 : i32
      %dma_start3A_164 = tpu.memref_slice %arg9[%dma_start3A_161, %dma_start3A_162, %dma_start3A_163] : memref<2x128x128xf32, #tpu.memory_space<vmem>> -> memref<1x128x128xf32, #tpu.memory_space<vmem>>
      %dma_start3A_165 = tpu.memref_squeeze %dma_start3A_164 : memref<1x128x128xf32, #tpu.memory_space<vmem>> -> memref<128x128xf32, #tpu.memory_space<vmem>>
      %dma_start3A_166 = arith.constant 0 : i32
      %dma_start3A_167 = tpu.memref_slice %arg7[%rem3A_75, %dma_start3A_160, %dma_start3A_166] : memref<3x8x128xi32, #tpu.memory_space<vmem>> -> memref<1x1x128xi32, #tpu.memory_space<vmem>>
      %dma_start3A_168 = tpu.memref_squeeze %dma_start3A_167 : memref<1x1x128xi32, #tpu.memory_space<vmem>> -> memref<128xi32, #tpu.memory_space<vmem>>
      %dma_start3A_169 = arith.constant 0 : i32
      %dma_start3A_170 = arith.constant 0 : i32
      %dma_start3A_171 = tpu.memref_slice %arg2[%dma_start3A_169, %dma_start3A_170] : memref<10000x128xf32, #tpu.memory_space<hbm>> -> memref<10000x128xf32, #tpu.memory_space<hbm>>
      tpu.enqueue_indirect_dma source(%dma_start3A_171 : memref<10000x128xf32, #tpu.memory_space<hbm>>) target(%dma_start3A_165 : memref<128x128xf32, #tpu.memory_space<vmem>>) offsets(%dma_start3A_168 : memref<128xi32, #tpu.memory_space<vmem>>) semaphore(%arg12 : memref<!tpu.dma_semaphore, #tpu.memory_space<semaphore_mem>>)
      %dma_wait3A_172 = arith.constant 1 : i32
      %dma_wait3A_173 = arith.constant 1 : i32
      %dma_wait3A_174 = arith.constant 0 : i32
      %dma_wait3A_175 = arith.constant 0 : i32
      %dma_wait3A_176 = tpu.memref_slice %arg9[%dma_wait3A_173, %dma_wait3A_174, %dma_wait3A_175] : memref<2x128x128xf32, #tpu.memory_space<vmem>> -> memref<1x128x128xf32, #tpu.memory_space<vmem>>
      %dma_wait3A_177 = tpu.memref_squeeze %dma_wait3A_176 : memref<1x128x128xf32, #tpu.memory_space<vmem>> -> memref<128x128xf32, #tpu.memory_space<vmem>>
      %dma_wait3A_178 = arith.constant 0 : i32
      %dma_wait3A_179 = tpu.memref_slice %arg7[%rem3A_75, %dma_wait3A_172, %dma_wait3A_178] : memref<3x8x128xi32, #tpu.memory_space<vmem>> -> memref<1x1x128xi32, #tpu.memory_space<vmem>>
      %dma_wait3A_180 = tpu.memref_squeeze %dma_wait3A_179 : memref<1x1x128xi32, #tpu.memory_space<vmem>> -> memref<128xi32, #tpu.memory_space<vmem>>
      %dma_wait3A_181 = arith.constant 0 : i32
      %dma_wait3A_182 = arith.constant 0 : i32
      %dma_wait3A_183 = tpu.memref_slice %arg2[%dma_wait3A_181, %dma_wait3A_182] : memref<10000x128xf32, #tpu.memory_space<hbm>> -> memref<10000x128xf32, #tpu.memory_space<hbm>>
      tpu.wait_indirect_dma semaphore(%arg12 : memref<!tpu.dma_semaphore, #tpu.memory_space<semaphore_mem>>) src(%dma_wait3A_183 : memref<10000x128xf32, #tpu.memory_space<hbm>>) dst(%dma_wait3A_177 : memref<128x128xf32, #tpu.memory_space<vmem>>)
      %dma_start3A_184 = arith.constant 1 : i32
      %dma_start3A_185 = arith.constant 1 : i32
      %dma_start3A_186 = arith.constant 0 : i32
      %dma_start3A_187 = arith.constant 0 : i32
      %dma_start3A_188 = tpu.memref_slice %arg9[%dma_start3A_184, %dma_start3A_186, %dma_start3A_187] : memref<2x128x128xf32, #tpu.memory_space<vmem>> -> memref<1x128x128xf32, #tpu.memory_space<vmem>>
      %dma_start3A_189 = tpu.memref_squeeze %dma_start3A_188 : memref<1x128x128xf32, #tpu.memory_space<vmem>> -> memref<128x128xf32, #tpu.memory_space<vmem>>
      %dma_start3A_190 = arith.constant 0 : i32
      %dma_start3A_191 = tpu.memref_slice %arg8[%rem3A_75, %dma_start3A_185, %dma_start3A_190] : memref<3x8x128xi32, #tpu.memory_space<vmem>> -> memref<1x1x128xi32, #tpu.memory_space<vmem>>
      %dma_start3A_192 = tpu.memref_squeeze %dma_start3A_191 : memref<1x1x128xi32, #tpu.memory_space<vmem>> -> memref<128xi32, #tpu.memory_space<vmem>>
      %dma_start3A_193 = arith.constant 0 : i32
      %dma_start3A_194 = arith.constant 0 : i32
      %dma_start3A_195 = tpu.memref_slice %arg10[%dma_start3A_193, %dma_start3A_194] : memref<10128x128xf32, #tpu.memory_space<vmem_shared>> -> memref<10128x128xf32, #tpu.memory_space<vmem_shared>>
      tpu.enqueue_indirect_dma source(%dma_start3A_189 : memref<128x128xf32, #tpu.memory_space<vmem>>) target(%dma_start3A_195 : memref<10128x128xf32, #tpu.memory_space<vmem_shared>>) offsets(%dma_start3A_192 : memref<128xi32, #tpu.memory_space<vmem>>) semaphore(%arg14 : memref<!tpu.dma_semaphore, #tpu.memory_space<semaphore_mem>>) {add = true}
      %dma_wait3A_196 = arith.constant 0 : i32
      %dma_wait3A_197 = arith.constant 0 : i32
      %dma_wait3A_198 = arith.constant 0 : i32
      %dma_wait3A_199 = arith.constant 0 : i32
      %dma_wait3A_200 = tpu.memref_slice %arg9[%dma_wait3A_196, %dma_wait3A_198, %dma_wait3A_199] : memref<2x128x128xf32, #tpu.memory_space<vmem>> -> memref<1x128x128xf32, #tpu.memory_space<vmem>>
      %dma_wait3A_201 = tpu.memref_squeeze %dma_wait3A_200 : memref<1x128x128xf32, #tpu.memory_space<vmem>> -> memref<128x128xf32, #tpu.memory_space<vmem>>
      %dma_wait3A_202 = arith.constant 0 : i32
      %dma_wait3A_203 = tpu.memref_slice %arg8[%rem3A_75, %dma_wait3A_197, %dma_wait3A_202] : memref<3x8x128xi32, #tpu.memory_space<vmem>> -> memref<1x1x128xi32, #tpu.memory_space<vmem>>
      %dma_wait3A_204 = tpu.memref_squeeze %dma_wait3A_203 : memref<1x1x128xi32, #tpu.memory_space<vmem>> -> memref<128xi32, #tpu.memory_space<vmem>>
      %dma_wait3A_205 = arith.constant 0 : i32
      %dma_wait3A_206 = arith.constant 0 : i32
      %dma_wait3A_207 = tpu.memref_slice %arg10[%dma_wait3A_205, %dma_wait3A_206] : memref<10128x128xf32, #tpu.memory_space<vmem_shared>> -> memref<10128x128xf32, #tpu.memory_space<vmem_shared>>
      tpu.wait_indirect_dma semaphore(%arg13 : memref<!tpu.dma_semaphore, #tpu.memory_space<semaphore_mem>>) src(%dma_wait3A_201 : memref<128x128xf32, #tpu.memory_space<vmem>>) dst(%dma_wait3A_207 : memref<10128x128xf32, #tpu.memory_space<vmem_shared>>)
      %dma_start3A_208 = arith.constant 2 : i32
      %dma_start3A_209 = arith.constant 0 : i32
      %dma_start3A_210 = arith.constant 0 : i32
      %dma_start3A_211 = arith.constant 0 : i32
      %dma_start3A_212 = tpu.memref_slice %arg9[%dma_start3A_209, %dma_start3A_210, %dma_start3A_211] : memref<2x128x128xf32, #tpu.memory_space<vmem>> -> memref<1x128x128xf32, #tpu.memory_space<vmem>>
      %dma_start3A_213 = tpu.memref_squeeze %dma_start3A_212 : memref<1x128x128xf32, #tpu.memory_space<vmem>> -> memref<128x128xf32, #tpu.memory_space<vmem>>
      %dma_start3A_214 = arith.constant 0 : i32
      %dma_start3A_215 = tpu.memref_slice %arg7[%rem3A_75, %dma_start3A_208, %dma_start3A_214] : memref<3x8x128xi32, #tpu.memory_space<vmem>> -> memref<1x1x128xi32, #tpu.memory_space<vmem>>
      %dma_start3A_216 = tpu.memref_squeeze %dma_start3A_215 : memref<1x1x128xi32, #tpu.memory_space<vmem>> -> memref<128xi32, #tpu.memory_space<vmem>>
      %dma_start3A_217 = arith.constant 0 : i32
      %dma_start3A_218 = arith.constant 0 : i32
      %dma_start3A_219 = tpu.memref_slice %arg2[%dma_start3A_217, %dma_start3A_218] : memref<10000x128xf32, #tpu.memory_space<hbm>> -> memref<10000x128xf32, #tpu.memory_space<hbm>>
      tpu.enqueue_indirect_dma source(%dma_start3A_219 : memref<10000x128xf32, #tpu.memory_space<hbm>>) target(%dma_start3A_213 : memref<128x128xf32, #tpu.memory_space<vmem>>) offsets(%dma_start3A_216 : memref<128xi32, #tpu.memory_space<vmem>>) semaphore(%arg12 : memref<!tpu.dma_semaphore, #tpu.memory_space<semaphore_mem>>)
      %dma_wait3A_220 = arith.constant 2 : i32
      %dma_wait3A_221 = arith.constant 0 : i32
      %dma_wait3A_222 = arith.constant 0 : i32
      %dma_wait3A_223 = arith.constant 0 : i32
      %dma_wait3A_224 = tpu.memref_slice %arg9[%dma_wait3A_221, %dma_wait3A_222, %dma_wait3A_223] : memref<2x128x128xf32, #tpu.memory_space<vmem>> -> memref<1x128x128xf32, #tpu.memory_space<vmem>>
      %dma_wait3A_225 = tpu.memref_squeeze %dma_wait3A_224 : memref<1x128x128xf32, #tpu.memory_space<vmem>> -> memref<128x128xf32, #tpu.memory_space<vmem>>
      %dma_wait3A_226 = arith.constant 0 : i32
      %dma_wait3A_227 = tpu.memref_slice %arg7[%rem3A_75, %dma_wait3A_220, %dma_wait3A_226] : memref<3x8x128xi32, #tpu.memory_space<vmem>> -> memref<1x1x128xi32, #tpu.memory_space<vmem>>
      %dma_wait3A_228 = tpu.memref_squeeze %dma_wait3A_227 : memref<1x1x128xi32, #tpu.memory_space<vmem>> -> memref<128xi32, #tpu.memory_space<vmem>>
      %dma_wait3A_229 = arith.constant 0 : i32
      %dma_wait3A_230 = arith.constant 0 : i32
      %dma_wait3A_231 = tpu.memref_slice %arg2[%dma_wait3A_229, %dma_wait3A_230] : memref<10000x128xf32, #tpu.memory_space<hbm>> -> memref<10000x128xf32, #tpu.memory_space<hbm>>
      tpu.wait_indirect_dma semaphore(%arg12 : memref<!tpu.dma_semaphore, #tpu.memory_space<semaphore_mem>>) src(%dma_wait3A_231 : memref<10000x128xf32, #tpu.memory_space<hbm>>) dst(%dma_wait3A_225 : memref<128x128xf32, #tpu.memory_space<vmem>>)
      %dma_start3A_232 = arith.constant 0 : i32
      %dma_start3A_233 = arith.constant 2 : i32
      %dma_start3A_234 = arith.constant 0 : i32
      %dma_start3A_235 = arith.constant 0 : i32
      %dma_start3A_236 = tpu.memref_slice %arg9[%dma_start3A_232, %dma_start3A_234, %dma_start3A_235] : memref<2x128x128xf32, #tpu.memory_space<vmem>> -> memref<1x128x128xf32, #tpu.memory_space<vmem>>
      %dma_start3A_237 = tpu.memref_squeeze %dma_start3A_236 : memref<1x128x128xf32, #tpu.memory_space<vmem>> -> memref<128x128xf32, #tpu.memory_space<vmem>>
      %dma_start3A_238 = arith.constant 0 : i32
      %dma_start3A_239 = tpu.memref_slice %arg8[%rem3A_75, %dma_start3A_233, %dma_start3A_238] : memref<3x8x128xi32, #tpu.memory_space<vmem>> -> memref<1x1x128xi32, #tpu.memory_space<vmem>>
      %dma_start3A_240 = tpu.memref_squeeze %dma_start3A_239 : memref<1x1x128xi32, #tpu.memory_space<vmem>> -> memref<128xi32, #tpu.memory_space<vmem>>
      %dma_start3A_241 = arith.constant 0 : i32
      %dma_start3A_242 = arith.constant 0 : i32
      %dma_start3A_243 = tpu.memref_slice %arg10[%dma_start3A_241, %dma_start3A_242] : memref<10128x128xf32, #tpu.memory_space<vmem_shared>> -> memref<10128x128xf32, #tpu.memory_space<vmem_shared>>
      tpu.enqueue_indirect_dma source(%dma_start3A_237 : memref<128x128xf32, #tpu.memory_space<vmem>>) target(%dma_start3A_243 : memref<10128x128xf32, #tpu.memory_space<vmem_shared>>) offsets(%dma_start3A_240 : memref<128xi32, #tpu.memory_space<vmem>>) semaphore(%arg13 : memref<!tpu.dma_semaphore, #tpu.memory_space<semaphore_mem>>) {add = true}
      %dma_wait3A_244 = arith.constant 1 : i32
      %dma_wait3A_245 = arith.constant 1 : i32
      %dma_wait3A_246 = arith.constant 0 : i32
      %dma_wait3A_247 = arith.constant 0 : i32
      %dma_wait3A_248 = tpu.memref_slice %arg9[%dma_wait3A_244, %dma_wait3A_246, %dma_wait3A_247] : memref<2x128x128xf32, #tpu.memory_space<vmem>> -> memref<1x128x128xf32, #tpu.memory_space<vmem>>
      %dma_wait3A_249 = tpu.memref_squeeze %dma_wait3A_248 : memref<1x128x128xf32, #tpu.memory_space<vmem>> -> memref<128x128xf32, #tpu.memory_space<vmem>>
      %dma_wait3A_250 = arith.constant 0 : i32
      %dma_wait3A_251 = tpu.memref_slice %arg8[%rem3A_75, %dma_wait3A_245, %dma_wait3A_250] : memref<3x8x128xi32, #tpu.memory_space<vmem>> -> memref<1x1x128xi32, #tpu.memory_space<vmem>>
      %dma_wait3A_252 = tpu.memref_squeeze %dma_wait3A_251 : memref<1x1x128xi32, #tpu.memory_space<vmem>> -> memref<128xi32, #tpu.memory_space<vmem>>
      %dma_wait3A_253 = arith.constant 0 : i32
      %dma_wait3A_254 = arith.constant 0 : i32
      %dma_wait3A_255 = tpu.memref_slice %arg10[%dma_wait3A_253, %dma_wait3A_254] : memref<10128x128xf32, #tpu.memory_space<vmem_shared>> -> memref<10128x128xf32, #tpu.memory_space<vmem_shared>>
      tpu.wait_indirect_dma semaphore(%arg14 : memref<!tpu.dma_semaphore, #tpu.memory_space<semaphore_mem>>) src(%dma_wait3A_249 : memref<128x128xf32, #tpu.memory_space<vmem>>) dst(%dma_wait3A_255 : memref<10128x128xf32, #tpu.memory_space<vmem_shared>>)
      %dma_start3A_256 = arith.constant 3 : i32
      %dma_start3A_257 = arith.constant 1 : i32
      %dma_start3A_258 = arith.constant 0 : i32
      %dma_start3A_259 = arith.constant 0 : i32
      %dma_start3A_260 = tpu.memref_slice %arg9[%dma_start3A_257, %dma_start3A_258, %dma_start3A_259] : memref<2x128x128xf32, #tpu.memory_space<vmem>> -> memref<1x128x128xf32, #tpu.memory_space<vmem>>
      %dma_start3A_261 = tpu.memref_squeeze %dma_start3A_260 : memref<1x128x128xf32, #tpu.memory_space<vmem>> -> memref<128x128xf32, #tpu.memory_space<vmem>>
      %dma_start3A_262 = arith.constant 0 : i32
      %dma_start3A_263 = tpu.memref_slice %arg7[%rem3A_75, %dma_start3A_256, %dma_start3A_262] : memref<3x8x128xi32, #tpu.memory_space<vmem>> -> memref<1x1x128xi32, #tpu.memory_space<vmem>>
      %dma_start3A_264 = tpu.memref_squeeze %dma_start3A_263 : memref<1x1x128xi32, #tpu.memory_space<vmem>> -> memref<128xi32, #tpu.memory_space<vmem>>
      %dma_start3A_265 = arith.constant 0 : i32
      %dma_start3A_266 = arith.constant 0 : i32
      %dma_start3A_267 = tpu.memref_slice %arg2[%dma_start3A_265, %dma_start3A_266] : memref<10000x128xf32, #tpu.memory_space<hbm>> -> memref<10000x128xf32, #tpu.memory_space<hbm>>
      tpu.enqueue_indirect_dma source(%dma_start3A_267 : memref<10000x128xf32, #tpu.memory_space<hbm>>) target(%dma_start3A_261 : memref<128x128xf32, #tpu.memory_space<vmem>>) offsets(%dma_start3A_264 : memref<128xi32, #tpu.memory_space<vmem>>) semaphore(%arg12 : memref<!tpu.dma_semaphore, #tpu.memory_space<semaphore_mem>>)
      %dma_wait3A_268 = arith.constant 3 : i32
      %dma_wait3A_269 = arith.constant 1 : i32
      %dma_wait3A_270 = arith.constant 0 : i32
      %dma_wait3A_271 = arith.constant 0 : i32
      %dma_wait3A_272 = tpu.memref_slice %arg9[%dma_wait3A_269, %dma_wait3A_270, %dma_wait3A_271] : memref<2x128x128xf32, #tpu.memory_space<vmem>> -> memref<1x128x128xf32, #tpu.memory_space<vmem>>
      %dma_wait3A_273 = tpu.memref_squeeze %dma_wait3A_272 : memref<1x128x128xf32, #tpu.memory_space<vmem>> -> memref<128x128xf32, #tpu.memory_space<vmem>>
      %dma_wait3A_274 = arith.constant 0 : i32
      %dma_wait3A_275 = tpu.memref_slice %arg7[%rem3A_75, %dma_wait3A_268, %dma_wait3A_274] : memref<3x8x128xi32, #tpu.memory_space<vmem>> -> memref<1x1x128xi32, #tpu.memory_space<vmem>>
      %dma_wait3A_276 = tpu.memref_squeeze %dma_wait3A_275 : memref<1x1x128xi32, #tpu.memory_space<vmem>> -> memref<128xi32, #tpu.memory_space<vmem>>
      %dma_wait3A_277 = arith.constant 0 : i32
      %dma_wait3A_278 = arith.constant 0 : i32
      %dma_wait3A_279 = tpu.memref_slice %arg2[%dma_wait3A_277, %dma_wait3A_278] : memref<10000x128xf32, #tpu.memory_space<hbm>> -> memref<10000x128xf32, #tpu.memory_space<hbm>>
      tpu.wait_indirect_dma semaphore(%arg12 : memref<!tpu.dma_semaphore, #tpu.memory_space<semaphore_mem>>) src(%dma_wait3A_279 : memref<10000x128xf32, #tpu.memory_space<hbm>>) dst(%dma_wait3A_273 : memref<128x128xf32, #tpu.memory_space<vmem>>)
      %dma_start3A_280 = arith.constant 1 : i32
      %dma_start3A_281 = arith.constant 3 : i32
      %dma_start3A_282 = arith.constant 0 : i32
      %dma_start3A_283 = arith.constant 0 : i32
      %dma_start3A_284 = tpu.memref_slice %arg9[%dma_start3A_280, %dma_start3A_282, %dma_start3A_283] : memref<2x128x128xf32, #tpu.memory_space<vmem>> -> memref<1x128x128xf32, #tpu.memory_space<vmem>>
      %dma_start3A_285 = tpu.memref_squeeze %dma_start3A_284 : memref<1x128x128xf32, #tpu.memory_space<vmem>> -> memref<128x128xf32, #tpu.memory_space<vmem>>
      %dma_start3A_286 = arith.constant 0 : i32
      %dma_start3A_287 = tpu.memref_slice %arg8[%rem3A_75, %dma_start3A_281, %dma_start3A_286] : memref<3x8x128xi32, #tpu.memory_space<vmem>> -> memref<1x1x128xi32, #tpu.memory_space<vmem>>
      %dma_start3A_288 = tpu.memref_squeeze %dma_start3A_287 : memref<1x1x128xi32, #tpu.memory_space<vmem>> -> memref<128xi32, #tpu.memory_space<vmem>>
      %dma_start3A_289 = arith.constant 0 : i32
      %dma_start3A_290 = arith.constant 0 : i32
      %dma_start3A_291 = tpu.memref_slice %arg10[%dma_start3A_289, %dma_start3A_290] : memref<10128x128xf32, #tpu.memory_space<vmem_shared>> -> memref<10128x128xf32, #tpu.memory_space<vmem_shared>>
      tpu.enqueue_indirect_dma source(%dma_start3A_285 : memref<128x128xf32, #tpu.memory_space<vmem>>) target(%dma_start3A_291 : memref<10128x128xf32, #tpu.memory_space<vmem_shared>>) offsets(%dma_start3A_288 : memref<128xi32, #tpu.memory_space<vmem>>) semaphore(%arg14 : memref<!tpu.dma_semaphore, #tpu.memory_space<semaphore_mem>>) {add = true}
      %dma_wait3A_292 = arith.constant 0 : i32
      %dma_wait3A_293 = arith.constant 2 : i32
      %dma_wait3A_294 = arith.constant 0 : i32
      %dma_wait3A_295 = arith.constant 0 : i32
      %dma_wait3A_296 = tpu.memref_slice %arg9[%dma_wait3A_292, %dma_wait3A_294, %dma_wait3A_295] : memref<2x128x128xf32, #tpu.memory_space<vmem>> -> memref<1x128x128xf32, #tpu.memory_space<vmem>>
      %dma_wait3A_297 = tpu.memref_squeeze %dma_wait3A_296 : memref<1x128x128xf32, #tpu.memory_space<vmem>> -> memref<128x128xf32, #tpu.memory_space<vmem>>
      %dma_wait3A_298 = arith.constant 0 : i32
      %dma_wait3A_299 = tpu.memref_slice %arg8[%rem3A_75, %dma_wait3A_293, %dma_wait3A_298] : memref<3x8x128xi32, #tpu.memory_space<vmem>> -> memref<1x1x128xi32, #tpu.memory_space<vmem>>
      %dma_wait3A_300 = tpu.memref_squeeze %dma_wait3A_299 : memref<1x1x128xi32, #tpu.memory_space<vmem>> -> memref<128xi32, #tpu.memory_space<vmem>>
      %dma_wait3A_301 = arith.constant 0 : i32
      %dma_wait3A_302 = arith.constant 0 : i32
      %dma_wait3A_303 = tpu.memref_slice %arg10[%dma_wait3A_301, %dma_wait3A_302] : memref<10128x128xf32, #tpu.memory_space<vmem_shared>> -> memref<10128x128xf32, #tpu.memory_space<vmem_shared>>
      tpu.wait_indirect_dma semaphore(%arg13 : memref<!tpu.dma_semaphore, #tpu.memory_space<semaphore_mem>>) src(%dma_wait3A_297 : memref<128x128xf32, #tpu.memory_space<vmem>>) dst(%dma_wait3A_303 : memref<10128x128xf32, #tpu.memory_space<vmem_shared>>)
      %dma_start3A_304 = arith.constant 4 : i32
      %dma_start3A_305 = arith.constant 0 : i32
      %dma_start3A_306 = arith.constant 0 : i32
      %dma_start3A_307 = arith.constant 0 : i32
      %dma_start3A_308 = tpu.memref_slice %arg9[%dma_start3A_305, %dma_start3A_306, %dma_start3A_307] : memref<2x128x128xf32, #tpu.memory_space<vmem>> -> memref<1x128x128xf32, #tpu.memory_space<vmem>>
      %dma_start3A_309 = tpu.memref_squeeze %dma_start3A_308 : memref<1x128x128xf32, #tpu.memory_space<vmem>> -> memref<128x128xf32, #tpu.memory_space<vmem>>
      %dma_start3A_310 = arith.constant 0 : i32
      %dma_start3A_311 = tpu.memref_slice %arg7[%rem3A_75, %dma_start3A_304, %dma_start3A_310] : memref<3x8x128xi32, #tpu.memory_space<vmem>> -> memref<1x1x128xi32, #tpu.memory_space<vmem>>
      %dma_start3A_312 = tpu.memref_squeeze %dma_start3A_311 : memref<1x1x128xi32, #tpu.memory_space<vmem>> -> memref<128xi32, #tpu.memory_space<vmem>>
      %dma_start3A_313 = arith.constant 0 : i32
      %dma_start3A_314 = arith.constant 0 : i32
      %dma_start3A_315 = tpu.memref_slice %arg2[%dma_start3A_313, %dma_start3A_314] : memref<10000x128xf32, #tpu.memory_space<hbm>> -> memref<10000x128xf32, #tpu.memory_space<hbm>>
      tpu.enqueue_indirect_dma source(%dma_start3A_315 : memref<10000x128xf32, #tpu.memory_space<hbm>>) target(%dma_start3A_309 : memref<128x128xf32, #tpu.memory_space<vmem>>) offsets(%dma_start3A_312 : memref<128xi32, #tpu.memory_space<vmem>>) semaphore(%arg12 : memref<!tpu.dma_semaphore, #tpu.memory_space<semaphore_mem>>)
      %dma_wait3A_316 = arith.constant 4 : i32
      %dma_wait3A_317 = arith.constant 0 : i32
      %dma_wait3A_318 = arith.constant 0 : i32
      %dma_wait3A_319 = arith.constant 0 : i32
      %dma_wait3A_320 = tpu.memref_slice %arg9[%dma_wait3A_317, %dma_wait3A_318, %dma_wait3A_319] : memref<2x128x128xf32, #tpu.memory_space<vmem>> -> memref<1x128x128xf32, #tpu.memory_space<vmem>>
      %dma_wait3A_321 = tpu.memref_squeeze %dma_wait3A_320 : memref<1x128x128xf32, #tpu.memory_space<vmem>> -> memref<128x128xf32, #tpu.memory_space<vmem>>
      %dma_wait3A_322 = arith.constant 0 : i32
      %dma_wait3A_323 = tpu.memref_slice %arg7[%rem3A_75, %dma_wait3A_316, %dma_wait3A_322] : memref<3x8x128xi32, #tpu.memory_space<vmem>> -> memref<1x1x128xi32, #tpu.memory_space<vmem>>
      %dma_wait3A_324 = tpu.memref_squeeze %dma_wait3A_323 : memref<1x1x128xi32, #tpu.memory_space<vmem>> -> memref<128xi32, #tpu.memory_space<vmem>>
      %dma_wait3A_325 = arith.constant 0 : i32
      %dma_wait3A_326 = arith.constant 0 : i32
      %dma_wait3A_327 = tpu.memref_slice %arg2[%dma_wait3A_325, %dma_wait3A_326] : memref<10000x128xf32, #tpu.memory_space<hbm>> -> memref<10000x128xf32, #tpu.memory_space<hbm>>
      tpu.wait_indirect_dma semaphore(%arg12 : memref<!tpu.dma_semaphore, #tpu.memory_space<semaphore_mem>>) src(%dma_wait3A_327 : memref<10000x128xf32, #tpu.memory_space<hbm>>) dst(%dma_wait3A_321 : memref<128x128xf32, #tpu.memory_space<vmem>>)
      %dma_start3A_328 = arith.constant 0 : i32
      %dma_start3A_329 = arith.constant 4 : i32
      %dma_start3A_330 = arith.constant 0 : i32
      %dma_start3A_331 = arith.constant 0 : i32
      %dma_start3A_332 = tpu.memref_slice %arg9[%dma_start3A_328, %dma_start3A_330, %dma_start3A_331] : memref<2x128x128xf32, #tpu.memory_space<vmem>> -> memref<1x128x128xf32, #tpu.memory_space<vmem>>
      %dma_start3A_333 = tpu.memref_squeeze %dma_start3A_332 : memref<1x128x128xf32, #tpu.memory_space<vmem>> -> memref<128x128xf32, #tpu.memory_space<vmem>>
      %dma_start3A_334 = arith.constant 0 : i32
      %dma_start3A_335 = tpu.memref_slice %arg8[%rem3A_75, %dma_start3A_329, %dma_start3A_334] : memref<3x8x128xi32, #tpu.memory_space<vmem>> -> memref<1x1x128xi32, #tpu.memory_space<vmem>>
      %dma_start3A_336 = tpu.memref_squeeze %dma_start3A_335 : memref<1x1x128xi32, #tpu.memory_space<vmem>> -> memref<128xi32, #tpu.memory_space<vmem>>
      %dma_start3A_337 = arith.constant 0 : i32
      %dma_start3A_338 = arith.constant 0 : i32
      %dma_start3A_339 = tpu.memref_slice %arg10[%dma_start3A_337, %dma_start3A_338] : memref<10128x128xf32, #tpu.memory_space<vmem_shared>> -> memref<10128x128xf32, #tpu.memory_space<vmem_shared>>
      tpu.enqueue_indirect_dma source(%dma_start3A_333 : memref<128x128xf32, #tpu.memory_space<vmem>>) target(%dma_start3A_339 : memref<10128x128xf32, #tpu.memory_space<vmem_shared>>) offsets(%dma_start3A_336 : memref<128xi32, #tpu.memory_space<vmem>>) semaphore(%arg13 : memref<!tpu.dma_semaphore, #tpu.memory_space<semaphore_mem>>) {add = true}
      %dma_wait3A_340 = arith.constant 1 : i32
      %dma_wait3A_341 = arith.constant 3 : i32
      %dma_wait3A_342 = arith.constant 0 : i32
      %dma_wait3A_343 = arith.constant 0 : i32
      %dma_wait3A_344 = tpu.memref_slice %arg9[%dma_wait3A_340, %dma_wait3A_342, %dma_wait3A_343] : memref<2x128x128xf32, #tpu.memory_space<vmem>> -> memref<1x128x128xf32, #tpu.memory_space<vmem>>
      %dma_wait3A_345 = tpu.memref_squeeze %dma_wait3A_344 : memref<1x128x128xf32, #tpu.memory_space<vmem>> -> memref<128x128xf32, #tpu.memory_space<vmem>>
      %dma_wait3A_346 = arith.constant 0 : i32
      %dma_wait3A_347 = tpu.memref_slice %arg8[%rem3A_75, %dma_wait3A_341, %dma_wait3A_346] : memref<3x8x128xi32, #tpu.memory_space<vmem>> -> memref<1x1x128xi32, #tpu.memory_space<vmem>>
      %dma_wait3A_348 = tpu.memref_squeeze %dma_wait3A_347 : memref<1x1x128xi32, #tpu.memory_space<vmem>> -> memref<128xi32, #tpu.memory_space<vmem>>
      %dma_wait3A_349 = arith.constant 0 : i32
      %dma_wait3A_350 = arith.constant 0 : i32
      %dma_wait3A_351 = tpu.memref_slice %arg10[%dma_wait3A_349, %dma_wait3A_350] : memref<10128x128xf32, #tpu.memory_space<vmem_shared>> -> memref<10128x128xf32, #tpu.memory_space<vmem_shared>>
      tpu.wait_indirect_dma semaphore(%arg14 : memref<!tpu.dma_semaphore, #tpu.memory_space<semaphore_mem>>) src(%dma_wait3A_345 : memref<128x128xf32, #tpu.memory_space<vmem>>) dst(%dma_wait3A_351 : memref<10128x128xf32, #tpu.memory_space<vmem_shared>>)
      %dma_start3A_352 = arith.constant 5 : i32
      %dma_start3A_353 = arith.constant 1 : i32
      %dma_start3A_354 = arith.constant 0 : i32
      %dma_start3A_355 = arith.constant 0 : i32
      %dma_start3A_356 = tpu.memref_slice %arg9[%dma_start3A_353, %dma_start3A_354, %dma_start3A_355] : memref<2x128x128xf32, #tpu.memory_space<vmem>> -> memref<1x128x128xf32, #tpu.memory_space<vmem>>
      %dma_start3A_357 = tpu.memref_squeeze %dma_start3A_356 : memref<1x128x128xf32, #tpu.memory_space<vmem>> -> memref<128x128xf32, #tpu.memory_space<vmem>>
      %dma_start3A_358 = arith.constant 0 : i32
      %dma_start3A_359 = tpu.memref_slice %arg7[%rem3A_75, %dma_start3A_352, %dma_start3A_358] : memref<3x8x128xi32, #tpu.memory_space<vmem>> -> memref<1x1x128xi32, #tpu.memory_space<vmem>>
      %dma_start3A_360 = tpu.memref_squeeze %dma_start3A_359 : memref<1x1x128xi32, #tpu.memory_space<vmem>> -> memref<128xi32, #tpu.memory_space<vmem>>
      %dma_start3A_361 = arith.constant 0 : i32
      %dma_start3A_362 = arith.constant 0 : i32
      %dma_start3A_363 = tpu.memref_slice %arg2[%dma_start3A_361, %dma_start3A_362] : memref<10000x128xf32, #tpu.memory_space<hbm>> -> memref<10000x128xf32, #tpu.memory_space<hbm>>
      tpu.enqueue_indirect_dma source(%dma_start3A_363 : memref<10000x128xf32, #tpu.memory_space<hbm>>) target(%dma_start3A_357 : memref<128x128xf32, #tpu.memory_space<vmem>>) offsets(%dma_start3A_360 : memref<128xi32, #tpu.memory_space<vmem>>) semaphore(%arg12 : memref<!tpu.dma_semaphore, #tpu.memory_space<semaphore_mem>>)
      %dma_wait3A_364 = arith.constant 5 : i32
      %dma_wait3A_365 = arith.constant 1 : i32
      %dma_wait3A_366 = arith.constant 0 : i32
      %dma_wait3A_367 = arith.constant 0 : i32
      %dma_wait3A_368 = tpu.memref_slice %arg9[%dma_wait3A_365, %dma_wait3A_366, %dma_wait3A_367] : memref<2x128x128xf32, #tpu.memory_space<vmem>> -> memref<1x128x128xf32, #tpu.memory_space<vmem>>
      %dma_wait3A_369 = tpu.memref_squeeze %dma_wait3A_368 : memref<1x128x128xf32, #tpu.memory_space<vmem>> -> memref<128x128xf32, #tpu.memory_space<vmem>>
      %dma_wait3A_370 = arith.constant 0 : i32
      %dma_wait3A_371 = tpu.memref_slice %arg7[%rem3A_75, %dma_wait3A_364, %dma_wait3A_370] : memref<3x8x128xi32, #tpu.memory_space<vmem>> -> memref<1x1x128xi32, #tpu.memory_space<vmem>>
      %dma_wait3A_372 = tpu.memref_squeeze %dma_wait3A_371 : memref<1x1x128xi32, #tpu.memory_space<vmem>> -> memref<128xi32, #tpu.memory_space<vmem>>
      %dma_wait3A_373 = arith.constant 0 : i32
      %dma_wait3A_374 = arith.constant 0 : i32
      %dma_wait3A_375 = tpu.memref_slice %arg2[%dma_wait3A_373, %dma_wait3A_374] : memref<10000x128xf32, #tpu.memory_space<hbm>> -> memref<10000x128xf32, #tpu.memory_space<hbm>>
      tpu.wait_indirect_dma semaphore(%arg12 : memref<!tpu.dma_semaphore, #tpu.memory_space<semaphore_mem>>) src(%dma_wait3A_375 : memref<10000x128xf32, #tpu.memory_space<hbm>>) dst(%dma_wait3A_369 : memref<128x128xf32, #tpu.memory_space<vmem>>)
      %dma_start3A_376 = arith.constant 1 : i32
      %dma_start3A_377 = arith.constant 5 : i32
      %dma_start3A_378 = arith.constant 0 : i32
      %dma_start3A_379 = arith.constant 0 : i32
      %dma_start3A_380 = tpu.memref_slice %arg9[%dma_start3A_376, %dma_start3A_378, %dma_start3A_379] : memref<2x128x128xf32, #tpu.memory_space<vmem>> -> memref<1x128x128xf32, #tpu.memory_space<vmem>>
      %dma_start3A_381 = tpu.memref_squeeze %dma_start3A_380 : memref<1x128x128xf32, #tpu.memory_space<vmem>> -> memref<128x128xf32, #tpu.memory_space<vmem>>
      %dma_start3A_382 = arith.constant 0 : i32
      %dma_start3A_383 = tpu.memref_slice %arg8[%rem3A_75, %dma_start3A_377, %dma_start3A_382] : memref<3x8x128xi32, #tpu.memory_space<vmem>> -> memref<1x1x128xi32, #tpu.memory_space<vmem>>
      %dma_start3A_384 = tpu.memref_squeeze %dma_start3A_383 : memref<1x1x128xi32, #tpu.memory_space<vmem>> -> memref<128xi32, #tpu.memory_space<vmem>>
      %dma_start3A_385 = arith.constant 0 : i32
      %dma_start3A_386 = arith.constant 0 : i32
      %dma_start3A_387 = tpu.memref_slice %arg10[%dma_start3A_385, %dma_start3A_386] : memref<10128x128xf32, #tpu.memory_space<vmem_shared>> -> memref<10128x128xf32, #tpu.memory_space<vmem_shared>>
      tpu.enqueue_indirect_dma source(%dma_start3A_381 : memref<128x128xf32, #tpu.memory_space<vmem>>) target(%dma_start3A_387 : memref<10128x128xf32, #tpu.memory_space<vmem_shared>>) offsets(%dma_start3A_384 : memref<128xi32, #tpu.memory_space<vmem>>) semaphore(%arg14 : memref<!tpu.dma_semaphore, #tpu.memory_space<semaphore_mem>>) {add = true}
      %dma_wait3A_388 = arith.constant 0 : i32
      %dma_wait3A_389 = arith.constant 4 : i32
      %dma_wait3A_390 = arith.constant 0 : i32
      %dma_wait3A_391 = arith.constant 0 : i32
      %dma_wait3A_392 = tpu.memref_slice %arg9[%dma_wait3A_388, %dma_wait3A_390, %dma_wait3A_391] : memref<2x128x128xf32, #tpu.memory_space<vmem>> -> memref<1x128x128xf32, #tpu.memory_space<vmem>>
      %dma_wait3A_393 = tpu.memref_squeeze %dma_wait3A_392 : memref<1x128x128xf32, #tpu.memory_space<vmem>> -> memref<128x128xf32, #tpu.memory_space<vmem>>
      %dma_wait3A_394 = arith.constant 0 : i32
      %dma_wait3A_395 = tpu.memref_slice %arg8[%rem3A_75, %dma_wait3A_389, %dma_wait3A_394] : memref<3x8x128xi32, #tpu.memory_space<vmem>> -> memref<1x1x128xi32, #tpu.memory_space<vmem>>
      %dma_wait3A_396 = tpu.memref_squeeze %dma_wait3A_395 : memref<1x1x128xi32, #tpu.memory_space<vmem>> -> memref<128xi32, #tpu.memory_space<vmem>>
      %dma_wait3A_397 = arith.constant 0 : i32
      %dma_wait3A_398 = arith.constant 0 : i32
      %dma_wait3A_399 = tpu.memref_slice %arg10[%dma_wait3A_397, %dma_wait3A_398] : memref<10128x128xf32, #tpu.memory_space<vmem_shared>> -> memref<10128x128xf32, #tpu.memory_space<vmem_shared>>
      tpu.wait_indirect_dma semaphore(%arg13 : memref<!tpu.dma_semaphore, #tpu.memory_space<semaphore_mem>>) src(%dma_wait3A_393 : memref<128x128xf32, #tpu.memory_space<vmem>>) dst(%dma_wait3A_399 : memref<10128x128xf32, #tpu.memory_space<vmem_shared>>)
      %dma_start3A_400 = arith.constant 6 : i32
      %dma_start3A_401 = arith.constant 0 : i32
      %dma_start3A_402 = arith.constant 0 : i32
      %dma_start3A_403 = arith.constant 0 : i32
      %dma_start3A_404 = tpu.memref_slice %arg9[%dma_start3A_401, %dma_start3A_402, %dma_start3A_403] : memref<2x128x128xf32, #tpu.memory_space<vmem>> -> memref<1x128x128xf32, #tpu.memory_space<vmem>>
      %dma_start3A_405 = tpu.memref_squeeze %dma_start3A_404 : memref<1x128x128xf32, #tpu.memory_space<vmem>> -> memref<128x128xf32, #tpu.memory_space<vmem>>
      %dma_start3A_406 = arith.constant 0 : i32
      %dma_start3A_407 = tpu.memref_slice %arg7[%rem3A_75, %dma_start3A_400, %dma_start3A_406] : memref<3x8x128xi32, #tpu.memory_space<vmem>> -> memref<1x1x128xi32, #tpu.memory_space<vmem>>
      %dma_start3A_408 = tpu.memref_squeeze %dma_start3A_407 : memref<1x1x128xi32, #tpu.memory_space<vmem>> -> memref<128xi32, #tpu.memory_space<vmem>>
      %dma_start3A_409 = arith.constant 0 : i32
      %dma_start3A_410 = arith.constant 0 : i32
      %dma_start3A_411 = tpu.memref_slice %arg2[%dma_start3A_409, %dma_start3A_410] : memref<10000x128xf32, #tpu.memory_space<hbm>> -> memref<10000x128xf32, #tpu.memory_space<hbm>>
      tpu.enqueue_indirect_dma source(%dma_start3A_411 : memref<10000x128xf32, #tpu.memory_space<hbm>>) target(%dma_start3A_405 : memref<128x128xf32, #tpu.memory_space<vmem>>) offsets(%dma_start3A_408 : memref<128xi32, #tpu.memory_space<vmem>>) semaphore(%arg12 : memref<!tpu.dma_semaphore, #tpu.memory_space<semaphore_mem>>)
      %dma_wait3A_412 = arith.constant 6 : i32
      %dma_wait3A_413 = arith.constant 0 : i32
      %dma_wait3A_414 = arith.constant 0 : i32
      %dma_wait3A_415 = arith.constant 0 : i32
      %dma_wait3A_416 = tpu.memref_slice %arg9[%dma_wait3A_413, %dma_wait3A_414, %dma_wait3A_415] : memref<2x128x128xf32, #tpu.memory_space<vmem>> -> memref<1x128x128xf32, #tpu.memory_space<vmem>>
      %dma_wait3A_417 = tpu.memref_squeeze %dma_wait3A_416 : memref<1x128x128xf32, #tpu.memory_space<vmem>> -> memref<128x128xf32, #tpu.memory_space<vmem>>
      %dma_wait3A_418 = arith.constant 0 : i32
      %dma_wait3A_419 = tpu.memref_slice %arg7[%rem3A_75, %dma_wait3A_412, %dma_wait3A_418] : memref<3x8x128xi32, #tpu.memory_space<vmem>> -> memref<1x1x128xi32, #tpu.memory_space<vmem>>
      %dma_wait3A_420 = tpu.memref_squeeze %dma_wait3A_419 : memref<1x1x128xi32, #tpu.memory_space<vmem>> -> memref<128xi32, #tpu.memory_space<vmem>>
      %dma_wait3A_421 = arith.constant 0 : i32
      %dma_wait3A_422 = arith.constant 0 : i32
      %dma_wait3A_423 = tpu.memref_slice %arg2[%dma_wait3A_421, %dma_wait3A_422] : memref<10000x128xf32, #tpu.memory_space<hbm>> -> memref<10000x128xf32, #tpu.memory_space<hbm>>
      tpu.wait_indirect_dma semaphore(%arg12 : memref<!tpu.dma_semaphore, #tpu.memory_space<semaphore_mem>>) src(%dma_wait3A_423 : memref<10000x128xf32, #tpu.memory_space<hbm>>) dst(%dma_wait3A_417 : memref<128x128xf32, #tpu.memory_space<vmem>>)
      %dma_start3A_424 = arith.constant 0 : i32
      %dma_start3A_425 = arith.constant 6 : i32
      %dma_start3A_426 = arith.constant 0 : i32
      %dma_start3A_427 = arith.constant 0 : i32
      %dma_start3A_428 = tpu.memref_slice %arg9[%dma_start3A_424, %dma_start3A_426, %dma_start3A_427] : memref<2x128x128xf32, #tpu.memory_space<vmem>> -> memref<1x128x128xf32, #tpu.memory_space<vmem>>
      %dma_start3A_429 = tpu.memref_squeeze %dma_start3A_428 : memref<1x128x128xf32, #tpu.memory_space<vmem>> -> memref<128x128xf32, #tpu.memory_space<vmem>>
      %dma_start3A_430 = arith.constant 0 : i32
      %dma_start3A_431 = tpu.memref_slice %arg8[%rem3A_75, %dma_start3A_425, %dma_start3A_430] : memref<3x8x128xi32, #tpu.memory_space<vmem>> -> memref<1x1x128xi32, #tpu.memory_space<vmem>>
      %dma_start3A_432 = tpu.memref_squeeze %dma_start3A_431 : memref<1x1x128xi32, #tpu.memory_space<vmem>> -> memref<128xi32, #tpu.memory_space<vmem>>
      %dma_start3A_433 = arith.constant 0 : i32
      %dma_start3A_434 = arith.constant 0 : i32
      %dma_start3A_435 = tpu.memref_slice %arg10[%dma_start3A_433, %dma_start3A_434] : memref<10128x128xf32, #tpu.memory_space<vmem_shared>> -> memref<10128x128xf32, #tpu.memory_space<vmem_shared>>
      tpu.enqueue_indirect_dma source(%dma_start3A_429 : memref<128x128xf32, #tpu.memory_space<vmem>>) target(%dma_start3A_435 : memref<10128x128xf32, #tpu.memory_space<vmem_shared>>) offsets(%dma_start3A_432 : memref<128xi32, #tpu.memory_space<vmem>>) semaphore(%arg13 : memref<!tpu.dma_semaphore, #tpu.memory_space<semaphore_mem>>) {add = true}
      %dma_wait3A_436 = arith.constant 1 : i32
      %dma_wait3A_437 = arith.constant 5 : i32
      %dma_wait3A_438 = arith.constant 0 : i32
      %dma_wait3A_439 = arith.constant 0 : i32
      %dma_wait3A_440 = tpu.memref_slice %arg9[%dma_wait3A_436, %dma_wait3A_438, %dma_wait3A_439] : memref<2x128x128xf32, #tpu.memory_space<vmem>> -> memref<1x128x128xf32, #tpu.memory_space<vmem>>
      %dma_wait3A_441 = tpu.memref_squeeze %dma_wait3A_440 : memref<1x128x128xf32, #tpu.memory_space<vmem>> -> memref<128x128xf32, #tpu.memory_space<vmem>>
      %dma_wait3A_442 = arith.constant 0 : i32
      %dma_wait3A_443 = tpu.memref_slice %arg8[%rem3A_75, %dma_wait3A_437, %dma_wait3A_442] : memref<3x8x128xi32, #tpu.memory_space<vmem>> -> memref<1x1x128xi32, #tpu.memory_space<vmem>>
      %dma_wait3A_444 = tpu.memref_squeeze %dma_wait3A_443 : memref<1x1x128xi32, #tpu.memory_space<vmem>> -> memref<128xi32, #tpu.memory_space<vmem>>
      %dma_wait3A_445 = arith.constant 0 : i32
      %dma_wait3A_446 = arith.constant 0 : i32
      %dma_wait3A_447 = tpu.memref_slice %arg10[%dma_wait3A_445, %dma_wait3A_446] : memref<10128x128xf32, #tpu.memory_space<vmem_shared>> -> memref<10128x128xf32, #tpu.memory_space<vmem_shared>>
      tpu.wait_indirect_dma semaphore(%arg14 : memref<!tpu.dma_semaphore, #tpu.memory_space<semaphore_mem>>) src(%dma_wait3A_441 : memref<128x128xf32, #tpu.memory_space<vmem>>) dst(%dma_wait3A_447 : memref<10128x128xf32, #tpu.memory_space<vmem_shared>>)
      %dma_start3A_448 = arith.constant 7 : i32
      %dma_start3A_449 = arith.constant 1 : i32
      %dma_start3A_450 = arith.constant 0 : i32
      %dma_start3A_451 = arith.constant 0 : i32
      %dma_start3A_452 = tpu.memref_slice %arg9[%dma_start3A_449, %dma_start3A_450, %dma_start3A_451] : memref<2x128x128xf32, #tpu.memory_space<vmem>> -> memref<1x128x128xf32, #tpu.memory_space<vmem>>
      %dma_start3A_453 = tpu.memref_squeeze %dma_start3A_452 : memref<1x128x128xf32, #tpu.memory_space<vmem>> -> memref<128x128xf32, #tpu.memory_space<vmem>>
      %dma_start3A_454 = arith.constant 0 : i32
      %dma_start3A_455 = tpu.memref_slice %arg7[%rem3A_75, %dma_start3A_448, %dma_start3A_454] : memref<3x8x128xi32, #tpu.memory_space<vmem>> -> memref<1x1x128xi32, #tpu.memory_space<vmem>>
      %dma_start3A_456 = tpu.memref_squeeze %dma_start3A_455 : memref<1x1x128xi32, #tpu.memory_space<vmem>> -> memref<128xi32, #tpu.memory_space<vmem>>
      %dma_start3A_457 = arith.constant 0 : i32
      %dma_start3A_458 = arith.constant 0 : i32
      %dma_start3A_459 = tpu.memref_slice %arg2[%dma_start3A_457, %dma_start3A_458] : memref<10000x128xf32, #tpu.memory_space<hbm>> -> memref<10000x128xf32, #tpu.memory_space<hbm>>
      tpu.enqueue_indirect_dma source(%dma_start3A_459 : memref<10000x128xf32, #tpu.memory_space<hbm>>) target(%dma_start3A_453 : memref<128x128xf32, #tpu.memory_space<vmem>>) offsets(%dma_start3A_456 : memref<128xi32, #tpu.memory_space<vmem>>) semaphore(%arg12 : memref<!tpu.dma_semaphore, #tpu.memory_space<semaphore_mem>>)
      %dma_wait3A_460 = arith.constant 7 : i32
      %dma_wait3A_461 = arith.constant 1 : i32
      %dma_wait3A_462 = arith.constant 0 : i32
      %dma_wait3A_463 = arith.constant 0 : i32
      %dma_wait3A_464 = tpu.memref_slice %arg9[%dma_wait3A_461, %dma_wait3A_462, %dma_wait3A_463] : memref<2x128x128xf32, #tpu.memory_space<vmem>> -> memref<1x128x128xf32, #tpu.memory_space<vmem>>
      %dma_wait3A_465 = tpu.memref_squeeze %dma_wait3A_464 : memref<1x128x128xf32, #tpu.memory_space<vmem>> -> memref<128x128xf32, #tpu.memory_space<vmem>>
      %dma_wait3A_466 = arith.constant 0 : i32
      %dma_wait3A_467 = tpu.memref_slice %arg7[%rem3A_75, %dma_wait3A_460, %dma_wait3A_466] : memref<3x8x128xi32, #tpu.memory_space<vmem>> -> memref<1x1x128xi32, #tpu.memory_space<vmem>>
      %dma_wait3A_468 = tpu.memref_squeeze %dma_wait3A_467 : memref<1x1x128xi32, #tpu.memory_space<vmem>> -> memref<128xi32, #tpu.memory_space<vmem>>
      %dma_wait3A_469 = arith.constant 0 : i32
      %dma_wait3A_470 = arith.constant 0 : i32
      %dma_wait3A_471 = tpu.memref_slice %arg2[%dma_wait3A_469, %dma_wait3A_470] : memref<10000x128xf32, #tpu.memory_space<hbm>> -> memref<10000x128xf32, #tpu.memory_space<hbm>>
      tpu.wait_indirect_dma semaphore(%arg12 : memref<!tpu.dma_semaphore, #tpu.memory_space<semaphore_mem>>) src(%dma_wait3A_471 : memref<10000x128xf32, #tpu.memory_space<hbm>>) dst(%dma_wait3A_465 : memref<128x128xf32, #tpu.memory_space<vmem>>)
      %dma_start3A_472 = arith.constant 1 : i32
      %dma_start3A_473 = arith.constant 7 : i32
      %dma_start3A_474 = arith.constant 0 : i32
      %dma_start3A_475 = arith.constant 0 : i32
      %dma_start3A_476 = tpu.memref_slice %arg9[%dma_start3A_472, %dma_start3A_474, %dma_start3A_475] : memref<2x128x128xf32, #tpu.memory_space<vmem>> -> memref<1x128x128xf32, #tpu.memory_space<vmem>>
      %dma_start3A_477 = tpu.memref_squeeze %dma_start3A_476 : memref<1x128x128xf32, #tpu.memory_space<vmem>> -> memref<128x128xf32, #tpu.memory_space<vmem>>
      %dma_start3A_478 = arith.constant 0 : i32
      %dma_start3A_479 = tpu.memref_slice %arg8[%rem3A_75, %dma_start3A_473, %dma_start3A_478] : memref<3x8x128xi32, #tpu.memory_space<vmem>> -> memref<1x1x128xi32, #tpu.memory_space<vmem>>
      %dma_start3A_480 = tpu.memref_squeeze %dma_start3A_479 : memref<1x1x128xi32, #tpu.memory_space<vmem>> -> memref<128xi32, #tpu.memory_space<vmem>>
      %dma_start3A_481 = arith.constant 0 : i32
      %dma_start3A_482 = arith.constant 0 : i32
      %dma_start3A_483 = tpu.memref_slice %arg10[%dma_start3A_481, %dma_start3A_482] : memref<10128x128xf32, #tpu.memory_space<vmem_shared>> -> memref<10128x128xf32, #tpu.memory_space<vmem_shared>>
      tpu.enqueue_indirect_dma source(%dma_start3A_477 : memref<128x128xf32, #tpu.memory_space<vmem>>) target(%dma_start3A_483 : memref<10128x128xf32, #tpu.memory_space<vmem_shared>>) offsets(%dma_start3A_480 : memref<128xi32, #tpu.memory_space<vmem>>) semaphore(%arg14 : memref<!tpu.dma_semaphore, #tpu.memory_space<semaphore_mem>>) {add = true}
    }
    %scan3A_37 = arith.constant 10 : i32
    %dma_wait3A = arith.constant 0 : i32
    %dma_wait3A_38 = arith.constant 0 : i32
    %dma_wait3A_39 = arith.constant 6 : i32
    %dma_wait3A_40 = arith.constant 0 : i32
    %dma_wait3A_41 = arith.constant 0 : i32
    %dma_wait3A_42 = tpu.memref_slice %arg9[%dma_wait3A, %dma_wait3A_40, %dma_wait3A_41] : memref<2x128x128xf32, #tpu.memory_space<vmem>> -> memref<1x128x128xf32, #tpu.memory_space<vmem>>
    %dma_wait3A_43 = tpu.memref_squeeze %dma_wait3A_42 : memref<1x128x128xf32, #tpu.memory_space<vmem>> -> memref<128x128xf32, #tpu.memory_space<vmem>>
    %dma_wait3A_44 = arith.constant 0 : i32
    %dma_wait3A_45 = tpu.memref_slice %arg8[%dma_wait3A_38, %dma_wait3A_39, %dma_wait3A_44] : memref<3x8x128xi32, #tpu.memory_space<vmem>> -> memref<1x1x128xi32, #tpu.memory_space<vmem>>
    %dma_wait3A_46 = tpu.memref_squeeze %dma_wait3A_45 : memref<1x1x128xi32, #tpu.memory_space<vmem>> -> memref<128xi32, #tpu.memory_space<vmem>>
    %dma_wait3A_47 = arith.constant 0 : i32
    %dma_wait3A_48 = arith.constant 0 : i32
    %dma_wait3A_49 = tpu.memref_slice %arg10[%dma_wait3A_47, %dma_wait3A_48] : memref<10128x128xf32, #tpu.memory_space<vmem_shared>> -> memref<10128x128xf32, #tpu.memory_space<vmem_shared>>
    tpu.wait_indirect_dma semaphore(%arg13 : memref<!tpu.dma_semaphore, #tpu.memory_space<semaphore_mem>>) src(%dma_wait3A_43 : memref<128x128xf32, #tpu.memory_space<vmem>>) dst(%dma_wait3A_49 : memref<10128x128xf32, #tpu.memory_space<vmem_shared>>)
    %dma_wait3A_50 = arith.constant 1 : i32
    %dma_wait3A_51 = arith.constant 0 : i32
    %dma_wait3A_52 = arith.constant 7 : i32
    %dma_wait3A_53 = arith.constant 0 : i32
    %dma_wait3A_54 = arith.constant 0 : i32
    %dma_wait3A_55 = tpu.memref_slice %arg9[%dma_wait3A_50, %dma_wait3A_53, %dma_wait3A_54] : memref<2x128x128xf32, #tpu.memory_space<vmem>> -> memref<1x128x128xf32, #tpu.memory_space<vmem>>
    %dma_wait3A_56 = tpu.memref_squeeze %dma_wait3A_55 : memref<1x128x128xf32, #tpu.memory_space<vmem>> -> memref<128x128xf32, #tpu.memory_space<vmem>>
    %dma_wait3A_57 = arith.constant 0 : i32
    %dma_wait3A_58 = tpu.memref_slice %arg8[%dma_wait3A_51, %dma_wait3A_52, %dma_wait3A_57] : memref<3x8x128xi32, #tpu.memory_space<vmem>> -> memref<1x1x128xi32, #tpu.memory_space<vmem>>
    %dma_wait3A_59 = tpu.memref_squeeze %dma_wait3A_58 : memref<1x1x128xi32, #tpu.memory_space<vmem>> -> memref<128xi32, #tpu.memory_space<vmem>>
    %dma_wait3A_60 = arith.constant 0 : i32
    %dma_wait3A_61 = arith.constant 0 : i32
    %dma_wait3A_62 = tpu.memref_slice %arg10[%dma_wait3A_60, %dma_wait3A_61] : memref<10128x128xf32, #tpu.memory_space<vmem_shared>> -> memref<10128x128xf32, #tpu.memory_space<vmem_shared>>
    tpu.wait_indirect_dma semaphore(%arg14 : memref<!tpu.dma_semaphore, #tpu.memory_space<semaphore_mem>>) src(%dma_wait3A_56 : memref<128x128xf32, #tpu.memory_space<vmem>>) dst(%dma_wait3A_62 : memref<10128x128xf32, #tpu.memory_space<vmem_shared>>)
    %barrier3A_63 = arith.constant 0 : index
    tpu.barrier barrier_id(%barrier3A_63)
    "tpu.region"() ({
      %run_scoped3A = tpu.sem_alloc : memref<!tpu.dma_semaphore, #tpu.memory_space<semaphore_mem>>
      %dma_start3A_69 = arith.constant 0 : i32
      %dma_start3A_70 = tpu.memref_slice %arg6[%arg0, %mul3A_0, %dma_start3A_69] : memref<2x10000x128xf32, #tpu.memory_space<hbm>> -> memref<1x624x128xf32, #tpu.memory_space<hbm>>
      %dma_start3A_71 = tpu.memref_squeeze %dma_start3A_70 : memref<1x624x128xf32, #tpu.memory_space<hbm>> -> memref<624x128xf32, #tpu.memory_space<hbm>>
      %dma_start3A_72 = arith.constant 0 : i32
      %dma_start3A_73 = tpu.memref_slice %arg10[%mul3A_0, %dma_start3A_72] : memref<10128x128xf32, #tpu.memory_space<vmem_shared>> -> memref<624x128xf32, #tpu.memory_space<vmem_shared>>
      tpu.enqueue_dma source(%dma_start3A_73 : memref<624x128xf32, #tpu.memory_space<vmem_shared>>) target(%dma_start3A_71 : memref<624x128xf32, #tpu.memory_space<hbm>>) target_semaphore(%run_scoped3A : memref<!tpu.dma_semaphore, #tpu.memory_space<semaphore_mem>>)
      %dma_wait3A_74 = arith.constant 0 : i32
      %dma_wait3A_75 = tpu.memref_slice %arg6[%arg0, %mul3A_0, %dma_wait3A_74] : memref<2x10000x128xf32, #tpu.memory_space<hbm>> -> memref<1x624x128xf32, #tpu.memory_space<hbm>>
      %dma_wait3A_76 = tpu.memref_squeeze %dma_wait3A_75 : memref<1x624x128xf32, #tpu.memory_space<hbm>> -> memref<624x128xf32, #tpu.memory_space<hbm>>
      %dma_wait3A_77 = arith.constant 0 : i32
      %dma_wait3A_78 = tpu.memref_slice %arg10[%mul3A_0, %dma_wait3A_77] : memref<10128x128xf32, #tpu.memory_space<vmem_shared>> -> memref<624x128xf32, #tpu.memory_space<vmem_shared>>
      tpu.wait_dma2 semaphore(%run_scoped3A : memref<!tpu.dma_semaphore, #tpu.memory_space<semaphore_mem>>) src(%dma_wait3A_78 : memref<624x128xf32, #tpu.memory_space<vmem_shared>>) dst(%dma_wait3A_76 : memref<624x128xf32, #tpu.memory_space<hbm>>)
      tpu.yield
    }) : () -> ()
    %eq3A_64 = arith.constant 0 : i32
    %eq3A_65 = arith.cmpi eq, %arg1, %eq3A_64 : i32
    %convert_element_type3A_66 = arith.extui %eq3A_65 : i1 to i32
    %cond3A_67 = arith.constant 0 : i32
    %cond3A_68 = arith.cmpi ne, %convert_element_type3A_66, %cond3A_67 : i32
    scf.if %cond3A_68 {
      "tpu.region"() ({
        %run_scoped3A = tpu.sem_alloc : memref<!tpu.dma_semaphore, #tpu.memory_space<semaphore_mem>>
        %dma_start3A_69 = arith.constant 9984 : i32
        %dma_start3A_70 = arith.constant 0 : i32
        %dma_start3A_71 = tpu.memref_slice %arg6[%arg0, %dma_start3A_69, %dma_start3A_70] : memref<2x10000x128xf32, #tpu.memory_space<hbm>> -> memref<1x16x128xf32, #tpu.memory_space<hbm>>
        %dma_start3A_72 = tpu.memref_squeeze %dma_start3A_71 : memref<1x16x128xf32, #tpu.memory_space<hbm>> -> memref<16x128xf32, #tpu.memory_space<hbm>>
        %dma_start3A_73 = arith.constant 9984 : i32
        %dma_start3A_74 = arith.constant 0 : i32
        %dma_start3A_75 = tpu.memref_slice %arg10[%dma_start3A_73, %dma_start3A_74] : memref<10128x128xf32, #tpu.memory_space<vmem_shared>> -> memref<16x128xf32, #tpu.memory_space<vmem_shared>>
        tpu.enqueue_dma source(%dma_start3A_75 : memref<16x128xf32, #tpu.memory_space<vmem_shared>>) target(%dma_start3A_72 : memref<16x128xf32, #tpu.memory_space<hbm>>) target_semaphore(%run_scoped3A : memref<!tpu.dma_semaphore, #tpu.memory_space<semaphore_mem>>)
        %dma_wait3A_76 = arith.constant 9984 : i32
        %dma_wait3A_77 = arith.constant 0 : i32
        %dma_wait3A_78 = tpu.memref_slice %arg6[%arg0, %dma_wait3A_76, %dma_wait3A_77] : memref<2x10000x128xf32, #tpu.memory_space<hbm>> -> memref<1x16x128xf32, #tpu.memory_space<hbm>>
        %dma_wait3A_79 = tpu.memref_squeeze %dma_wait3A_78 : memref<1x16x128xf32, #tpu.memory_space<hbm>> -> memref<16x128xf32, #tpu.memory_space<hbm>>
        %dma_wait3A_80 = arith.constant 9984 : i32
        %dma_wait3A_81 = arith.constant 0 : i32
        %dma_wait3A_82 = tpu.memref_slice %arg10[%dma_wait3A_80, %dma_wait3A_81] : memref<10128x128xf32, #tpu.memory_space<vmem_shared>> -> memref<16x128xf32, #tpu.memory_space<vmem_shared>>
        tpu.wait_dma2 semaphore(%run_scoped3A : memref<!tpu.dma_semaphore, #tpu.memory_space<semaphore_mem>>) src(%dma_wait3A_82 : memref<16x128xf32, #tpu.memory_space<vmem_shared>>) dst(%dma_wait3A_79 : memref<16x128xf32, #tpu.memory_space<hbm>>)
        tpu.yield
      }) : () -> ()
    } else {
    }
    return
  }
}

module attributes {stable_mosaic.version = 14 : i64} {
  func.func @_prep_body(%arg0: memref<10000x128xf32, #tpu.memory_space<vmem>>, %arg1: memref<10000x128xf32, #tpu.memory_space<vmem>>, %arg2: memref<10000x128xf32, #tpu.memory_space<vmem>>) attributes {dimension_semantics = [], scalar_prefetch = 0 : i64, scratch_operands = 0 : i64, tpu.core_type = #tpu.core_type<tc>} {
    %get3A = arith.constant 0 : index
    %get3A_0 = arith.constant 0 : index
    %get3A_1 = vector.load %arg1[%get3A, %get3A_0] : memref<10000x128xf32, #tpu.memory_space<vmem>>, vector<10000x1xf32>
    %max3A = arith.constant 1.000000e+00 : f32
    %max3A_2 = vector.broadcast %max3A : f32 to vector<10000x1xf32>
    %max3A_3 = arith.maximumf %get3A_1, %max3A_2 : vector<10000x1xf32>
    %rsqrt3A = math.rsqrt %max3A_3 : vector<10000x1xf32>
    %get3A_4 = arith.constant 0 : index
    %get3A_5 = arith.constant 0 : index
    %get3A_6 = vector.load %arg0[%get3A_4, %get3A_5] : memref<10000x128xf32, #tpu.memory_space<vmem>>, vector<10000x128xf32>
    %mul3A = vector.broadcast %rsqrt3A : vector<10000x1xf32> to vector<10000x128xf32>
    %mul3A_7 = arith.mulf %get3A_6, %mul3A : vector<10000x128xf32>
    %swap3A = arith.constant 0 : index
    %swap3A_8 = arith.constant 0 : index
    %swap3A_9 = vector.load %arg2[%swap3A, %swap3A_8] : memref<10000x128xf32, #tpu.memory_space<vmem>>, vector<10000x128xf32>
    tpu.vector_store %arg2[%swap3A, %swap3A_8], %mul3A_7 {strides = array<i32>} : memref<10000x128xf32, #tpu.memory_space<vmem>>, vector<10000x128xf32>,
    return
  }
}

module attributes {stable_mosaic.version = 14 : i64} {
  func.func @_layer1_body(%arg0: memref<2x10000x128xf32, #tpu.memory_space<vmem>>, %arg1: memref<10000x128xf32, #tpu.memory_space<vmem>>, %arg2: memref<10000x128xf32, #tpu.memory_space<vmem>>, %arg3: memref<128x128xf32, #tpu.memory_space<vmem>>, %arg4: memref<128xf32, #tpu.memory_space<vmem>>, %arg5: memref<10000x128xf32, #tpu.memory_space<vmem>>) attributes {dimension_semantics = [], scalar_prefetch = 0 : i64, scratch_operands = 0 : i64, tpu.core_type = #tpu.core_type<tc>} {
    %get3A = arith.constant 0 : index
    %get3A_0 = arith.constant 0 : index
    %get3A_1 = arith.constant 0 : index
    %get3A_2 = vector.load %arg0[%get3A, %get3A_0, %get3A_1] : memref<2x10000x128xf32, #tpu.memory_space<vmem>>, vector<1x10000x128xf32>
    %get3A_3 = vector.shape_cast %get3A_2 : vector<1x10000x128xf32> to vector<10000x128xf32>
    %get3A_4 = arith.constant 1 : index
    %get3A_5 = arith.constant 0 : index
    %get3A_6 = arith.constant 0 : index
    %get3A_7 = vector.load %arg0[%get3A_4, %get3A_5, %get3A_6] : memref<2x10000x128xf32, #tpu.memory_space<vmem>>, vector<1x10000x128xf32>
    %get3A_8 = vector.shape_cast %get3A_7 : vector<1x10000x128xf32> to vector<10000x128xf32>
    %add3A = arith.addf %get3A_3, %get3A_8 : vector<10000x128xf32>
    %get3A_9 = arith.constant 0 : index
    %get3A_10 = arith.constant 0 : index
    %get3A_11 = vector.load %arg1[%get3A_9, %get3A_10] : memref<10000x128xf32, #tpu.memory_space<vmem>>, vector<10000x1xf32>
    %max3A = arith.constant 1.000000e+00 : f32
    %max3A_12 = vector.broadcast %max3A : f32 to vector<10000x1xf32>
    %max3A_13 = arith.maximumf %get3A_11, %max3A_12 : vector<10000x1xf32>
    %rsqrt3A = math.rsqrt %max3A_13 : vector<10000x1xf32>
    %get3A_14 = arith.constant 0 : index
    %get3A_15 = arith.constant 0 : index
    %get3A_16 = vector.load %arg2[%get3A_14, %get3A_15] : memref<10000x128xf32, #tpu.memory_space<vmem>>, vector<10000x1xf32>
    %max3A_17 = arith.constant 1.000000e+00 : f32
    %max3A_18 = vector.broadcast %max3A_17 : f32 to vector<10000x1xf32>
    %max3A_19 = arith.maximumf %get3A_16, %max3A_18 : vector<10000x1xf32>
    %rsqrt3A_20 = math.rsqrt %max3A_19 : vector<10000x1xf32>
    %mul3A = vector.broadcast %rsqrt3A : vector<10000x1xf32> to vector<10000x128xf32>
    %mul3A_21 = arith.mulf %add3A, %mul3A : vector<10000x128xf32>
    %get3A_22 = arith.constant 0 : index
    %get3A_23 = arith.constant 0 : index
    %get3A_24 = vector.load %arg3[%get3A_22, %get3A_23] : memref<128x128xf32, #tpu.memory_space<vmem>>, vector<128x128xf32>
    %dot_general3A = arith.constant dense<0.000000e+00> : vector<10000x128xf32>
    %dot_general3A_25 = tpu.matmul %mul3A_21, %get3A_24, %dot_general3A {dimension_numbers = #tpu.dot_dimension_numbers<[1], [0], [0], [1], [0, 0, 1, 1], [], []>, transpose_lhs_hint = false} : vector<10000x128xf32>, vector<128x128xf32>, vector<10000x128xf32> -> vector<10000x128xf32>
    %get3A_26 = arith.constant 0 : index
    %get3A_27 = vector.load %arg4[%get3A_26] : memref<128xf32, #tpu.memory_space<vmem>>, vector<128xf32>
    %broadcast_in_dim3A = vector.shape_cast %get3A_27 : vector<128xf32> to vector<1x128xf32>
    %add3A_28 = vector.broadcast %broadcast_in_dim3A : vector<1x128xf32> to vector<10000x128xf32>
    %add3A_29 = arith.addf %dot_general3A_25, %add3A_28 : vector<10000x128xf32>
    %gt3A = arith.constant 0.000000e+00 : f32
    %gt3A_30 = vector.broadcast %gt3A : f32 to vector<10000x128xf32>
    %gt3A_31 = arith.cmpf ogt, %add3A_29, %gt3A_30 : vector<10000x128xf32>
    %min3A = arith.constant 0.000000e+00 : f32
    %min3A_32 = vector.broadcast %min3A : f32 to vector<10000x128xf32>
    %min3A_33 = arith.minimumf %add3A_29, %min3A_32 : vector<10000x128xf32>
    %exp3A = math.exp %min3A_33 : vector<10000x128xf32>
    %sub3A = arith.constant 1.000000e+00 : f32
    %sub3A_34 = vector.broadcast %sub3A : f32 to vector<10000x128xf32>
    %sub3A_35 = arith.subf %exp3A, %sub3A_34 : vector<10000x128xf32>
    %select_n3A = arith.select %gt3A_31, %add3A_29, %sub3A_35 : vector<10000x128xi1>, vector<10000x128xf32>
    %mul3A_36 = vector.broadcast %rsqrt3A_20 : vector<10000x1xf32> to vector<10000x128xf32>
    %mul3A_37 = arith.mulf %select_n3A, %mul3A_36 : vector<10000x128xf32>
    %swap3A = arith.constant 0 : index
    %swap3A_38 = arith.constant 0 : index
    %swap3A_39 = vector.load %arg5[%swap3A, %swap3A_38] : memref<10000x128xf32, #tpu.memory_space<vmem>>, vector<10000x128xf32>
    tpu.vector_store %arg5[%swap3A, %swap3A_38], %mul3A_37 {strides = array<i32>} : memref<10000x128xf32, #tpu.memory_space<vmem>>, vector<10000x128xf32>,
    return
  }
}

module attributes {stable_mosaic.version = 14 : i64} {
  func.func @_layer2_body(%arg0: memref<2x10000x128xf32, #tpu.memory_space<vmem>>, %arg1: memref<10000x128xf32, #tpu.memory_space<vmem>>, %arg2: memref<128x128xf32, #tpu.memory_space<vmem>>, %arg3: memref<128xf32, #tpu.memory_space<vmem>>, %arg4: memref<10000x128xf32, #tpu.memory_space<vmem>>) attributes {dimension_semantics = [], scalar_prefetch = 0 : i64, scratch_operands = 0 : i64, tpu.core_type = #tpu.core_type<tc>} {
    %get3A = arith.constant 0 : index
    %get3A_0 = arith.constant 0 : index
    %get3A_1 = arith.constant 0 : index
    %get3A_2 = vector.load %arg0[%get3A, %get3A_0, %get3A_1] : memref<2x10000x128xf32, #tpu.memory_space<vmem>>, vector<1x10000x128xf32>
    %get3A_3 = vector.shape_cast %get3A_2 : vector<1x10000x128xf32> to vector<10000x128xf32>
    %get3A_4 = arith.constant 1 : index
    %get3A_5 = arith.constant 0 : index
    %get3A_6 = arith.constant 0 : index
    %get3A_7 = vector.load %arg0[%get3A_4, %get3A_5, %get3A_6] : memref<2x10000x128xf32, #tpu.memory_space<vmem>>, vector<1x10000x128xf32>
    %get3A_8 = vector.shape_cast %get3A_7 : vector<1x10000x128xf32> to vector<10000x128xf32>
    %add3A = arith.addf %get3A_3, %get3A_8 : vector<10000x128xf32>
    %get3A_9 = arith.constant 0 : index
    %get3A_10 = arith.constant 0 : index
    %get3A_11 = vector.load %arg1[%get3A_9, %get3A_10] : memref<10000x128xf32, #tpu.memory_space<vmem>>, vector<10000x1xf32>
    %max3A = arith.constant 1.000000e+00 : f32
    %max3A_12 = vector.broadcast %max3A : f32 to vector<10000x1xf32>
    %max3A_13 = arith.maximumf %get3A_11, %max3A_12 : vector<10000x1xf32>
    %rsqrt3A = math.rsqrt %max3A_13 : vector<10000x1xf32>
    %mul3A = vector.broadcast %rsqrt3A : vector<10000x1xf32> to vector<10000x128xf32>
    %mul3A_14 = arith.mulf %add3A, %mul3A : vector<10000x128xf32>
    %get3A_15 = arith.constant 0 : index
    %get3A_16 = arith.constant 0 : index
    %get3A_17 = vector.load %arg2[%get3A_15, %get3A_16] : memref<128x128xf32, #tpu.memory_space<vmem>>, vector<128x128xf32>
    %dot_general3A = arith.constant dense<0.000000e+00> : vector<10000x128xf32>
    %dot_general3A_18 = tpu.matmul %mul3A_14, %get3A_17, %dot_general3A {dimension_numbers = #tpu.dot_dimension_numbers<[1], [0], [0], [1], [0, 0, 1, 1], [], []>, transpose_lhs_hint = false} : vector<10000x128xf32>, vector<128x128xf32>, vector<10000x128xf32> -> vector<10000x128xf32>
    %get3A_19 = arith.constant 0 : index
    %get3A_20 = vector.load %arg3[%get3A_19] : memref<128xf32, #tpu.memory_space<vmem>>, vector<128xf32>
    %broadcast_in_dim3A = vector.shape_cast %get3A_20 : vector<128xf32> to vector<1x128xf32>
    %add3A_21 = vector.broadcast %broadcast_in_dim3A : vector<1x128xf32> to vector<10000x128xf32>
    %add3A_22 = arith.addf %dot_general3A_18, %add3A_21 : vector<10000x128xf32>
    %swap3A = arith.constant 0 : index
    %swap3A_23 = arith.constant 0 : index
    %swap3A_24 = vector.load %arg4[%swap3A, %swap3A_23] : memref<10000x128xf32, #tpu.memory_space<vmem>>, vector<10000x128xf32>
    tpu.vector_store %arg4[%swap3A, %swap3A_23], %add3A_22 {strides = array<i32>} : memref<10000x128xf32, #tpu.memory_space<vmem>>, vector<10000x128xf32>,
    return
  }
}

</mosaic_0001>

<sc_bundles>
// kernel: kernel.11.cloned.1.call-start
scs
__scs_entry_jumppad:
0x0: {  	(pc) =	sbr.rel $0x88, $3  }
0x1: {  	(tag) =	ssettag $0x0;
	lr =	simm.s32 $0x1  }
0x2: {  	[smem:$0x3F9B] =	sst lr;
	_ =	strace $0xD0000000  }
0x3: {  	_ = 	snop  }
0x4: {  	_ = 	snop  }
0x5: {  	_ = 	snop  }
0x6: {  	_ = 	snop  }
0x7: {  	_ = 	snop  }
__scs_overlays_trampoline_lowered:
0x8: {  	[smem:$0x3FAA] =	sst s0  }
0x9: {  	[smem:$0x3FAB] =	sst s1  }
0xa: {  	[smem:$0x3FAC] =	sst s2  }
0xb: {  	[smem:$0x3FAD] =	sst s3  }
0xc: {  	[smem:$0x3FAE] =	sst s4  }
0xd: {  	[smem:$0x3FAF] =	sst s5  }
0xe: {  	[smem:$0x3FB0] =	sst s6  }
0xf: {  	[smem:$0x3FB1] =	sst s7  }
0x10: {  	[smem:$0x3FB2] =	sst s8  }
0x11: {  	[smem:$0x3FB3] =	sst s9;
	s0 =	simm.s32 @!p0 $0x0  }
0x12: {  	s1 =	sld [smem:$0x3F99];
	s0 =	simm.s32 @p0 $0x1  }
0x13: {  	[smem:$0x3FB4] =	sst s0;
	s0 =	simm.s32 @!p1 $0x0  }
0x14: {  	s2 =	sld [smem:$0x3F98];
	s0 =	simm.s32 @p1 $0x1  }
0x15: {  	[smem:$0x3FB5] =	sst s0;
	s0 =	simm.s32 @!p2 $0x0  }
0x16: {  	s3 =	sld [smem:$0x3FDB];
	s0 =	simm.s32 @p2 $0x1  }
0x17: {  	s4 =	simm.s32 $0x1BF5;
	[smem:$0x3FB7] =	sst s0  }
0x18: {  	s0 =	sld [smem:$0x3F9A];
	_ =	swait.ge [sflag:s4], $0x0  }
0x19: {  	s7 =	sld [smem:$0x3F9B]  }
0x1a: {  	s8 =	sadd.s32 $0xFFFFE003, lr  }
0x1b: {  	s9 =	sadd.s32 $0xFFFFFEF7, lr;
	s5 =	simm.s32 $0xFFFFFFFF;
	p2 =	slt.u32 s8, $0xFFFFF086  }
0x1c: {  	p1 =	slt.u32 s9, $0xF7A;
	s5 =	simm.s32 @!p2 $0x0  }
0x1d: {  	s5 =	simm.s32 @p1 $0x1;
	p0 =	seq.s32 s7, s2  }
0x1e: {  	s7 =	smul.u32 @!p0 $0xF7A, s2;
	p2 =	seq.s32 @!p0 s5, $0x0  }
0x1f: {  	s9 =	smul.u32 $0xF7A, s1;
	s8 =	simm.s32 @!p0 $0x1BF5;
	p2 =	por !p2, p0  }
0x20: {  	[sflag:s8] =	ssyncset.s32 @!p0 $0xFFFFF086;
	s6 =	sadd.s32 @!p0 s3, s7;
	s7 =	simm.s32 @!p0 $0x108  }
0x21: {  	s3 =	sadd.s32 s3, s9;
	s6 =	sadd.s32 @!p0 $0x88, s6;
	s7 =	simm.s32 @p2 $0x1082  }
0x22: {  	[simem:s7], [sflag:s8] =	dma.local @!p0 [hbm:s6], $0xF7A  }
0x23: {  	s9 =	sor.u32 $0xD0000000, s2;
	s6 =	simm.s32 $0x108;
	_ =	swait.ge @!p0 [sflag:s8], $0x0  }
0x24: {  	s3 =	sadd.s32 $0x88, s3;
	s6 =	simm.s32 @!p1 $0x1082;
	[sflag:s4] =	ssyncset.s32 $0xFFFFF086  }
0x25: {  	[simem:s6], [sflag:s4] =	dma.local [hbm:s3], $0xF7A  }
0x26: {  	[smem:$0x3F9B] =	sst s1;
	(tag) =	ssettag s2;
	_ =	strace s9  }
0x27: {  	s1 =	sld [smem:$0x3FAB]  }
0x28: {  	s2 =	sld [smem:$0x3FAC]  }
0x29: {  	s4 =	sld [smem:$0x3FAE]  }
0x2a: {  	p0 =	seq.s32 s5, $0x0;
	s5 =	sld [smem:$0x3FAF]  }
0x2b: {  	s6 =	sld [smem:$0x3FB0]  }
0x2c: {  	s7 =	sld [smem:$0x3FB1]  }
0x2d: {  	s3 =	simm.s32 $0x108;
	s8 =	sld [smem:$0x3FB2]  }
0x2e: {  	s3 =	simm.s32 @!p0 $0x1082;
	s9 =	sld [smem:$0x3FB3]  }
0x2f: {  	lr =	sadd.s32 s0, s3;
	s0 =	sld [smem:$0x3FAA]  }
0x30: {  	s3 =	sld [smem:$0x3FAD]  }
0x31: {  	[smem:$0x3FB6] =	sst s10  }
0x32: {  	s10 =	sld [smem:$0x3FB4];
	_ =	sdelay $0x3  }
0x33: {  	p0 =	seq.s32 s10, $0x1;
	s10 =	sld [smem:$0x3FB6];
	_ =	sdelay $0x3  }
0x34: {  	[smem:$0x3FB6] =	sst s10  }
0x35: {  	s10 =	sld [smem:$0x3FB5];
	_ =	sdelay $0x3  }
0x36: {  	p1 =	seq.s32 s10, $0x1;
	s10 =	sld [smem:$0x3FB6];
	_ =	sdelay $0x3  }
0x37: {  	[smem:$0x3FB6] =	sst s10  }
0x38: {  	s10 =	sld [smem:$0x3FB7]  }
0x39: {  	_ = 	snop;
	(pc) =	sbr.ind lr, $3  }
0x3a: {  	_ = 	snop  }
0x3b: {  	_ = 	snop  }
0x3c: {  	p2 =	seq.s32 s10, $0x1;
	s10 =	sld [smem:$0x3FB6]  }
0x3d: {  	_ =	shalt  }
0x3e: {  	_ =	shalt  }
0x3f: {  	_ =	shalt  }
0x40: {  	_ =	shalt  }
0x41: {  	_ =	shalt  }
0x42: {  	_ =	shalt  }
0x43: {  	_ =	shalt  }
0x44: {  	_ =	shalt  }
0x45: {  	_ =	shalt  }
0x46: {  	_ =	shalt  }
0x47: {  	_ =	shalt  }
0x48: {  	_ =	shalt  }
0x49: {  	_ =	shalt  }
0x4a: {  	_ =	shalt  }
0x4b: {  	_ =	shalt  }
0x4c: {  	_ =	shalt  }
0x4d: {  	_ =	shalt  }
0x4e: {  	_ =	shalt  }
0x4f: {  	_ =	shalt  }
0x50: {  	_ =	shalt  }
0x51: {  	_ =	shalt  }
0x52: {  	_ =	shalt  }
0x53: {  	_ =	shalt  }
0x54: {  	_ =	shalt  }
0x55: {  	_ =	shalt  }
0x56: {  	_ =	shalt  }
0x57: {  	_ =	shalt  }
0x58: {  	_ =	shalt  }
0x59: {  	_ =	shalt  }
0x5a: {  	_ =	shalt  }
0x5b: {  	_ =	shalt  }
0x5c: {  	_ =	shalt  }
0x5d: {  	_ =	shalt  }
0x5e: {  	_ =	shalt  }
0x5f: {  	_ =	shalt  }
0x60: {  	_ =	shalt  }
0x61: {  	_ =	shalt  }
0x62: {  	_ =	shalt  }
0x63: {  	_ =	shalt  }
0x64: {  	_ =	shalt  }
0x65: {  	_ =	shalt  }
0x66: {  	_ =	shalt  }
0x67: {  	_ =	shalt  }
0x68: {  	_ =	shalt  }
0x69: {  	_ =	shalt  }
0x6a: {  	_ =	shalt  }
0x6b: {  	_ =	shalt  }
0x6c: {  	_ =	shalt  }
0x6d: {  	_ =	shalt  }
0x6e: {  	_ =	shalt  }
0x6f: {  	_ =	shalt  }
0x70: {  	_ =	shalt  }
0x71: {  	_ =	shalt  }
0x72: {  	_ =	shalt  }
0x73: {  	_ =	shalt  }
0x74: {  	_ =	shalt  }
0x75: {  	_ =	shalt  }
0x76: {  	_ =	shalt  }
0x77: {  	_ =	shalt  }
0x78: {  	_ =	shalt  }
0x79: {  	_ =	shalt  }
0x7a: {  	_ =	shalt  }
0x7b: {  	_ =	shalt  }
0x7c: {  	_ =	shalt  }
0x7d: {  	_ =	shalt  }
0x7e: {  	_ =	shalt  }
0x7f: {  	_ =	shalt  }
0x80: {  	_ =	shalt  }
0x81: {  	_ =	shalt  }
0x82: {  	_ =	shalt  }
0x83: {  	_ =	shalt  }
0x84: {  	_ =	shalt  }
0x85: {  	_ =	shalt  }
0x86: {  	_ =	shalt  }
0x87: {  	_ =	shalt  }
.Lfunc_end0:
.L_simem_size_0:
called_computation.1_lowered:
.L_overlay_start_0:
0x88: {  	s2 =	sld [smem:$0x3FD9]  }
0x89: {  	s3 =	sld [smem:$0x3FFE];
	_ =	sdelay $0x1  }
0x8a: {  	s1 =	srdreg.scid  }
0x8b: {  	s0 =	sand.u32 $0x1, s1  }
0x8c: {  	s17 =	sshll.u32 s0, $0xA;
	s2 =	sadd.s32 s3, s2  }
0x8d: {  	s2 =	sadd.s32 s2, s17  }
0x8e: {  	[smem:$0x3FC2] =	sst s2  }
0x8f: {  	_ = 	snop  }
0x90: {  	s2 =	sld [smem:$0x3FD0];
	(tm) =	ssettm $0x1  }
0x91: {  	s18 =	sld [smem:$0x3FFB];
	_ =	sdelay $0x3  }
0x92: {  	_ =	strace s18  }
0x93: {  	s3 =	sld [smem:$0x3FFC];
	_ =	sdelay $0x3  }
0x94: {  	_ =	strace s3  }
0x95: {  	s3 =	sld [smem:$0x3FFD];
	_ =	sdelay $0x3  }
0x96: {  	_ =	strace s3  }
0x97: {  	_ =	strace $0x8FFFFFFF  }
0x98: {  	s19 =	sld [smem:$0x3FDB];
	_ =	sdelay $0x1  }
0x99: {  	s4 =	simm.s32 $_scs_section_size  }
0x9a: {  	s5 =	simm.s32 $_size__tile_overlayer_lowered;
	s6 =	simm.s32 $_tile_overlayer_lowered  }
0x9b: {  	s22 =	simm.s32 $0x1BFF;
	s21 =	sshll.u32 s6, $0x1;
	s3 =	sadd.s32 s4, s19  }
0x9c: {  	s7 =	simm.s32 $0x0;
	s20 =	sshll.u32 s5, $0x1;
	s5 =	sadd.s32 s21, s3  }
0x9d: {  	[timem:s7], [sflag:s22] =	dma.local [hbm:s5], s20  }
0x9e: {  	_ =	swait.ge [sflag:s22], s20  }
0x9f: {  	s4 =	ssub.s32 $0x0, s20;
	[sflag:s22] =	ssyncset.done $0x0  }
0xa0: {  	[sflag:s22] =	ssyncadd.s32 s4;
	_ =	sdelay $0x1  }
0xa1: {  	s23 =	simm.s32 $0x1B8B  }
0xa2: {  	_ =	swait.ge [sflag:s23], $0x1  }
0xa3: {  	[sflag:s23] =	ssyncset.done $0x0  }
0xa4: {  	s25 =	simm.s32 $0x1B8E;
	s24 =	sld [smem:$0x3FFE];
	[sflag:s23] =	ssyncadd.s32 $0xFFFFFFFF  }
0xa5: {  	s26 =	simm.s32 $execute0_lowered;
	[smem:$0x3FD2] =	sst s25  }
0xa6: {  	s5 =	sshll.u32 s26, $0x1;
	_ =	strace $0x80000049;
	[dreg:$0x1] =	wrdreg $0xFFFFFFFF  }
0xa7: {  	s28 =	simm.s32 $_size_execute0_lowered;
	s3 =	sadd.s32 s3, s5;
	[dreg:$0x0] =	wrdreg $0x0  }
0xa8: {  	s5 =	sshll.u32 s28, $0x1;
	[dreg:$0x2] =	wrdreg s3  }
0xa9: {  	[dreg:$0x3] =	wrdreg s5  }
0xaa: {  	[dreg:$0x4] =	wrdreg $0xC0  }
0xab: {  	_ =	task [dreg:s7], $0x5FFFF  }
0xac: {  	[dreg:$0x1] =	wrdreg $0xFFFFFFFF  }
0xad: {  	[dreg:$0x0] =	wrdreg $0x60  }
0xae: {  	[dreg:$0x2] =	wrdreg s2  }
0xaf: {  	[dreg:$0x3] =	wrdreg s24  }
0xb0: {  	[dreg:$0x4] =	wrdreg $0x98000  }
0xb1: {  	[dreg:$0x5] =	wrdreg $0x9  }
0xb2: {  	_ =	task.clear_ibuf [dreg:s7], $0x6FFFF;
	_ =	strace $0x90000049  }
0xb3: {  	s29 =	simm.s32 $0x9;
	_ =	strace $0x8000004B  }
0xb4: {  	_ =	swait.ge [sflag:s29], $0x1  }
0xb5: {  	[sflag:s29] =	ssyncadd.s32 $0xFFFFFFFF  }
0xb6: {  	_ =	strace $0x9000004B  }
0xb7: {  	_ =	sfence  }
0xb8: {  	s30 =	sld [smem:$0x0];
	_ =	sdelay $0x2  }
0xb9: {  	s31 =	sshll.u32 s1, $0xD;
	s1 =	sshrl.u32 s1, $0x2  }
0xba: {  	s3 =	sand.u32 $0x4000, s31;
	s1 =	sadd.s32 s1, s30  }
0xbb: {  	s0 =	sor.u32 s3, s0;
	s1 =	sshll.u32 s1, $0x11  }
0xbc: {  	s0 =	sor.u32 s1, s0  }
0xbd: {  	s0 =	sadd.s32 $0x8F2B, s0  }
0xbe: {  	[sflag:s0] =	ssyncadd.remote.s32 $0x1  }
0xbf: {  	_ =	sfence.sel $0xFFFF  }
0xc0: {  	[dreg:$0x0] =	wrdreg $0xFFFFFFFF;
	(pc) =	sbr.abs _section_cstart, $3  }
0xc1: {  	[dreg:$0x1] =	wrdreg $0xFFFFFFFF  }
0xc2: {  	_ =	task.clear_ibuf [dreg:s7], $0x2FFFF;
	_ =	strace $0x9FFFFFFF  }
0xc3: {  	(tm) =	ssettm $0x7FFFFFFF  }
tec
execute0_lowered:
.L_overlay_start_1:
0x0: {  	(tag) =	ssettag $0x1  }
0x1: {  	s1 =	rddreg [dreg:$0x0]  }
0x2: {  	s0 =	rddreg [dreg:$0x1]  }
0x3: {  	s2 =	rddreg [dreg:$0x2]  }
0x4: {  	s4 =	srdreg.scid;
	s3 =	simm.s32 $0x0;
	s14 =	stileid.u32  }
0x5: {  	s19 =	simm.s32 $0x80;
	s20 =	simm.s32 $0x1800;
	s21 =	simm.s32 $0x2  }
0x6: {  	s22 =	simm.s32 $0x5800;
	s23 =	simm.s32 $0x3;
	s7 =	sand.u32 $0x1, s4  }
0x7: {  	[smem:$0x7FF] =	sst s3;
	s12 =	sadd.s32 $0x1E00, s0;
	s9 =	smul.u32 $0x4E000, s14  }
0x8: {  	s13 =	sadd.s32 $0xBE00, s0;
	s26 =	smul.u32 $0x13800, s14;
	s16 =	sshll.u32 s14, $0x6  }
0x9: {  	s30 =	smul.u32 $0xA, s14;
	s18 =	sadd.s32 $0x138000, s2;
	p0 =	sne.s32 s14, $0x0  }
0xa: {  	s4 =	sshll.u32 s7, $0x4;
	_ =	strace $0x8000004A;
	s10 =	smul.u32 $0x138800, s7  }
0xb: {  	s5 =	ssub.s32 $0x2, s7;
	s17 =	smul.u32 $0xA0, s7;
	s4 =	sor.u32 s14, s4  }
0xc: {  	s8 =	sshrl.u32 s5, $0x1;
	s25 =	sshrl.u32 s9, $0x2;
	s29 =	sshrl.u32 s26, $0x3  }
0xd: {  	s6 =	smul.u32 $0x500, s4;
	s4 =	sadd.s32 $0x16600, s0;
	s0 =	sadd.s32 $0x3E000, s0  }
0xe: {  	s11 =	ssub.s32 s5, s8;
	s15 =	sadd.s32 s25, s2;
	s8 =	sor.u32 $0x1C05, s16  }
0xf: {  	s9 =	sadd.s32 s26, s10;
	s10 =	sshrl.u32 s10, $0x3;
	s16 =	sadd.s32 s30, s17  }
0x10: {  	s17 =	sshrl.u32 @!p0 s18, $0x3;
	s18 =	simm.s32 $0x1;
	s25 =	simm.s32 $0x0  }
0x11: {  	s7 =	sadd.s32 s4, s29;
	s9 =	sshrl.u32 s9, $0x3;
	s10 =	sadd.s32 s0, s10  }
0x12: {  	s31 =	sshll.u32 s16, $0x7;
	s11 =	smax.u32 s11, $0x1;
	s15 =	sshrl.u32 s15, $0x3  }
0x13: {  	s16 =	simm.s32 $0x5;
	s24 =	sadd.s32 s12, s6;
	s28 =	sadd.s32 s13, s6  }
0x14: {  	s9 =	sadd.s32 s0, s9;
	s10 =	sadd.s32 $0x27000, s10;
	[dreg:$0x4] =	wrdreg s24  }
0x15: {  	s12 =	sadd.s32 s31, s12;
	s0 =	sadd.s32 s31, s13;
	[dreg:$0x5] =	wrdreg s28  }
0x16: {  	s12 =	sadd.s32 $0x80, s12;
	s13 =	sadd.s32 $0x80, s0;
	s24 =	simm.s32 $0x4  }
.LBB2_1:
0x17: {  	s0 =	rddreg [dreg:$0x4];
	s26 =	simm.s32 $0x1;
	p1 =	por $0x0, $0x0  }
0x18: {  	[tilespmem:s3], [sflag:$0x1] =	stream.linear.gather [hbm4b:s0+s3], $0x400, $0x38;
	[tilespmem:$0x1D480] =	vst v63  }
0x19: {  	s6 =	rddreg [dreg:$0x5];
	s5 =	simm.s32 $0xC00;
	s0 =	smul.u32 @!p1 $0xAB, s26  }
0x1a: {  	[tilespmem:s5], [sflag:$0x1] =	stream.linear.gather [hbm4b:s6+s3], $0x400, $0x38;
	[tilespmem:$0x1D480] =	vst v63  }
0x1b: {  	[spmem:s15], [sflag:s8] =	dma.local [hbm:s7], $0x2700  }
0x1c: {  	s0 =	sshrl.u32 @!p1 s0, $0x9;
	_ =	swait.ge [sflag:s16], $0x2700  }
0x1d: {  	s0 =	sand.u32 @!p1 $0x7F, s0;
	[sflag:s16] =	ssyncset.done $0x0  }
0x1e: {  	s14 =	simm.s32 @!p0 $0x5;
	s0 =	smul.u32 @!p1 $0x3, s0;
	[sflag:s16] =	ssyncadd.s32 $0xFFFFD900  }
0x1f: {  	[spmem:s17], [sflag:s8] =	dma.local @!p0 [hbm:s4], $0x900  }
0x20: {  	_ =	swait.ge @!p0 [sflag:s14], $0x900  }
0x21: {  	s0 =	ssub.s32 @!p1 $0x1, s0;
	[sflag:s14] =	ssyncset.done @!p0 $0x0  }
0x22: {  	s0 =	sand.u32 @!p1 $0xFF, s0;
	[sflag:s14] =	ssyncadd.s32 @!p0 $0xFFFFF700  }
0x23: {  	s0 =	sshll.u32 @!p1 s0, $0xA;
	s14 =	simm.s32 @!p1 $0x0;
	[bflag:$0x0] =	sbarrier.arrive $0xFFFF  }
0x24: {  	[tilespmem:s0], [sflag:$0x1] =	stream.linear.gather @!p1 [hbm4b:s12+s14], $0x400, $0x38;
	[tilespmem:$0x1D480] =	vst v63  }
0x25: {  	s0 =	sadd.s32 @!p1 $0xC00, s0  }
0x26: {  	[tilespmem:s0], [sflag:$0x1] =	stream.linear.gather @!p1 [hbm4b:s13+s14], $0x400, $0x38;
	[tilespmem:$0x1D480] =	vst v63  }
0x27: {  	s14 =	smul.u32 $0xAB, s3;
	_ =	swait.ge [sflag:s18], $0x400  }
0x28: {  	[sflag:s18] =	ssyncset.done $0x0  }
0x29: {  	s0 =	sshrl.u32 s14, $0x9;
	[sflag:s18] =	ssyncadd.s32 $0xFFFFFC00  }
0x2a: {  	s0 =	sand.u32 $0x7F, s0;
	_ =	swait.ge [sflag:s18], $0x400  }
0x2b: {  	p1 =	por $0x1, $0x1;
	s0 =	smul.u32 $0x3, s0;
	[sflag:s18] =	ssyncset.done $0x0  }
0x2c: {  	s14 =	simm.s32 @!p1 $0x3;
	[sflag:s18] =	ssyncadd.s32 $0xFFFFFC00  }
0x2d: {  	s0 =	ssub.s32 $0x0, s0;
	_ =	swait.ge @!p1 [sflag:s14], $0x4000  }
0x2e: {  	s0 =	sand.u32 $0xFF, s0;
	[sflag:s14] =	ssyncset.done @!p1 $0x0  }
0x2f: {  	s0 =	sshll.u32 s0, $0xA;
	[sflag:s14] =	ssyncadd.s32 @!p1 $0xFFFFC000  }
0x30: {  	[tilespmem:s20], [sflag:$0x2] =	stream.indirect.gather [hbm4b:s1+s19], $0x80, s0, s19, $0xb8;
	[tilespmem:$0x1D480] =	vst v63  }
0x31: {  	_ =	swait.ge [sflag:s21], $0x4000  }
0x32: {  	[sflag:s21] =	ssyncset.done $0x0  }
0x33: {  	s28 =	simm.s32 @!p1 $0x4;
	s5 =	sadd.s32 $0xC00, s0;
	[sflag:s21] =	ssyncadd.s32 $0xFFFFC000  }
0x34: {  	[spmem:s2] =	stream.indirect.scatter.add.f32 [tilespmem:s20], [sflag:$0x3], $0x80, s5, s19, $0xb8;
	[tilespmem:$0x1D480] =	vst v63  }
0x35: {  	_ =	swait.ge @!p1 [sflag:s28], $0x4000  }
0x36: {  	[sflag:s28] =	ssyncset.done @!p1 $0x0  }
0x37: {  	s6 =	sor.u32 $0x80, s0;
	[sflag:s28] =	ssyncadd.s32 @!p1 $0xFFFFC000  }
0x38: {  	[tilespmem:s22], [sflag:$0x2] =	stream.indirect.gather [hbm4b:s1+s19], $0x80, s6, s19, $0xb8;
	[tilespmem:$0x1D480] =	vst v63  }
0x39: {  	_ =	swait.ge [sflag:s21], $0x4000  }
0x3a: {  	[sflag:s21] =	ssyncset.done $0x0  }
0x3b: {  	s5 =	sadd.s32 $0xC80, s0;
	[sflag:s21] =	ssyncadd.s32 $0xFFFFC000  }
0x3c: {  	[spmem:s2] =	stream.indirect.scatter.add.f32 [tilespmem:s22], [sflag:$0x4], $0x80, s5, s19, $0xb8;
	[tilespmem:$0x1D480] =	vst v63  }
0x3d: {  	_ =	swait.ge [sflag:s23], $0x4000  }
0x3e: {  	[sflag:s23] =	ssyncset.done $0x0  }
0x3f: {  	s6 =	sor.u32 $0x100, s0;
	[sflag:s23] =	ssyncadd.s32 $0xFFFFC000  }
0x40: {  	[tilespmem:s20], [sflag:$0x2] =	stream.indirect.gather [hbm4b:s1+s19], $0x80, s6, s19, $0xb8;
	[tilespmem:$0x1D480] =	vst v63  }
0x41: {  	_ =	swait.ge [sflag:s21], $0x4000  }
0x42: {  	[sflag:s21] =	ssyncset.done $0x0  }
0x43: {  	s5 =	sadd.s32 $0xD00, s0;
	[sflag:s21] =	ssyncadd.s32 $0xFFFFC000  }
0x44: {  	[spmem:s2] =	stream.indirect.scatter.add.f32 [tilespmem:s20], [sflag:$0x3], $0x80, s5, s19, $0xb8;
	[tilespmem:$0x1D480] =	vst v63  }
0x45: {  	_ =	swait.ge [sflag:s24], $0x4000  }
0x46: {  	[sflag:s24] =	ssyncset.done $0x0  }
0x47: {  	s6 =	sor.u32 $0x180, s0;
	[sflag:s24] =	ssyncadd.s32 $0xFFFFC000  }
0x48: {  	[tilespmem:s22], [sflag:$0x2] =	stream.indirect.gather [hbm4b:s1+s19], $0x80, s6, s19, $0xb8;
	[tilespmem:$0x1D480] =	vst v63  }
0x49: {  	_ =	swait.ge [sflag:s21], $0x4000  }
0x4a: {  	[sflag:s21] =	ssyncset.done $0x0  }
0x4b: {  	s5 =	sadd.s32 $0xD80, s0;
	[sflag:s21] =	ssyncadd.s32 $0xFFFFC000  }
0x4c: {  	[spmem:s2] =	stream.indirect.scatter.add.f32 [tilespmem:s22], [sflag:$0x4], $0x80, s5, s19, $0xb8;
	[tilespmem:$0x1D480] =	vst v63  }
0x4d: {  	_ =	swait.ge [sflag:s23], $0x4000  }
0x4e: {  	[sflag:s23] =	ssyncset.done $0x0  }
0x4f: {  	s6 =	sor.u32 $0x200, s0;
	[sflag:s23] =	ssyncadd.s32 $0xFFFFC000  }
0x50: {  	[tilespmem:s20], [sflag:$0x2] =	stream.indirect.gather [hbm4b:s1+s19], $0x80, s6, s19, $0xb8;
	[tilespmem:$0x1D480] =	vst v63  }
0x51: {  	_ =	swait.ge [sflag:s21], $0x4000  }
0x52: {  	[sflag:s21] =	ssyncset.done $0x0  }
0x53: {  	s5 =	sadd.s32 $0xE00, s0;
	[sflag:s21] =	ssyncadd.s32 $0xFFFFC000  }
0x54: {  	[spmem:s2] =	stream.indirect.scatter.add.f32 [tilespmem:s20], [sflag:$0x3], $0x80, s5, s19, $0xb8;
	[tilespmem:$0x1D480] =	vst v63  }
0x55: {  	_ =	swait.ge [sflag:s24], $0x4000  }
0x56: {  	[sflag:s24] =	ssyncset.done $0x0  }
0x57: {  	s6 =	sor.u32 $0x280, s0;
	[sflag:s24] =	ssyncadd.s32 $0xFFFFC000  }
0x58: {  	[tilespmem:s22], [sflag:$0x2] =	stream.indirect.gather [hbm4b:s1+s19], $0x80, s6, s19, $0xb8;
	[tilespmem:$0x1D480] =	vst v63  }
0x59: {  	_ =	swait.ge [sflag:s21], $0x4000  }
0x5a: {  	[sflag:s21] =	ssyncset.done $0x0  }
0x5b: {  	s5 =	sadd.s32 $0xE80, s0;
	[sflag:s21] =	ssyncadd.s32 $0xFFFFC000  }
0x5c: {  	[spmem:s2] =	stream.indirect.scatter.add.f32 [tilespmem:s22], [sflag:$0x4], $0x80, s5, s19, $0xb8;
	[tilespmem:$0x1D480] =	vst v63  }
0x5d: {  	s29 =	simm.s32 $0x2;
	_ =	swait.ge [sflag:s23], $0x4000  }
0x5e: {  	p2 =	por $0x0, $0x0;
	s31 =	sadd.s32 $0x80, s12;
	[sflag:s23] =	ssyncset.done $0x0  }
0x5f: {  	s28 =	sor.u32 $0x300, s0;
	s6 =	smul.u32 $0xAB, s26;
	[sflag:s23] =	ssyncadd.s32 $0xFFFFC000  }
0x60: {  	[tilespmem:s20], [sflag:$0x2] =	stream.indirect.gather [hbm4b:s1+s19], $0x80, s28, s19, $0xb8;
	[tilespmem:$0x1D480] =	vst v63  }
0x61: {  	s14 =	sshrl.u32 s6, $0x9;
	s28 =	smul.u32 @!p2 $0xAB, s29;
	_ =	swait.ge [sflag:s21], $0x4000  }
0x62: {  	s30 =	sadd.s32 $0xF00, s0;
	s14 =	sand.u32 $0x7F, s14;
	[sflag:s21] =	ssyncset.done $0x0  }
0x63: {  	s14 =	smul.u32 $0x3, s14;
	s28 =	sshrl.u32 @!p2 s28, $0x9;
	[sflag:s21] =	ssyncadd.s32 $0xFFFFC000  }
0x64: {  	[spmem:s2] =	stream.indirect.scatter.add.f32 [tilespmem:s20], [sflag:$0x3], $0x80, s30, s19, $0xb8;
	[tilespmem:$0x1D480] =	vst v63  }
0x65: {  	s14 =	ssub.s32 $0x1, s14;
	s28 =	sand.u32 @!p2 $0x7F, s28;
	_ =	swait.ge [sflag:s24], $0x4000  }
0x66: {  	s5 =	smul.u32 @!p2 $0x3, s28;
	s28 =	sor.u32 $0x380, s0;
	[sflag:s24] =	ssyncset.done $0x0  }
0x67: {  	s30 =	sadd.s32 $0x80, s13;
	s0 =	sadd.s32 $0xF80, s0;
	[sflag:s24] =	ssyncadd.s32 $0xFFFFC000  }
0x68: {  	[tilespmem:s22], [sflag:$0x2] =	stream.indirect.gather [hbm4b:s1+s19], $0x80, s28, s19, $0xb8;
	[tilespmem:$0x1D480] =	vst v63  }
0x69: {  	s28 =	sand.u32 $0xFF, s14;
	s14 =	ssub.s32 @!p2 $0x2, s5;
	_ =	swait.ge [sflag:s21], $0x4000  }
.LBB2_2:
0x6a: {  	s5 =	sand.u32 @!p2 $0xFF, s14  }
0x6b: {  	[sflag:s21] =	ssyncset.done $0x0;
	s14 =	smov.u32 s29;
	s29 =	sadd.s32 $0x1, s29  }
0x6c: {  	s6 =	smul.u32 $0xAB, s14;
	s5 =	sshll.u32 @!p2 s5, $0xA;
	[sflag:s21] =	ssyncadd.s32 $0xFFFFC000  }
0x6d: {  	[spmem:s2] =	stream.indirect.scatter.add.f32 [tilespmem:s22], [sflag:$0x4], $0x80, s0, s19, $0xb8;
	[tilespmem:$0x1D480] =	vst v63  }
0x6e: {  	p1 =	sne.s32 s29, $0xA;
	s0 =	sshrl.u32 s6, $0x9;
	s6 =	simm.s32 @!p2 $0x0  }
0x6f: {  	[tilespmem:s5], [sflag:$0x1] =	stream.linear.gather @!p2 [hbm4b:s31+s6], $0x400, $0x38;
	[tilespmem:$0x1D480] =	vst v63  }
0x70: {  	s0 =	sand.u32 $0x7F, s0;
	s5 =	sadd.s32 @!p2 $0xC00, s5  }
0x71: {  	[tilespmem:s5], [sflag:$0x1] =	stream.linear.gather @!p2 [hbm4b:s30+s6], $0x400, $0x38;
	[tilespmem:$0x1D480] =	vst v63  }
0x72: {  	s0 =	smul.u32 $0x3, s0;
	_ =	swait.ge [sflag:s18], $0x400  }
0x73: {  	[sflag:s18] =	ssyncset.done $0x0  }
0x74: {  	s0 =	ssub.s32 s14, s0;
	[sflag:s18] =	ssyncadd.s32 $0xFFFFFC00  }
0x75: {  	s5 =	sand.u32 $0xFF, s0;
	_ =	swait.ge [sflag:s18], $0x400  }
0x76: {  	p2 =	seq.s32 s26, $0x0;
	s26 =	smov.u32 s14;
	[sflag:s18] =	ssyncset.done $0x0  }
0x77: {  	s0 =	simm.s32 @!p2 $0x3;
	[sflag:s18] =	ssyncadd.s32 $0xFFFFFC00  }
0x78: {  	_ =	swait.ge @!p2 [sflag:s0], $0x4000  }
0x79: {  	[sflag:s0] =	ssyncset.done @!p2 $0x0  }
0x7a: {  	[sflag:s0] =	ssyncadd.s32 @!p2 $0xFFFFC000;
	s0 =	sshll.u32 s28, $0xA;
	s28 =	smov.u32 s5  }
0x7b: {  	[tilespmem:s20], [sflag:$0x2] =	stream.indirect.gather [hbm4b:s1+s19], $0x80, s0, s19, $0xb8;
	[tilespmem:$0x1D480] =	vst v63  }
0x7c: {  	_ =	swait.ge [sflag:s21], $0x4000  }
0x7d: {  	[sflag:s21] =	ssyncset.done $0x0  }
0x7e: {  	s6 =	simm.s32 @!p2 $0x4;
	s5 =	sadd.s32 $0xC00, s0;
	[sflag:s21] =	ssyncadd.s32 $0xFFFFC000  }
0x7f: {  	[spmem:s2] =	stream.indirect.scatter.add.f32 [tilespmem:s20], [sflag:$0x3], $0x80, s5, s19, $0xb8;
	[tilespmem:$0x1D480] =	vst v63  }
0x80: {  	_ =	swait.ge @!p2 [sflag:s6], $0x4000  }
0x81: {  	[sflag:s6] =	ssyncset.done @!p2 $0x0  }
0x82: {  	s5 =	sor.u32 $0x80, s0;
	[sflag:s6] =	ssyncadd.s32 @!p2 $0xFFFFC000  }
0x83: {  	[tilespmem:s22], [sflag:$0x2] =	stream.indirect.gather [hbm4b:s1+s19], $0x80, s5, s19, $0xb8;
	[tilespmem:$0x1D480] =	vst v63  }
0x84: {  	_ =	swait.ge [sflag:s21], $0x4000  }
0x85: {  	[sflag:s21] =	ssyncset.done $0x0  }
0x86: {  	s5 =	sadd.s32 $0xC80, s0;
	[sflag:s21] =	ssyncadd.s32 $0xFFFFC000  }
0x87: {  	[spmem:s2] =	stream.indirect.scatter.add.f32 [tilespmem:s22], [sflag:$0x4], $0x80, s5, s19, $0xb8;
	[tilespmem:$0x1D480] =	vst v63  }
0x88: {  	_ =	swait.ge [sflag:s23], $0x4000  }
0x89: {  	[sflag:s23] =	ssyncset.done $0x0  }
0x8a: {  	s5 =	sor.u32 $0x100, s0;
	[sflag:s23] =	ssyncadd.s32 $0xFFFFC000  }
0x8b: {  	[tilespmem:s20], [sflag:$0x2] =	stream.indirect.gather [hbm4b:s1+s19], $0x80, s5, s19, $0xb8;
	[tilespmem:$0x1D480] =	vst v63  }
0x8c: {  	_ =	swait.ge [sflag:s21], $0x4000  }
0x8d: {  	[sflag:s21] =	ssyncset.done $0x0  }
0x8e: {  	s5 =	sadd.s32 $0xD00, s0;
	[sflag:s21] =	ssyncadd.s32 $0xFFFFC000  }
0x8f: {  	[spmem:s2] =	stream.indirect.scatter.add.f32 [tilespmem:s20], [sflag:$0x3], $0x80, s5, s19, $0xb8;
	[tilespmem:$0x1D480] =	vst v63  }
0x90: {  	_ =	swait.ge [sflag:s24], $0x4000  }
0x91: {  	[sflag:s24] =	ssyncset.done $0x0  }
0x92: {  	s5 =	sor.u32 $0x180, s0;
	[sflag:s24] =	ssyncadd.s32 $0xFFFFC000  }
0x93: {  	[tilespmem:s22], [sflag:$0x2] =	stream.indirect.gather [hbm4b:s1+s19], $0x80, s5, s19, $0xb8;
	[tilespmem:$0x1D480] =	vst v63  }
0x94: {  	_ =	swait.ge [sflag:s21], $0x4000  }
0x95: {  	[sflag:s21] =	ssyncset.done $0x0  }
0x96: {  	s5 =	sadd.s32 $0xD80, s0;
	[sflag:s21] =	ssyncadd.s32 $0xFFFFC000  }
0x97: {  	[spmem:s2] =	stream.indirect.scatter.add.f32 [tilespmem:s22], [sflag:$0x4], $0x80, s5, s19, $0xb8;
	[tilespmem:$0x1D480] =	vst v63  }
0x98: {  	_ =	swait.ge [sflag:s23], $0x4000  }
0x99: {  	[sflag:s23] =	ssyncset.done $0x0  }
0x9a: {  	s5 =	sor.u32 $0x200, s0;
	[sflag:s23] =	ssyncadd.s32 $0xFFFFC000  }
0x9b: {  	[tilespmem:s20], [sflag:$0x2] =	stream.indirect.gather [hbm4b:s1+s19], $0x80, s5, s19, $0xb8;
	[tilespmem:$0x1D480] =	vst v63  }
0x9c: {  	_ =	swait.ge [sflag:s21], $0x4000  }
0x9d: {  	[sflag:s21] =	ssyncset.done $0x0  }
0x9e: {  	s5 =	sadd.s32 $0xE00, s0;
	[sflag:s21] =	ssyncadd.s32 $0xFFFFC000  }
0x9f: {  	[spmem:s2] =	stream.indirect.scatter.add.f32 [tilespmem:s20], [sflag:$0x3], $0x80, s5, s19, $0xb8;
	[tilespmem:$0x1D480] =	vst v63  }
0xa0: {  	_ =	swait.ge [sflag:s24], $0x4000  }
0xa1: {  	[sflag:s24] =	ssyncset.done $0x0  }
0xa2: {  	s5 =	sor.u32 $0x280, s0;
	[sflag:s24] =	ssyncadd.s32 $0xFFFFC000  }
0xa3: {  	[tilespmem:s22], [sflag:$0x2] =	stream.indirect.gather [hbm4b:s1+s19], $0x80, s5, s19, $0xb8;
	[tilespmem:$0x1D480] =	vst v63  }
0xa4: {  	_ =	swait.ge [sflag:s21], $0x4000  }
0xa5: {  	[sflag:s21] =	ssyncset.done $0x0  }
0xa6: {  	s5 =	sadd.s32 $0xE80, s0;
	[sflag:s21] =	ssyncadd.s32 $0xFFFFC000  }
0xa7: {  	[spmem:s2] =	stream.indirect.scatter.add.f32 [tilespmem:s22], [sflag:$0x4], $0x80, s5, s19, $0xb8;
	[tilespmem:$0x1D480] =	vst v63  }
0xa8: {  	_ =	swait.ge [sflag:s23], $0x4000  }
0xa9: {  	[sflag:s23] =	ssyncset.done $0x0  }
0xaa: {  	s5 =	sor.u32 $0x300, s0;
	[sflag:s23] =	ssyncadd.s32 $0xFFFFC000  }
0xab: {  	[tilespmem:s20], [sflag:$0x2] =	stream.indirect.gather [hbm4b:s1+s19], $0x80, s5, s19, $0xb8;
	[tilespmem:$0x1D480] =	vst v63  }
0xac: {  	_ =	swait.ge [sflag:s21], $0x4000  }
0xad: {  	s30 =	sadd.s32 $0x80, s30;
	p2 =	seq.s32 s26, $0x9;
	[sflag:s21] =	ssyncset.done $0x0  }
0xae: {  	s6 =	sadd.s32 $0xF00, s0;
	s5 =	smul.u32 @!p2 $0xAB, s29;
	[sflag:s21] =	ssyncadd.s32 $0xFFFFC000  }
0xaf: {  	[spmem:s2] =	stream.indirect.scatter.add.f32 [tilespmem:s20], [sflag:$0x3], $0x80, s6, s19, $0xb8;
	[tilespmem:$0x1D480] =	vst v63  }
.Ltmp0:
0xb0: {  	s5 =	sshrl.u32 @!p2 s5, $0x9;
	_ =	swait.ge [sflag:s24], $0x4000;
	(pc) =	sbr.rel @p1 .LBB2_2-.Ltmp0, $4  }
0xb1: {  	s31 =	sadd.s32 $0x80, s31;
	s5 =	sand.u32 @!p2 $0x7F, s5;
	[sflag:s24] =	ssyncset.done $0x0  }
0xb2: {  	s5 =	smul.u32 @!p2 $0x3, s5;
	s6 =	sor.u32 $0x380, s0;
	[sflag:s24] =	ssyncadd.s32 $0xFFFFC000  }
0xb3: {  	[tilespmem:s22], [sflag:$0x2] =	stream.indirect.gather [hbm4b:s1+s19], $0x80, s6, s19, $0xb8;
	[tilespmem:$0x1D480] =	vst v63  }
0xb4: {  	s0 =	sadd.s32 $0xF80, s0;
	s14 =	ssub.s32 @!p2 s29, s5;
	_ =	swait.ge [sflag:s21], $0x4000  }
0xb5: {  	[sflag:s21] =	ssyncset.done $0x0  }
0xb6: {  	s5 =	sand.u32 @!p2 $0xFF, s14;
	[sflag:s21] =	ssyncadd.s32 $0xFFFFC000  }
0xb7: {  	[spmem:s2] =	stream.indirect.scatter.add.f32 [tilespmem:s22], [sflag:$0x4], $0x80, s0, s19, $0xb8;
	[tilespmem:$0x1D480] =	vst v63  }
0xb8: {  	s0 =	sshll.u32 @!p2 s5, $0xA;
	s5 =	simm.s32 @!p2 $0x0  }
0xb9: {  	[tilespmem:s0], [sflag:$0x1] =	stream.linear.gather @!p2 [hbm4b:s31+s5], $0x400, $0x38;
	[tilespmem:$0x1D480] =	vst v63  }
0xba: {  	s0 =	sadd.s32 @!p2 $0xC00, s0  }
0xbb: {  	[tilespmem:s0], [sflag:$0x1] =	stream.linear.gather @!p2 [hbm4b:s30+s5], $0x400, $0x38;
	[tilespmem:$0x1D480] =	vst v63  }
0xbc: {  	_ =	swait.ge [sflag:s18], $0x400  }
0xbd: {  	[sflag:s18] =	ssyncset.done $0x0  }
0xbe: {  	[sflag:s18] =	ssyncadd.s32 $0xFFFFFC00  }
0xbf: {  	_ =	swait.ge [sflag:s18], $0x400  }
0xc0: {  	p1 =	seq.s32 s26, $0x0;
	[sflag:s18] =	ssyncset.done $0x0  }
0xc1: {  	s0 =	simm.s32 @!p1 $0x3;
	[sflag:s18] =	ssyncadd.s32 $0xFFFFFC00  }
0xc2: {  	_ =	swait.ge @!p1 [sflag:s0], $0x4000  }
0xc3: {  	[sflag:s0] =	ssyncset.done @!p1 $0x0  }
0xc4: {  	[sflag:s0] =	ssyncadd.s32 @!p1 $0xFFFFC000;
	s0 =	sshll.u32 s28, $0xA  }
0xc5: {  	[tilespmem:s20], [sflag:$0x2] =	stream.indirect.gather [hbm4b:s1+s19], $0x80, s0, s19, $0xb8;
	[tilespmem:$0x1D480] =	vst v63  }
0xc6: {  	_ =	swait.ge [sflag:s21], $0x4000  }
0xc7: {  	[sflag:s21] =	ssyncset.done $0x0  }
0xc8: {  	s6 =	simm.s32 @!p1 $0x4;
	s31 =	sadd.s32 $0xC00, s0;
	[sflag:s21] =	ssyncadd.s32 $0xFFFFC000  }
0xc9: {  	[spmem:s2] =	stream.indirect.scatter.add.f32 [tilespmem:s20], [sflag:$0x3], $0x80, s31, s19, $0xb8;
	[tilespmem:$0x1D480] =	vst v63  }
0xca: {  	_ =	swait.ge @!p1 [sflag:s6], $0x4000  }
0xcb: {  	[sflag:s6] =	ssyncset.done @!p1 $0x0  }
0xcc: {  	s14 =	sor.u32 $0x80, s0;
	[sflag:s6] =	ssyncadd.s32 @!p1 $0xFFFFC000  }
0xcd: {  	[tilespmem:s22], [sflag:$0x2] =	stream.indirect.gather [hbm4b:s1+s19], $0x80, s14, s19, $0xb8;
	[tilespmem:$0x1D480] =	vst v63  }
0xce: {  	_ =	swait.ge [sflag:s21], $0x4000  }
0xcf: {  	[sflag:s21] =	ssyncset.done $0x0  }
0xd0: {  	s26 =	sadd.s32 $0xC80, s0;
	[sflag:s21] =	ssyncadd.s32 $0xFFFFC000  }
0xd1: {  	[spmem:s2] =	stream.indirect.scatter.add.f32 [tilespmem:s22], [sflag:$0x4], $0x80, s26, s19, $0xb8;
	[tilespmem:$0x1D480] =	vst v63  }
0xd2: {  	_ =	swait.ge [sflag:s23], $0x4000  }
0xd3: {  	[sflag:s23] =	ssyncset.done $0x0  }
0xd4: {  	s28 =	sor.u32 $0x100, s0;
	[sflag:s23] =	ssyncadd.s32 $0xFFFFC000  }
0xd5: {  	[tilespmem:s20], [sflag:$0x2] =	stream.indirect.gather [hbm4b:s1+s19], $0x80, s28, s19, $0xb8;
	[tilespmem:$0x1D480] =	vst v63  }
0xd6: {  	_ =	swait.ge [sflag:s21], $0x4000  }
0xd7: {  	[sflag:s21] =	ssyncset.done $0x0  }
0xd8: {  	s29 =	sadd.s32 $0xD00, s0;
	[sflag:s21] =	ssyncadd.s32 $0xFFFFC000  }
0xd9: {  	[spmem:s2] =	stream.indirect.scatter.add.f32 [tilespmem:s20], [sflag:$0x3], $0x80, s29, s19, $0xb8;
	[tilespmem:$0x1D480] =	vst v63  }
0xda: {  	_ =	swait.ge [sflag:s24], $0x4000  }
0xdb: {  	[sflag:s24] =	ssyncset.done $0x0  }
0xdc: {  	s30 =	sor.u32 $0x180, s0;
	[sflag:s24] =	ssyncadd.s32 $0xFFFFC000  }
0xdd: {  	[tilespmem:s22], [sflag:$0x2] =	stream.indirect.gather [hbm4b:s1+s19], $0x80, s30, s19, $0xb8;
	[tilespmem:$0x1D480] =	vst v63  }
0xde: {  	_ =	swait.ge [sflag:s21], $0x4000  }
0xdf: {  	[sflag:s21] =	ssyncset.done $0x0  }
0xe0: {  	s31 =	sadd.s32 $0xD80, s0;
	[sflag:s21] =	ssyncadd.s32 $0xFFFFC000  }
0xe1: {  	[spmem:s2] =	stream.indirect.scatter.add.f32 [tilespmem:s22], [sflag:$0x4], $0x80, s31, s19, $0xb8;
	[tilespmem:$0x1D480] =	vst v63  }
0xe2: {  	_ =	swait.ge [sflag:s23], $0x4000  }
0xe3: {  	[sflag:s23] =	ssyncset.done $0x0  }
0xe4: {  	s6 =	sor.u32 $0x200, s0;
	[sflag:s23] =	ssyncadd.s32 $0xFFFFC000  }
0xe5: {  	[tilespmem:s20], [sflag:$0x2] =	stream.indirect.gather [hbm4b:s1+s19], $0x80, s6, s19, $0xb8;
	[tilespmem:$0x1D480] =	vst v63  }
0xe6: {  	_ =	swait.ge [sflag:s21], $0x4000  }
0xe7: {  	[sflag:s21] =	ssyncset.done $0x0  }
0xe8: {  	s14 =	sadd.s32 $0xE00, s0;
	[sflag:s21] =	ssyncadd.s32 $0xFFFFC000  }
0xe9: {  	[spmem:s2] =	stream.indirect.scatter.add.f32 [tilespmem:s20], [sflag:$0x3], $0x80, s14, s19, $0xb8;
	[tilespmem:$0x1D480] =	vst v63  }
0xea: {  	_ =	swait.ge [sflag:s24], $0x4000  }
0xeb: {  	[sflag:s24] =	ssyncset.done $0x0  }
0xec: {  	s26 =	sor.u32 $0x280, s0;
	[sflag:s24] =	ssyncadd.s32 $0xFFFFC000  }
0xed: {  	[tilespmem:s22], [sflag:$0x2] =	stream.indirect.gather [hbm4b:s1+s19], $0x80, s26, s19, $0xb8;
	[tilespmem:$0x1D480] =	vst v63  }
0xee: {  	_ =	swait.ge [sflag:s21], $0x4000  }
0xef: {  	[sflag:s21] =	ssyncset.done $0x0  }
0xf0: {  	s28 =	sadd.s32 $0xE80, s0;
	[sflag:s21] =	ssyncadd.s32 $0xFFFFC000  }
0xf1: {  	[spmem:s2] =	stream.indirect.scatter.add.f32 [tilespmem:s22], [sflag:$0x4], $0x80, s28, s19, $0xb8;
	[tilespmem:$0x1D480] =	vst v63  }
0xf2: {  	_ =	swait.ge [sflag:s23], $0x4000  }
0xf3: {  	[sflag:s23] =	ssyncset.done $0x0  }
0xf4: {  	s29 =	sor.u32 $0x300, s0;
	[sflag:s23] =	ssyncadd.s32 $0xFFFFC000  }
0xf5: {  	[tilespmem:s20], [sflag:$0x2] =	stream.indirect.gather [hbm4b:s1+s19], $0x80, s29, s19, $0xb8;
	[tilespmem:$0x1D480] =	vst v63  }
0xf6: {  	_ =	swait.ge [sflag:s21], $0x4000  }
0xf7: {  	[sflag:s21] =	ssyncset.done $0x0  }
0xf8: {  	s30 =	sadd.s32 $0xF00, s0;
	[sflag:s21] =	ssyncadd.s32 $0xFFFFC000  }
0xf9: {  	[spmem:s2] =	stream.indirect.scatter.add.f32 [tilespmem:s20], [sflag:$0x3], $0x80, s30, s19, $0xb8;
	[tilespmem:$0x1D480] =	vst v63  }
0xfa: {  	_ =	swait.ge [sflag:s24], $0x4000  }
0xfb: {  	[sflag:s24] =	ssyncset.done $0x0  }
0xfc: {  	s31 =	sor.u32 $0x380, s0;
	[sflag:s24] =	ssyncadd.s32 $0xFFFFC000  }
0xfd: {  	[tilespmem:s22], [sflag:$0x2] =	stream.indirect.gather [hbm4b:s1+s19], $0x80, s31, s19, $0xb8;
	[tilespmem:$0x1D480] =	vst v63  }
0xfe: {  	_ =	swait.ge [sflag:s21], $0x4000  }
0xff: {  	[sflag:s21] =	ssyncset.done $0x0  }
0x100: {  	s0 =	sadd.s32 $0xF80, s0;
	[sflag:s21] =	ssyncadd.s32 $0xFFFFC000  }
0x101: {  	[spmem:s2] =	stream.indirect.scatter.add.f32 [tilespmem:s22], [sflag:$0x4], $0x80, s0, s19, $0xb8;
	[tilespmem:$0x1D480] =	vst v63  }
0x102: {  	_ =	swait.ge [sflag:s23], $0x4000  }
0x103: {  	[sflag:s23] =	ssyncset.done $0x0  }
0x104: {  	[sflag:s23] =	ssyncadd.s32 $0xFFFFC000  }
0x105: {  	_ =	swait.ge [sflag:s24], $0x4000  }
0x106: {  	[sflag:s24] =	ssyncset.done $0x0  }
0x107: {  	[sflag:s24] =	ssyncadd.s32 $0xFFFFC000  }
0x108: {  	[bflag:$0x0] =	sbarrier.arrive $0xFFFF  }
0x109: {  	[hbm:s9], [sflag:s8] =	dma.local [spmem:s15], $0x2700  }
0x10a: {  	s25 =	sadd.s32 $0x1, s25;
	_ =	swait.ge [sflag:s16], $0x2700  }
0x10b: {  	p1 =	sne.s32 s25, s11;
	[sflag:s16] =	ssyncset.done $0x0  }
.Ltmp1:
0x10c: {  	s0 =	simm.s32 @!p0 $0x5;
	[sflag:s16] =	ssyncadd.s32 $0xFFFFD900;
	(pc) =	sbr.rel @p1 .LBB2_1-.Ltmp1, $4  }
0x10d: {  	[hbm:s10], [sflag:s8] =	dma.local @!p0 [spmem:s17], $0x100  }
0x10e: {  	_ =	swait.ge @!p0 [sflag:s0], $0x100  }
0x10f: {  	[sflag:s0] =	ssyncset.done @!p0 $0x0  }
0x110: {  	[sflag:s0] =	ssyncadd.s32 @!p0 $0xFFFFFF00  }
0x111: {  	_ =	sfence.sel $0x180000  }
0x112: {  	[bflag:$0x0] =	sbarrier.arrive $0xFFFF  }
0x113: {  	_ =	strace $0x9000004A  }
0x114: {  	[bflag:$0x2] =	sbarrier.arrive $0xFFFF  }
0x115: {  	s0 =	rddreg [dreg:$0x3]  }
0x116: {  	s0 =	sadd.s32 @!p0 $0x100000, s0  }
0x117: {  	[sflag:s0] =	ssyncadd.tile.s32 @!p0 $0x1;
	_ =	shalt  }
.Lfunc_end2:
_tile_overlayer_lowered:
.L_overlay_start_2:
0x118: {  	(tag) =	ssettag $0x2  }
0x119: {  	s0 =	rddreg [dreg:$0x0];
	s2 =	stileid.u32  }
0x11a: {  	s1 =	rddreg [dreg:$0x1];
	p0 =	sne.s32 s2, $0x0  }
0x11b: {  	s3 =	rddreg [dreg:$0x2];
	[bflag:$0x3] =	sbarrier.arrive $0xFFFF;
	s2 =	simm.s32 @!p0 $0x1C05  }
0x11c: {  	[timem:s3], [sflag:s2] =	dma.local @!p0 [hbm:s0], s1  }
0x11d: {  	s0 =	simm.s32 @!p0 $0x5  }
0x11e: {  	_ =	swait.ge @!p0 [sflag:s0], s1  }
0x11f: {  	s1 =	ssub.s32 @!p0 $0x0, s1;
	[sflag:s0] =	ssyncset.done @!p0 $0x0  }
0x120: {  	[sflag:s0] =	ssyncadd.s32 @!p0 s1  }
0x121: {  	[bflag:$0x3] =	sbarrier.arrive $0xFFFF  }
0x122: {  	_ =	shalt  }

// kernel: kernel.14.cloned.1.call-start
scs
__scs_entry_jumppad:
0x0: {  	(pc) =	sbr.rel $0x88, $3  }
0x1: {  	(tag) =	ssettag $0x0;
	lr =	simm.s32 $0x1  }
0x2: {  	[smem:$0x3F9B] =	sst lr;
	_ =	strace $0xD0000000  }
0x3: {  	_ = 	snop  }
0x4: {  	_ = 	snop  }
0x5: {  	_ = 	snop  }
0x6: {  	_ = 	snop  }
0x7: {  	_ = 	snop  }
__scs_overlays_trampoline_lowered:
0x8: {  	[smem:$0x3FAA] =	sst s0  }
0x9: {  	[smem:$0x3FAB] =	sst s1  }
0xa: {  	[smem:$0x3FAC] =	sst s2  }
0xb: {  	[smem:$0x3FAD] =	sst s3  }
0xc: {  	[smem:$0x3FAE] =	sst s4  }
0xd: {  	[smem:$0x3FAF] =	sst s5  }
0xe: {  	[smem:$0x3FB0] =	sst s6  }
0xf: {  	[smem:$0x3FB1] =	sst s7  }
0x10: {  	[smem:$0x3FB2] =	sst s8  }
0x11: {  	[smem:$0x3FB3] =	sst s9;
	s0 =	simm.s32 @!p0 $0x0  }
0x12: {  	s1 =	sld [smem:$0x3F99];
	s0 =	simm.s32 @p0 $0x1  }
0x13: {  	[smem:$0x3FB4] =	sst s0;
	s0 =	simm.s32 @!p1 $0x0  }
0x14: {  	s2 =	sld [smem:$0x3F98];
	s0 =	simm.s32 @p1 $0x1  }
0x15: {  	[smem:$0x3FB5] =	sst s0;
	s0 =	simm.s32 @!p2 $0x0  }
0x16: {  	s3 =	sld [smem:$0x3FDB];
	s0 =	simm.s32 @p2 $0x1  }
0x17: {  	s4 =	simm.s32 $0x1BF5;
	[smem:$0x3FB7] =	sst s0  }
0x18: {  	s0 =	sld [smem:$0x3F9A];
	_ =	swait.ge [sflag:s4], $0x0  }
0x19: {  	s7 =	sld [smem:$0x3F9B]  }
0x1a: {  	s8 =	sadd.s32 $0xFFFFE003, lr  }
0x1b: {  	s9 =	sadd.s32 $0xFFFFFEF7, lr;
	s5 =	simm.s32 $0xFFFFFFFF;
	p2 =	slt.u32 s8, $0xFFFFF086  }
0x1c: {  	p1 =	slt.u32 s9, $0xF7A;
	s5 =	simm.s32 @!p2 $0x0  }
0x1d: {  	s5 =	simm.s32 @p1 $0x1;
	p0 =	seq.s32 s7, s2  }
0x1e: {  	s7 =	smul.u32 @!p0 $0xF7A, s2;
	p2 =	seq.s32 @!p0 s5, $0x0  }
0x1f: {  	s9 =	smul.u32 $0xF7A, s1;
	s8 =	simm.s32 @!p0 $0x1BF5;
	p2 =	por !p2, p0  }
0x20: {  	[sflag:s8] =	ssyncset.s32 @!p0 $0xFFFFF086;
	s6 =	sadd.s32 @!p0 s3, s7;
	s7 =	simm.s32 @!p0 $0x108  }
0x21: {  	s3 =	sadd.s32 s3, s9;
	s6 =	sadd.s32 @!p0 $0x88, s6;
	s7 =	simm.s32 @p2 $0x1082  }
0x22: {  	[simem:s7], [sflag:s8] =	dma.local @!p0 [hbm:s6], $0xF7A  }
0x23: {  	s9 =	sor.u32 $0xD0000000, s2;
	s6 =	simm.s32 $0x108;
	_ =	swait.ge @!p0 [sflag:s8], $0x0  }
0x24: {  	s3 =	sadd.s32 $0x88, s3;
	s6 =	simm.s32 @!p1 $0x1082;
	[sflag:s4] =	ssyncset.s32 $0xFFFFF086  }
0x25: {  	[simem:s6], [sflag:s4] =	dma.local [hbm:s3], $0xF7A  }
0x26: {  	[smem:$0x3F9B] =	sst s1;
	(tag) =	ssettag s2;
	_ =	strace s9  }
0x27: {  	s1 =	sld [smem:$0x3FAB]  }
0x28: {  	s2 =	sld [smem:$0x3FAC]  }
0x29: {  	s4 =	sld [smem:$0x3FAE]  }
0x2a: {  	p0 =	seq.s32 s5, $0x0;
	s5 =	sld [smem:$0x3FAF]  }
0x2b: {  	s6 =	sld [smem:$0x3FB0]  }
0x2c: {  	s7 =	sld [smem:$0x3FB1]  }
0x2d: {  	s3 =	simm.s32 $0x108;
	s8 =	sld [smem:$0x3FB2]  }
0x2e: {  	s3 =	simm.s32 @!p0 $0x1082;
	s9 =	sld [smem:$0x3FB3]  }
0x2f: {  	lr =	sadd.s32 s0, s3;
	s0 =	sld [smem:$0x3FAA]  }
0x30: {  	s3 =	sld [smem:$0x3FAD]  }
0x31: {  	[smem:$0x3FB6] =	sst s10  }
0x32: {  	s10 =	sld [smem:$0x3FB4];
	_ =	sdelay $0x3  }
0x33: {  	p0 =	seq.s32 s10, $0x1;
	s10 =	sld [smem:$0x3FB6];
	_ =	sdelay $0x3  }
0x34: {  	[smem:$0x3FB6] =	sst s10  }
0x35: {  	s10 =	sld [smem:$0x3FB5];
	_ =	sdelay $0x3  }
0x36: {  	p1 =	seq.s32 s10, $0x1;
	s10 =	sld [smem:$0x3FB6];
	_ =	sdelay $0x3  }
0x37: {  	[smem:$0x3FB6] =	sst s10  }
0x38: {  	s10 =	sld [smem:$0x3FB7]  }
0x39: {  	_ = 	snop;
	(pc) =	sbr.ind lr, $3  }
0x3a: {  	_ = 	snop  }
0x3b: {  	_ = 	snop  }
0x3c: {  	p2 =	seq.s32 s10, $0x1;
	s10 =	sld [smem:$0x3FB6]  }
0x3d: {  	_ =	shalt  }
0x3e: {  	_ =	shalt  }
0x3f: {  	_ =	shalt  }
0x40: {  	_ =	shalt  }
0x41: {  	_ =	shalt  }
0x42: {  	_ =	shalt  }
0x43: {  	_ =	shalt  }
0x44: {  	_ =	shalt  }
0x45: {  	_ =	shalt  }
0x46: {  	_ =	shalt  }
0x47: {  	_ =	shalt  }
0x48: {  	_ =	shalt  }
0x49: {  	_ =	shalt  }
0x4a: {  	_ =	shalt  }
0x4b: {  	_ =	shalt  }
0x4c: {  	_ =	shalt  }
0x4d: {  	_ =	shalt  }
0x4e: {  	_ =	shalt  }
0x4f: {  	_ =	shalt  }
0x50: {  	_ =	shalt  }
0x51: {  	_ =	shalt  }
0x52: {  	_ =	shalt  }
0x53: {  	_ =	shalt  }
0x54: {  	_ =	shalt  }
0x55: {  	_ =	shalt  }
0x56: {  	_ =	shalt  }
0x57: {  	_ =	shalt  }
0x58: {  	_ =	shalt  }
0x59: {  	_ =	shalt  }
0x5a: {  	_ =	shalt  }
0x5b: {  	_ =	shalt  }
0x5c: {  	_ =	shalt  }
0x5d: {  	_ =	shalt  }
0x5e: {  	_ =	shalt  }
0x5f: {  	_ =	shalt  }
0x60: {  	_ =	shalt  }
0x61: {  	_ =	shalt  }
0x62: {  	_ =	shalt  }
0x63: {  	_ =	shalt  }
0x64: {  	_ =	shalt  }
0x65: {  	_ =	shalt  }
0x66: {  	_ =	shalt  }
0x67: {  	_ =	shalt  }
0x68: {  	_ =	shalt  }
0x69: {  	_ =	shalt  }
0x6a: {  	_ =	shalt  }
0x6b: {  	_ =	shalt  }
0x6c: {  	_ =	shalt  }
0x6d: {  	_ =	shalt  }
0x6e: {  	_ =	shalt  }
0x6f: {  	_ =	shalt  }
0x70: {  	_ =	shalt  }
0x71: {  	_ =	shalt  }
0x72: {  	_ =	shalt  }
0x73: {  	_ =	shalt  }
0x74: {  	_ =	shalt  }
0x75: {  	_ =	shalt  }
0x76: {  	_ =	shalt  }
0x77: {  	_ =	shalt  }
0x78: {  	_ =	shalt  }
0x79: {  	_ =	shalt  }
0x7a: {  	_ =	shalt  }
0x7b: {  	_ =	shalt  }
0x7c: {  	_ =	shalt  }
0x7d: {  	_ =	shalt  }
0x7e: {  	_ =	shalt  }
0x7f: {  	_ =	shalt  }
0x80: {  	_ =	shalt  }
0x81: {  	_ =	shalt  }
0x82: {  	_ =	shalt  }
0x83: {  	_ =	shalt  }
0x84: {  	_ =	shalt  }
0x85: {  	_ =	shalt  }
0x86: {  	_ =	shalt  }
0x87: {  	_ =	shalt  }
.Lfunc_end0:
.L_simem_size_0:
called_computation.2_lowered:
.L_overlay_start_0:
0x88: {  	s2 =	sld [smem:$0x3FD9]  }
0x89: {  	s3 =	sld [smem:$0x3FFE];
	_ =	sdelay $0x1  }
0x8a: {  	s1 =	srdreg.scid  }
0x8b: {  	s0 =	sand.u32 $0x1, s1  }
0x8c: {  	s17 =	sshll.u32 s0, $0xA;
	s2 =	sadd.s32 s3, s2  }
0x8d: {  	s2 =	sadd.s32 s2, s17  }
0x8e: {  	[smem:$0x3FC2] =	sst s2  }
0x8f: {  	_ = 	snop  }
0x90: {  	s2 =	sld [smem:$0x3FD0];
	(tm) =	ssettm $0x1  }
0x91: {  	s18 =	sld [smem:$0x3FFB];
	_ =	sdelay $0x3  }
0x92: {  	_ =	strace s18  }
0x93: {  	s3 =	sld [smem:$0x3FFC];
	_ =	sdelay $0x3  }
0x94: {  	_ =	strace s3  }
0x95: {  	s3 =	sld [smem:$0x3FFD];
	_ =	sdelay $0x3  }
0x96: {  	_ =	strace s3  }
0x97: {  	_ =	strace $0x8FFFFFFF  }
0x98: {  	s19 =	sld [smem:$0x3FDB];
	_ =	sdelay $0x1  }
0x99: {  	s4 =	simm.s32 $_scs_section_size  }
0x9a: {  	s5 =	simm.s32 $_size__tile_overlayer_lowered;
	s6 =	simm.s32 $_tile_overlayer_lowered  }
0x9b: {  	s22 =	simm.s32 $0x1BFF;
	s21 =	sshll.u32 s6, $0x1;
	s3 =	sadd.s32 s4, s19  }
0x9c: {  	s7 =	simm.s32 $0x0;
	s20 =	sshll.u32 s5, $0x1;
	s5 =	sadd.s32 s21, s3  }
0x9d: {  	[timem:s7], [sflag:s22] =	dma.local [hbm:s5], s20  }
0x9e: {  	_ =	swait.ge [sflag:s22], s20  }
0x9f: {  	s4 =	ssub.s32 $0x0, s20;
	[sflag:s22] =	ssyncset.done $0x0  }
0xa0: {  	[sflag:s22] =	ssyncadd.s32 s4;
	_ =	sdelay $0x1  }
0xa1: {  	s23 =	simm.s32 $0x1B8B  }
0xa2: {  	_ =	swait.ge [sflag:s23], $0x1  }
0xa3: {  	[sflag:s23] =	ssyncset.done $0x0  }
0xa4: {  	s25 =	simm.s32 $0x1B8E;
	s24 =	sld [smem:$0x3FFE];
	[sflag:s23] =	ssyncadd.s32 $0xFFFFFFFF  }
0xa5: {  	s26 =	simm.s32 $execute0_lowered;
	[smem:$0x3FD2] =	sst s25  }
0xa6: {  	s5 =	sshll.u32 s26, $0x1;
	_ =	strace $0x8000004C;
	[dreg:$0x1] =	wrdreg $0xFFFFFFFF  }
0xa7: {  	s28 =	simm.s32 $_size_execute0_lowered;
	s3 =	sadd.s32 s3, s5;
	[dreg:$0x0] =	wrdreg $0x0  }
0xa8: {  	s5 =	sshll.u32 s28, $0x1;
	[dreg:$0x2] =	wrdreg s3  }
0xa9: {  	[dreg:$0x3] =	wrdreg s5  }
0xaa: {  	[dreg:$0x4] =	wrdreg $0xC0  }
0xab: {  	_ =	task [dreg:s7], $0x5FFFF  }
0xac: {  	[dreg:$0x1] =	wrdreg $0xFFFFFFFF  }
0xad: {  	[dreg:$0x0] =	wrdreg $0x60  }
0xae: {  	[dreg:$0x2] =	wrdreg s2  }
0xaf: {  	[dreg:$0x3] =	wrdreg s24  }
0xb0: {  	[dreg:$0x4] =	wrdreg $0x98000  }
0xb1: {  	[dreg:$0x5] =	wrdreg $0x9  }
0xb2: {  	_ =	task.clear_ibuf [dreg:s7], $0x6FFFF;
	_ =	strace $0x9000004C  }
0xb3: {  	s29 =	simm.s32 $0x9;
	_ =	strace $0x8000004E  }
0xb4: {  	_ =	swait.ge [sflag:s29], $0x1  }
0xb5: {  	[sflag:s29] =	ssyncadd.s32 $0xFFFFFFFF  }
0xb6: {  	_ =	strace $0x9000004E  }
0xb7: {  	_ =	sfence  }
0xb8: {  	s30 =	sld [smem:$0x0];
	_ =	sdelay $0x2  }
0xb9: {  	s31 =	sshll.u32 s1, $0xD;
	s1 =	sshrl.u32 s1, $0x2  }
0xba: {  	s3 =	sand.u32 $0x4000, s31;
	s1 =	sadd.s32 s1, s30  }
0xbb: {  	s0 =	sor.u32 s3, s0;
	s1 =	sshll.u32 s1, $0x11  }
0xbc: {  	s0 =	sor.u32 s1, s0  }
0xbd: {  	s0 =	sadd.s32 $0x8F2B, s0  }
0xbe: {  	[sflag:s0] =	ssyncadd.remote.s32 $0x1  }
0xbf: {  	_ =	sfence.sel $0xFFFF  }
0xc0: {  	[dreg:$0x0] =	wrdreg $0xFFFFFFFF;
	(pc) =	sbr.abs _section_cstart, $3  }
0xc1: {  	[dreg:$0x1] =	wrdreg $0xFFFFFFFF  }
0xc2: {  	_ =	task.clear_ibuf [dreg:s7], $0x2FFFF;
	_ =	strace $0x9FFFFFFF  }
0xc3: {  	(tm) =	ssettm $0x7FFFFFFF  }
tec
execute0_lowered:
.L_overlay_start_1:
0x0: {  	(tag) =	ssettag $0x1  }
0x1: {  	s1 =	rddreg [dreg:$0x0]  }
0x2: {  	s0 =	rddreg [dreg:$0x1]  }
0x3: {  	s2 =	rddreg [dreg:$0x2]  }
0x4: {  	s4 =	srdreg.scid;
	s3 =	simm.s32 $0x0;
	s14 =	stileid.u32  }
0x5: {  	s19 =	simm.s32 $0x80;
	s20 =	simm.s32 $0x1800;
	s21 =	simm.s32 $0x2  }
0x6: {  	s22 =	simm.s32 $0x5800;
	s23 =	simm.s32 $0x3;
	s7 =	sand.u32 $0x1, s4  }
0x7: {  	[smem:$0x7FF] =	sst s3;
	s12 =	sadd.s32 $0x1E00, s0;
	s9 =	smul.u32 $0x4E000, s14  }
0x8: {  	s13 =	sadd.s32 $0xBE00, s0;
	s26 =	smul.u32 $0x13800, s14;
	s16 =	sshll.u32 s14, $0x6  }
0x9: {  	s30 =	smul.u32 $0xA, s14;
	s18 =	sadd.s32 $0x138000, s2;
	p0 =	sne.s32 s14, $0x0  }
0xa: {  	s4 =	sshll.u32 s7, $0x4;
	_ =	strace $0x8000004D;
	s10 =	smul.u32 $0x138800, s7  }
0xb: {  	s5 =	ssub.s32 $0x2, s7;
	s17 =	smul.u32 $0xA0, s7;
	s4 =	sor.u32 s14, s4  }
0xc: {  	s8 =	sshrl.u32 s5, $0x1;
	s25 =	sshrl.u32 s9, $0x2;
	s29 =	sshrl.u32 s26, $0x3  }
0xd: {  	s6 =	smul.u32 $0x500, s4;
	s4 =	sadd.s32 $0x16600, s0;
	s0 =	sadd.s32 $0x3E000, s0  }
0xe: {  	s11 =	ssub.s32 s5, s8;
	s15 =	sadd.s32 s25, s2;
	s8 =	sor.u32 $0x1C05, s16  }
0xf: {  	s9 =	sadd.s32 s26, s10;
	s10 =	sshrl.u32 s10, $0x3;
	s16 =	sadd.s32 s30, s17  }
0x10: {  	s17 =	sshrl.u32 @!p0 s18, $0x3;
	s18 =	simm.s32 $0x1;
	s25 =	simm.s32 $0x0  }
0x11: {  	s7 =	sadd.s32 s4, s29;
	s9 =	sshrl.u32 s9, $0x3;
	s10 =	sadd.s32 s0, s10  }
0x12: {  	s31 =	sshll.u32 s16, $0x7;
	s11 =	smax.u32 s11, $0x1;
	s15 =	sshrl.u32 s15, $0x3  }
0x13: {  	s16 =	simm.s32 $0x5;
	s24 =	sadd.s32 s12, s6;
	s28 =	sadd.s32 s13, s6  }
0x14: {  	s9 =	sadd.s32 s0, s9;
	s10 =	sadd.s32 $0x27000, s10;
	[dreg:$0x4] =	wrdreg s24  }
0x15: {  	s12 =	sadd.s32 s31, s12;
	s0 =	sadd.s32 s31, s13;
	[dreg:$0x5] =	wrdreg s28  }
0x16: {  	s12 =	sadd.s32 $0x80, s12;
	s13 =	sadd.s32 $0x80, s0;
	s24 =	simm.s32 $0x4  }
.LBB2_1:
0x17: {  	s0 =	rddreg [dreg:$0x4];
	s26 =	simm.s32 $0x1;
	p1 =	por $0x0, $0x0  }
0x18: {  	[tilespmem:s3], [sflag:$0x1] =	stream.linear.gather [hbm4b:s0+s3], $0x400, $0x38;
	[tilespmem:$0x1D480] =	vst v63  }
0x19: {  	s6 =	rddreg [dreg:$0x5];
	s5 =	simm.s32 $0xC00;
	s0 =	smul.u32 @!p1 $0xAB, s26  }
0x1a: {  	[tilespmem:s5], [sflag:$0x1] =	stream.linear.gather [hbm4b:s6+s3], $0x400, $0x38;
	[tilespmem:$0x1D480] =	vst v63  }
0x1b: {  	[spmem:s15], [sflag:s8] =	dma.local [hbm:s7], $0x2700  }
0x1c: {  	s0 =	sshrl.u32 @!p1 s0, $0x9;
	_ =	swait.ge [sflag:s16], $0x2700  }
0x1d: {  	s0 =	sand.u32 @!p1 $0x7F, s0;
	[sflag:s16] =	ssyncset.done $0x0  }
0x1e: {  	s14 =	simm.s32 @!p0 $0x5;
	s0 =	smul.u32 @!p1 $0x3, s0;
	[sflag:s16] =	ssyncadd.s32 $0xFFFFD900  }
0x1f: {  	[spmem:s17], [sflag:s8] =	dma.local @!p0 [hbm:s4], $0x900  }
0x20: {  	_ =	swait.ge @!p0 [sflag:s14], $0x900  }
0x21: {  	s0 =	ssub.s32 @!p1 $0x1, s0;
	[sflag:s14] =	ssyncset.done @!p0 $0x0  }
0x22: {  	s0 =	sand.u32 @!p1 $0xFF, s0;
	[sflag:s14] =	ssyncadd.s32 @!p0 $0xFFFFF700  }
0x23: {  	s0 =	sshll.u32 @!p1 s0, $0xA;
	s14 =	simm.s32 @!p1 $0x0;
	[bflag:$0x0] =	sbarrier.arrive $0xFFFF  }
0x24: {  	[tilespmem:s0], [sflag:$0x1] =	stream.linear.gather @!p1 [hbm4b:s12+s14], $0x400, $0x38;
	[tilespmem:$0x1D480] =	vst v63  }
0x25: {  	s0 =	sadd.s32 @!p1 $0xC00, s0  }
0x26: {  	[tilespmem:s0], [sflag:$0x1] =	stream.linear.gather @!p1 [hbm4b:s13+s14], $0x400, $0x38;
	[tilespmem:$0x1D480] =	vst v63  }
0x27: {  	s14 =	smul.u32 $0xAB, s3;
	_ =	swait.ge [sflag:s18], $0x400  }
0x28: {  	[sflag:s18] =	ssyncset.done $0x0  }
0x29: {  	s0 =	sshrl.u32 s14, $0x9;
	[sflag:s18] =	ssyncadd.s32 $0xFFFFFC00  }
0x2a: {  	s0 =	sand.u32 $0x7F, s0;
	_ =	swait.ge [sflag:s18], $0x400  }
0x2b: {  	p1 =	por $0x1, $0x1;
	s0 =	smul.u32 $0x3, s0;
	[sflag:s18] =	ssyncset.done $0x0  }
0x2c: {  	s14 =	simm.s32 @!p1 $0x3;
	[sflag:s18] =	ssyncadd.s32 $0xFFFFFC00  }
0x2d: {  	s0 =	ssub.s32 $0x0, s0;
	_ =	swait.ge @!p1 [sflag:s14], $0x4000  }
0x2e: {  	s0 =	sand.u32 $0xFF, s0;
	[sflag:s14] =	ssyncset.done @!p1 $0x0  }
0x2f: {  	s0 =	sshll.u32 s0, $0xA;
	[sflag:s14] =	ssyncadd.s32 @!p1 $0xFFFFC000  }
0x30: {  	[tilespmem:s20], [sflag:$0x2] =	stream.indirect.gather [hbm4b:s1+s19], $0x80, s0, s19, $0xb8;
	[tilespmem:$0x1D480] =	vst v63  }
0x31: {  	_ =	swait.ge [sflag:s21], $0x4000  }
0x32: {  	[sflag:s21] =	ssyncset.done $0x0  }
0x33: {  	s28 =	simm.s32 @!p1 $0x4;
	s5 =	sadd.s32 $0xC00, s0;
	[sflag:s21] =	ssyncadd.s32 $0xFFFFC000  }
0x34: {  	[spmem:s2] =	stream.indirect.scatter.add.f32 [tilespmem:s20], [sflag:$0x3], $0x80, s5, s19, $0xb8;
	[tilespmem:$0x1D480] =	vst v63  }
0x35: {  	_ =	swait.ge @!p1 [sflag:s28], $0x4000  }
0x36: {  	[sflag:s28] =	ssyncset.done @!p1 $0x0  }
0x37: {  	s6 =	sor.u32 $0x80, s0;
	[sflag:s28] =	ssyncadd.s32 @!p1 $0xFFFFC000  }
0x38: {  	[tilespmem:s22], [sflag:$0x2] =	stream.indirect.gather [hbm4b:s1+s19], $0x80, s6, s19, $0xb8;
	[tilespmem:$0x1D480] =	vst v63  }
0x39: {  	_ =	swait.ge [sflag:s21], $0x4000  }
0x3a: {  	[sflag:s21] =	ssyncset.done $0x0  }
0x3b: {  	s5 =	sadd.s32 $0xC80, s0;
	[sflag:s21] =	ssyncadd.s32 $0xFFFFC000  }
0x3c: {  	[spmem:s2] =	stream.indirect.scatter.add.f32 [tilespmem:s22], [sflag:$0x4], $0x80, s5, s19, $0xb8;
	[tilespmem:$0x1D480] =	vst v63  }
0x3d: {  	_ =	swait.ge [sflag:s23], $0x4000  }
0x3e: {  	[sflag:s23] =	ssyncset.done $0x0  }
0x3f: {  	s6 =	sor.u32 $0x100, s0;
	[sflag:s23] =	ssyncadd.s32 $0xFFFFC000  }
0x40: {  	[tilespmem:s20], [sflag:$0x2] =	stream.indirect.gather [hbm4b:s1+s19], $0x80, s6, s19, $0xb8;
	[tilespmem:$0x1D480] =	vst v63  }
0x41: {  	_ =	swait.ge [sflag:s21], $0x4000  }
0x42: {  	[sflag:s21] =	ssyncset.done $0x0  }
0x43: {  	s5 =	sadd.s32 $0xD00, s0;
	[sflag:s21] =	ssyncadd.s32 $0xFFFFC000  }
0x44: {  	[spmem:s2] =	stream.indirect.scatter.add.f32 [tilespmem:s20], [sflag:$0x3], $0x80, s5, s19, $0xb8;
	[tilespmem:$0x1D480] =	vst v63  }
0x45: {  	_ =	swait.ge [sflag:s24], $0x4000  }
0x46: {  	[sflag:s24] =	ssyncset.done $0x0  }
0x47: {  	s6 =	sor.u32 $0x180, s0;
	[sflag:s24] =	ssyncadd.s32 $0xFFFFC000  }
0x48: {  	[tilespmem:s22], [sflag:$0x2] =	stream.indirect.gather [hbm4b:s1+s19], $0x80, s6, s19, $0xb8;
	[tilespmem:$0x1D480] =	vst v63  }
0x49: {  	_ =	swait.ge [sflag:s21], $0x4000  }
0x4a: {  	[sflag:s21] =	ssyncset.done $0x0  }
0x4b: {  	s5 =	sadd.s32 $0xD80, s0;
	[sflag:s21] =	ssyncadd.s32 $0xFFFFC000  }
0x4c: {  	[spmem:s2] =	stream.indirect.scatter.add.f32 [tilespmem:s22], [sflag:$0x4], $0x80, s5, s19, $0xb8;
	[tilespmem:$0x1D480] =	vst v63  }
0x4d: {  	_ =	swait.ge [sflag:s23], $0x4000  }
0x4e: {  	[sflag:s23] =	ssyncset.done $0x0  }
0x4f: {  	s6 =	sor.u32 $0x200, s0;
	[sflag:s23] =	ssyncadd.s32 $0xFFFFC000  }
0x50: {  	[tilespmem:s20], [sflag:$0x2] =	stream.indirect.gather [hbm4b:s1+s19], $0x80, s6, s19, $0xb8;
	[tilespmem:$0x1D480] =	vst v63  }
0x51: {  	_ =	swait.ge [sflag:s21], $0x4000  }
0x52: {  	[sflag:s21] =	ssyncset.done $0x0  }
0x53: {  	s5 =	sadd.s32 $0xE00, s0;
	[sflag:s21] =	ssyncadd.s32 $0xFFFFC000  }
0x54: {  	[spmem:s2] =	stream.indirect.scatter.add.f32 [tilespmem:s20], [sflag:$0x3], $0x80, s5, s19, $0xb8;
	[tilespmem:$0x1D480] =	vst v63  }
0x55: {  	_ =	swait.ge [sflag:s24], $0x4000  }
0x56: {  	[sflag:s24] =	ssyncset.done $0x0  }
0x57: {  	s6 =	sor.u32 $0x280, s0;
	[sflag:s24] =	ssyncadd.s32 $0xFFFFC000  }
0x58: {  	[tilespmem:s22], [sflag:$0x2] =	stream.indirect.gather [hbm4b:s1+s19], $0x80, s6, s19, $0xb8;
	[tilespmem:$0x1D480] =	vst v63  }
0x59: {  	_ =	swait.ge [sflag:s21], $0x4000  }
0x5a: {  	[sflag:s21] =	ssyncset.done $0x0  }
0x5b: {  	s5 =	sadd.s32 $0xE80, s0;
	[sflag:s21] =	ssyncadd.s32 $0xFFFFC000  }
0x5c: {  	[spmem:s2] =	stream.indirect.scatter.add.f32 [tilespmem:s22], [sflag:$0x4], $0x80, s5, s19, $0xb8;
	[tilespmem:$0x1D480] =	vst v63  }
0x5d: {  	s29 =	simm.s32 $0x2;
	_ =	swait.ge [sflag:s23], $0x4000  }
0x5e: {  	p2 =	por $0x0, $0x0;
	s31 =	sadd.s32 $0x80, s12;
	[sflag:s23] =	ssyncset.done $0x0  }
0x5f: {  	s28 =	sor.u32 $0x300, s0;
	s6 =	smul.u32 $0xAB, s26;
	[sflag:s23] =	ssyncadd.s32 $0xFFFFC000  }
0x60: {  	[tilespmem:s20], [sflag:$0x2] =	stream.indirect.gather [hbm4b:s1+s19], $0x80, s28, s19, $0xb8;
	[tilespmem:$0x1D480] =	vst v63  }
0x61: {  	s14 =	sshrl.u32 s6, $0x9;
	s28 =	smul.u32 @!p2 $0xAB, s29;
	_ =	swait.ge [sflag:s21], $0x4000  }
0x62: {  	s30 =	sadd.s32 $0xF00, s0;
	s14 =	sand.u32 $0x7F, s14;
	[sflag:s21] =	ssyncset.done $0x0  }
0x63: {  	s14 =	smul.u32 $0x3, s14;
	s28 =	sshrl.u32 @!p2 s28, $0x9;
	[sflag:s21] =	ssyncadd.s32 $0xFFFFC000  }
0x64: {  	[spmem:s2] =	stream.indirect.scatter.add.f32 [tilespmem:s20], [sflag:$0x3], $0x80, s30, s19, $0xb8;
	[tilespmem:$0x1D480] =	vst v63  }
0x65: {  	s14 =	ssub.s32 $0x1, s14;
	s28 =	sand.u32 @!p2 $0x7F, s28;
	_ =	swait.ge [sflag:s24], $0x4000  }
0x66: {  	s5 =	smul.u32 @!p2 $0x3, s28;
	s28 =	sor.u32 $0x380, s0;
	[sflag:s24] =	ssyncset.done $0x0  }
0x67: {  	s30 =	sadd.s32 $0x80, s13;
	s0 =	sadd.s32 $0xF80, s0;
	[sflag:s24] =	ssyncadd.s32 $0xFFFFC000  }
0x68: {  	[tilespmem:s22], [sflag:$0x2] =	stream.indirect.gather [hbm4b:s1+s19], $0x80, s28, s19, $0xb8;
	[tilespmem:$0x1D480] =	vst v63  }
0x69: {  	s28 =	sand.u32 $0xFF, s14;
	s14 =	ssub.s32 @!p2 $0x2, s5;
	_ =	swait.ge [sflag:s21], $0x4000  }
.LBB2_2:
0x6a: {  	s5 =	sand.u32 @!p2 $0xFF, s14  }
0x6b: {  	[sflag:s21] =	ssyncset.done $0x0;
	s14 =	smov.u32 s29;
	s29 =	sadd.s32 $0x1, s29  }
0x6c: {  	s6 =	smul.u32 $0xAB, s14;
	s5 =	sshll.u32 @!p2 s5, $0xA;
	[sflag:s21] =	ssyncadd.s32 $0xFFFFC000  }
0x6d: {  	[spmem:s2] =	stream.indirect.scatter.add.f32 [tilespmem:s22], [sflag:$0x4], $0x80, s0, s19, $0xb8;
	[tilespmem:$0x1D480] =	vst v63  }
0x6e: {  	p1 =	sne.s32 s29, $0xA;
	s0 =	sshrl.u32 s6, $0x9;
	s6 =	simm.s32 @!p2 $0x0  }
0x6f: {  	[tilespmem:s5], [sflag:$0x1] =	stream.linear.gather @!p2 [hbm4b:s31+s6], $0x400, $0x38;
	[tilespmem:$0x1D480] =	vst v63  }
0x70: {  	s0 =	sand.u32 $0x7F, s0;
	s5 =	sadd.s32 @!p2 $0xC00, s5  }
0x71: {  	[tilespmem:s5], [sflag:$0x1] =	stream.linear.gather @!p2 [hbm4b:s30+s6], $0x400, $0x38;
	[tilespmem:$0x1D480] =	vst v63  }
0x72: {  	s0 =	smul.u32 $0x3, s0;
	_ =	swait.ge [sflag:s18], $0x400  }
0x73: {  	[sflag:s18] =	ssyncset.done $0x0  }
0x74: {  	s0 =	ssub.s32 s14, s0;
	[sflag:s18] =	ssyncadd.s32 $0xFFFFFC00  }
0x75: {  	s5 =	sand.u32 $0xFF, s0;
	_ =	swait.ge [sflag:s18], $0x400  }
0x76: {  	p2 =	seq.s32 s26, $0x0;
	s26 =	smov.u32 s14;
	[sflag:s18] =	ssyncset.done $0x0  }
0x77: {  	s0 =	simm.s32 @!p2 $0x3;
	[sflag:s18] =	ssyncadd.s32 $0xFFFFFC00  }
0x78: {  	_ =	swait.ge @!p2 [sflag:s0], $0x4000  }
0x79: {  	[sflag:s0] =	ssyncset.done @!p2 $0x0  }
0x7a: {  	[sflag:s0] =	ssyncadd.s32 @!p2 $0xFFFFC000;
	s0 =	sshll.u32 s28, $0xA;
	s28 =	smov.u32 s5  }
0x7b: {  	[tilespmem:s20], [sflag:$0x2] =	stream.indirect.gather [hbm4b:s1+s19], $0x80, s0, s19, $0xb8;
	[tilespmem:$0x1D480] =	vst v63  }
0x7c: {  	_ =	swait.ge [sflag:s21], $0x4000  }
0x7d: {  	[sflag:s21] =	ssyncset.done $0x0  }
0x7e: {  	s6 =	simm.s32 @!p2 $0x4;
	s5 =	sadd.s32 $0xC00, s0;
	[sflag:s21] =	ssyncadd.s32 $0xFFFFC000  }
0x7f: {  	[spmem:s2] =	stream.indirect.scatter.add.f32 [tilespmem:s20], [sflag:$0x3], $0x80, s5, s19, $0xb8;
	[tilespmem:$0x1D480] =	vst v63  }
0x80: {  	_ =	swait.ge @!p2 [sflag:s6], $0x4000  }
0x81: {  	[sflag:s6] =	ssyncset.done @!p2 $0x0  }
0x82: {  	s5 =	sor.u32 $0x80, s0;
	[sflag:s6] =	ssyncadd.s32 @!p2 $0xFFFFC000  }
0x83: {  	[tilespmem:s22], [sflag:$0x2] =	stream.indirect.gather [hbm4b:s1+s19], $0x80, s5, s19, $0xb8;
	[tilespmem:$0x1D480] =	vst v63  }
0x84: {  	_ =	swait.ge [sflag:s21], $0x4000  }
0x85: {  	[sflag:s21] =	ssyncset.done $0x0  }
0x86: {  	s5 =	sadd.s32 $0xC80, s0;
	[sflag:s21] =	ssyncadd.s32 $0xFFFFC000  }
0x87: {  	[spmem:s2] =	stream.indirect.scatter.add.f32 [tilespmem:s22], [sflag:$0x4], $0x80, s5, s19, $0xb8;
	[tilespmem:$0x1D480] =	vst v63  }
0x88: {  	_ =	swait.ge [sflag:s23], $0x4000  }
0x89: {  	[sflag:s23] =	ssyncset.done $0x0  }
0x8a: {  	s5 =	sor.u32 $0x100, s0;
	[sflag:s23] =	ssyncadd.s32 $0xFFFFC000  }
0x8b: {  	[tilespmem:s20], [sflag:$0x2] =	stream.indirect.gather [hbm4b:s1+s19], $0x80, s5, s19, $0xb8;
	[tilespmem:$0x1D480] =	vst v63  }
0x8c: {  	_ =	swait.ge [sflag:s21], $0x4000  }
0x8d: {  	[sflag:s21] =	ssyncset.done $0x0  }
0x8e: {  	s5 =	sadd.s32 $0xD00, s0;
	[sflag:s21] =	ssyncadd.s32 $0xFFFFC000  }
0x8f: {  	[spmem:s2] =	stream.indirect.scatter.add.f32 [tilespmem:s20], [sflag:$0x3], $0x80, s5, s19, $0xb8;
	[tilespmem:$0x1D480] =	vst v63  }
0x90: {  	_ =	swait.ge [sflag:s24], $0x4000  }
0x91: {  	[sflag:s24] =	ssyncset.done $0x0  }
0x92: {  	s5 =	sor.u32 $0x180, s0;
	[sflag:s24] =	ssyncadd.s32 $0xFFFFC000  }
0x93: {  	[tilespmem:s22], [sflag:$0x2] =	stream.indirect.gather [hbm4b:s1+s19], $0x80, s5, s19, $0xb8;
	[tilespmem:$0x1D480] =	vst v63  }
0x94: {  	_ =	swait.ge [sflag:s21], $0x4000  }
0x95: {  	[sflag:s21] =	ssyncset.done $0x0  }
0x96: {  	s5 =	sadd.s32 $0xD80, s0;
	[sflag:s21] =	ssyncadd.s32 $0xFFFFC000  }
0x97: {  	[spmem:s2] =	stream.indirect.scatter.add.f32 [tilespmem:s22], [sflag:$0x4], $0x80, s5, s19, $0xb8;
	[tilespmem:$0x1D480] =	vst v63  }
0x98: {  	_ =	swait.ge [sflag:s23], $0x4000  }
0x99: {  	[sflag:s23] =	ssyncset.done $0x0  }
0x9a: {  	s5 =	sor.u32 $0x200, s0;
	[sflag:s23] =	ssyncadd.s32 $0xFFFFC000  }
0x9b: {  	[tilespmem:s20], [sflag:$0x2] =	stream.indirect.gather [hbm4b:s1+s19], $0x80, s5, s19, $0xb8;
	[tilespmem:$0x1D480] =	vst v63  }
0x9c: {  	_ =	swait.ge [sflag:s21], $0x4000  }
0x9d: {  	[sflag:s21] =	ssyncset.done $0x0  }
0x9e: {  	s5 =	sadd.s32 $0xE00, s0;
	[sflag:s21] =	ssyncadd.s32 $0xFFFFC000  }
0x9f: {  	[spmem:s2] =	stream.indirect.scatter.add.f32 [tilespmem:s20], [sflag:$0x3], $0x80, s5, s19, $0xb8;
	[tilespmem:$0x1D480] =	vst v63  }
0xa0: {  	_ =	swait.ge [sflag:s24], $0x4000  }
0xa1: {  	[sflag:s24] =	ssyncset.done $0x0  }
0xa2: {  	s5 =	sor.u32 $0x280, s0;
	[sflag:s24] =	ssyncadd.s32 $0xFFFFC000  }
0xa3: {  	[tilespmem:s22], [sflag:$0x2] =	stream.indirect.gather [hbm4b:s1+s19], $0x80, s5, s19, $0xb8;
	[tilespmem:$0x1D480] =	vst v63  }
0xa4: {  	_ =	swait.ge [sflag:s21], $0x4000  }
0xa5: {  	[sflag:s21] =	ssyncset.done $0x0  }
0xa6: {  	s5 =	sadd.s32 $0xE80, s0;
	[sflag:s21] =	ssyncadd.s32 $0xFFFFC000  }
0xa7: {  	[spmem:s2] =	stream.indirect.scatter.add.f32 [tilespmem:s22], [sflag:$0x4], $0x80, s5, s19, $0xb8;
	[tilespmem:$0x1D480] =	vst v63  }
0xa8: {  	_ =	swait.ge [sflag:s23], $0x4000  }
0xa9: {  	[sflag:s23] =	ssyncset.done $0x0  }
0xaa: {  	s5 =	sor.u32 $0x300, s0;
	[sflag:s23] =	ssyncadd.s32 $0xFFFFC000  }
0xab: {  	[tilespmem:s20], [sflag:$0x2] =	stream.indirect.gather [hbm4b:s1+s19], $0x80, s5, s19, $0xb8;
	[tilespmem:$0x1D480] =	vst v63  }
0xac: {  	_ =	swait.ge [sflag:s21], $0x4000  }
0xad: {  	s30 =	sadd.s32 $0x80, s30;
	p2 =	seq.s32 s26, $0x9;
	[sflag:s21] =	ssyncset.done $0x0  }
0xae: {  	s6 =	sadd.s32 $0xF00, s0;
	s5 =	smul.u32 @!p2 $0xAB, s29;
	[sflag:s21] =	ssyncadd.s32 $0xFFFFC000  }
0xaf: {  	[spmem:s2] =	stream.indirect.scatter.add.f32 [tilespmem:s20], [sflag:$0x3], $0x80, s6, s19, $0xb8;
	[tilespmem:$0x1D480] =	vst v63  }
.Ltmp0:
0xb0: {  	s5 =	sshrl.u32 @!p2 s5, $0x9;
	_ =	swait.ge [sflag:s24], $0x4000;
	(pc) =	sbr.rel @p1 .LBB2_2-.Ltmp0, $4  }
0xb1: {  	s31 =	sadd.s32 $0x80, s31;
	s5 =	sand.u32 @!p2 $0x7F, s5;
	[sflag:s24] =	ssyncset.done $0x0  }
0xb2: {  	s5 =	smul.u32 @!p2 $0x3, s5;
	s6 =	sor.u32 $0x380, s0;
	[sflag:s24] =	ssyncadd.s32 $0xFFFFC000  }
0xb3: {  	[tilespmem:s22], [sflag:$0x2] =	stream.indirect.gather [hbm4b:s1+s19], $0x80, s6, s19, $0xb8;
	[tilespmem:$0x1D480] =	vst v63  }
0xb4: {  	s0 =	sadd.s32 $0xF80, s0;
	s14 =	ssub.s32 @!p2 s29, s5;
	_ =	swait.ge [sflag:s21], $0x4000  }
0xb5: {  	[sflag:s21] =	ssyncset.done $0x0  }
0xb6: {  	s5 =	sand.u32 @!p2 $0xFF, s14;
	[sflag:s21] =	ssyncadd.s32 $0xFFFFC000  }
0xb7: {  	[spmem:s2] =	stream.indirect.scatter.add.f32 [tilespmem:s22], [sflag:$0x4], $0x80, s0, s19, $0xb8;
	[tilespmem:$0x1D480] =	vst v63  }
0xb8: {  	s0 =	sshll.u32 @!p2 s5, $0xA;
	s5 =	simm.s32 @!p2 $0x0  }
0xb9: {  	[tilespmem:s0], [sflag:$0x1] =	stream.linear.gather @!p2 [hbm4b:s31+s5], $0x400, $0x38;
	[tilespmem:$0x1D480] =	vst v63  }
0xba: {  	s0 =	sadd.s32 @!p2 $0xC00, s0  }
0xbb: {  	[tilespmem:s0], [sflag:$0x1] =	stream.linear.gather @!p2 [hbm4b:s30+s5], $0x400, $0x38;
	[tilespmem:$0x1D480] =	vst v63  }
0xbc: {  	_ =	swait.ge [sflag:s18], $0x400  }
0xbd: {  	[sflag:s18] =	ssyncset.done $0x0  }
0xbe: {  	[sflag:s18] =	ssyncadd.s32 $0xFFFFFC00  }
0xbf: {  	_ =	swait.ge [sflag:s18], $0x400  }
0xc0: {  	p1 =	seq.s32 s26, $0x0;
	[sflag:s18] =	ssyncset.done $0x0  }
0xc1: {  	s0 =	simm.s32 @!p1 $0x3;
	[sflag:s18] =	ssyncadd.s32 $0xFFFFFC00  }
0xc2: {  	_ =	swait.ge @!p1 [sflag:s0], $0x4000  }
0xc3: {  	[sflag:s0] =	ssyncset.done @!p1 $0x0  }
0xc4: {  	[sflag:s0] =	ssyncadd.s32 @!p1 $0xFFFFC000;
	s0 =	sshll.u32 s28, $0xA  }
0xc5: {  	[tilespmem:s20], [sflag:$0x2] =	stream.indirect.gather [hbm4b:s1+s19], $0x80, s0, s19, $0xb8;
	[tilespmem:$0x1D480] =	vst v63  }
0xc6: {  	_ =	swait.ge [sflag:s21], $0x4000  }
0xc7: {  	[sflag:s21] =	ssyncset.done $0x0  }
0xc8: {  	s6 =	simm.s32 @!p1 $0x4;
	s31 =	sadd.s32 $0xC00, s0;
	[sflag:s21] =	ssyncadd.s32 $0xFFFFC000  }
0xc9: {  	[spmem:s2] =	stream.indirect.scatter.add.f32 [tilespmem:s20], [sflag:$0x3], $0x80, s31, s19, $0xb8;
	[tilespmem:$0x1D480] =	vst v63  }
0xca: {  	_ =	swait.ge @!p1 [sflag:s6], $0x4000  }
0xcb: {  	[sflag:s6] =	ssyncset.done @!p1 $0x0  }
0xcc: {  	s14 =	sor.u32 $0x80, s0;
	[sflag:s6] =	ssyncadd.s32 @!p1 $0xFFFFC000  }
0xcd: {  	[tilespmem:s22], [sflag:$0x2] =	stream.indirect.gather [hbm4b:s1+s19], $0x80, s14, s19, $0xb8;
	[tilespmem:$0x1D480] =	vst v63  }
0xce: {  	_ =	swait.ge [sflag:s21], $0x4000  }
0xcf: {  	[sflag:s21] =	ssyncset.done $0x0  }
0xd0: {  	s26 =	sadd.s32 $0xC80, s0;
	[sflag:s21] =	ssyncadd.s32 $0xFFFFC000  }
0xd1: {  	[spmem:s2] =	stream.indirect.scatter.add.f32 [tilespmem:s22], [sflag:$0x4], $0x80, s26, s19, $0xb8;
	[tilespmem:$0x1D480] =	vst v63  }
0xd2: {  	_ =	swait.ge [sflag:s23], $0x4000  }
0xd3: {  	[sflag:s23] =	ssyncset.done $0x0  }
0xd4: {  	s28 =	sor.u32 $0x100, s0;
	[sflag:s23] =	ssyncadd.s32 $0xFFFFC000  }
0xd5: {  	[tilespmem:s20], [sflag:$0x2] =	stream.indirect.gather [hbm4b:s1+s19], $0x80, s28, s19, $0xb8;
	[tilespmem:$0x1D480] =	vst v63  }
0xd6: {  	_ =	swait.ge [sflag:s21], $0x4000  }
0xd7: {  	[sflag:s21] =	ssyncset.done $0x0  }
0xd8: {  	s29 =	sadd.s32 $0xD00, s0;
	[sflag:s21] =	ssyncadd.s32 $0xFFFFC000  }
0xd9: {  	[spmem:s2] =	stream.indirect.scatter.add.f32 [tilespmem:s20], [sflag:$0x3], $0x80, s29, s19, $0xb8;
	[tilespmem:$0x1D480] =	vst v63  }
0xda: {  	_ =	swait.ge [sflag:s24], $0x4000  }
0xdb: {  	[sflag:s24] =	ssyncset.done $0x0  }
0xdc: {  	s30 =	sor.u32 $0x180, s0;
	[sflag:s24] =	ssyncadd.s32 $0xFFFFC000  }
0xdd: {  	[tilespmem:s22], [sflag:$0x2] =	stream.indirect.gather [hbm4b:s1+s19], $0x80, s30, s19, $0xb8;
	[tilespmem:$0x1D480] =	vst v63  }
0xde: {  	_ =	swait.ge [sflag:s21], $0x4000  }
0xdf: {  	[sflag:s21] =	ssyncset.done $0x0  }
0xe0: {  	s31 =	sadd.s32 $0xD80, s0;
	[sflag:s21] =	ssyncadd.s32 $0xFFFFC000  }
0xe1: {  	[spmem:s2] =	stream.indirect.scatter.add.f32 [tilespmem:s22], [sflag:$0x4], $0x80, s31, s19, $0xb8;
	[tilespmem:$0x1D480] =	vst v63  }
0xe2: {  	_ =	swait.ge [sflag:s23], $0x4000  }
0xe3: {  	[sflag:s23] =	ssyncset.done $0x0  }
0xe4: {  	s6 =	sor.u32 $0x200, s0;
	[sflag:s23] =	ssyncadd.s32 $0xFFFFC000  }
0xe5: {  	[tilespmem:s20], [sflag:$0x2] =	stream.indirect.gather [hbm4b:s1+s19], $0x80, s6, s19, $0xb8;
	[tilespmem:$0x1D480] =	vst v63  }
0xe6: {  	_ =	swait.ge [sflag:s21], $0x4000  }
0xe7: {  	[sflag:s21] =	ssyncset.done $0x0  }
0xe8: {  	s14 =	sadd.s32 $0xE00, s0;
	[sflag:s21] =	ssyncadd.s32 $0xFFFFC000  }
0xe9: {  	[spmem:s2] =	stream.indirect.scatter.add.f32 [tilespmem:s20], [sflag:$0x3], $0x80, s14, s19, $0xb8;
	[tilespmem:$0x1D480] =	vst v63  }
0xea: {  	_ =	swait.ge [sflag:s24], $0x4000  }
0xeb: {  	[sflag:s24] =	ssyncset.done $0x0  }
0xec: {  	s26 =	sor.u32 $0x280, s0;
	[sflag:s24] =	ssyncadd.s32 $0xFFFFC000  }
0xed: {  	[tilespmem:s22], [sflag:$0x2] =	stream.indirect.gather [hbm4b:s1+s19], $0x80, s26, s19, $0xb8;
	[tilespmem:$0x1D480] =	vst v63  }
0xee: {  	_ =	swait.ge [sflag:s21], $0x4000  }
0xef: {  	[sflag:s21] =	ssyncset.done $0x0  }
0xf0: {  	s28 =	sadd.s32 $0xE80, s0;
	[sflag:s21] =	ssyncadd.s32 $0xFFFFC000  }
0xf1: {  	[spmem:s2] =	stream.indirect.scatter.add.f32 [tilespmem:s22], [sflag:$0x4], $0x80, s28, s19, $0xb8;
	[tilespmem:$0x1D480] =	vst v63  }
0xf2: {  	_ =	swait.ge [sflag:s23], $0x4000  }
0xf3: {  	[sflag:s23] =	ssyncset.done $0x0  }
0xf4: {  	s29 =	sor.u32 $0x300, s0;
	[sflag:s23] =	ssyncadd.s32 $0xFFFFC000  }
0xf5: {  	[tilespmem:s20], [sflag:$0x2] =	stream.indirect.gather [hbm4b:s1+s19], $0x80, s29, s19, $0xb8;
	[tilespmem:$0x1D480] =	vst v63  }
0xf6: {  	_ =	swait.ge [sflag:s21], $0x4000  }
0xf7: {  	[sflag:s21] =	ssyncset.done $0x0  }
0xf8: {  	s30 =	sadd.s32 $0xF00, s0;
	[sflag:s21] =	ssyncadd.s32 $0xFFFFC000  }
0xf9: {  	[spmem:s2] =	stream.indirect.scatter.add.f32 [tilespmem:s20], [sflag:$0x3], $0x80, s30, s19, $0xb8;
	[tilespmem:$0x1D480] =	vst v63  }
0xfa: {  	_ =	swait.ge [sflag:s24], $0x4000  }
0xfb: {  	[sflag:s24] =	ssyncset.done $0x0  }
0xfc: {  	s31 =	sor.u32 $0x380, s0;
	[sflag:s24] =	ssyncadd.s32 $0xFFFFC000  }
0xfd: {  	[tilespmem:s22], [sflag:$0x2] =	stream.indirect.gather [hbm4b:s1+s19], $0x80, s31, s19, $0xb8;
	[tilespmem:$0x1D480] =	vst v63  }
0xfe: {  	_ =	swait.ge [sflag:s21], $0x4000  }
0xff: {  	[sflag:s21] =	ssyncset.done $0x0  }
0x100: {  	s0 =	sadd.s32 $0xF80, s0;
	[sflag:s21] =	ssyncadd.s32 $0xFFFFC000  }
0x101: {  	[spmem:s2] =	stream.indirect.scatter.add.f32 [tilespmem:s22], [sflag:$0x4], $0x80, s0, s19, $0xb8;
	[tilespmem:$0x1D480] =	vst v63  }
0x102: {  	_ =	swait.ge [sflag:s23], $0x4000  }
0x103: {  	[sflag:s23] =	ssyncset.done $0x0  }
0x104: {  	[sflag:s23] =	ssyncadd.s32 $0xFFFFC000  }
0x105: {  	_ =	swait.ge [sflag:s24], $0x4000  }
0x106: {  	[sflag:s24] =	ssyncset.done $0x0  }
0x107: {  	[sflag:s24] =	ssyncadd.s32 $0xFFFFC000  }
0x108: {  	[bflag:$0x0] =	sbarrier.arrive $0xFFFF  }
0x109: {  	[hbm:s9], [sflag:s8] =	dma.local [spmem:s15], $0x2700  }
0x10a: {  	s25 =	sadd.s32 $0x1, s25;
	_ =	swait.ge [sflag:s16], $0x2700  }
0x10b: {  	p1 =	sne.s32 s25, s11;
	[sflag:s16] =	ssyncset.done $0x0  }
.Ltmp1:
0x10c: {  	s0 =	simm.s32 @!p0 $0x5;
	[sflag:s16] =	ssyncadd.s32 $0xFFFFD900;
	(pc) =	sbr.rel @p1 .LBB2_1-.Ltmp1, $4  }
0x10d: {  	[hbm:s10], [sflag:s8] =	dma.local @!p0 [spmem:s17], $0x100  }
0x10e: {  	_ =	swait.ge @!p0 [sflag:s0], $0x100  }
0x10f: {  	[sflag:s0] =	ssyncset.done @!p0 $0x0  }
0x110: {  	[sflag:s0] =	ssyncadd.s32 @!p0 $0xFFFFFF00  }
0x111: {  	_ =	sfence.sel $0x180000  }
0x112: {  	[bflag:$0x0] =	sbarrier.arrive $0xFFFF  }
0x113: {  	_ =	strace $0x9000004D  }
0x114: {  	[bflag:$0x2] =	sbarrier.arrive $0xFFFF  }
0x115: {  	s0 =	rddreg [dreg:$0x3]  }
0x116: {  	s0 =	sadd.s32 @!p0 $0x100000, s0  }
0x117: {  	[sflag:s0] =	ssyncadd.tile.s32 @!p0 $0x1;
	_ =	shalt  }
.Lfunc_end2:
_tile_overlayer_lowered:
.L_overlay_start_2:
0x118: {  	(tag) =	ssettag $0x2  }
0x119: {  	s0 =	rddreg [dreg:$0x0];
	s2 =	stileid.u32  }
0x11a: {  	s1 =	rddreg [dreg:$0x1];
	p0 =	sne.s32 s2, $0x0  }
0x11b: {  	s3 =	rddreg [dreg:$0x2];
	[bflag:$0x3] =	sbarrier.arrive $0xFFFF;
	s2 =	simm.s32 @!p0 $0x1C05  }
0x11c: {  	[timem:s3], [sflag:s2] =	dma.local @!p0 [hbm:s0], s1  }
0x11d: {  	s0 =	simm.s32 @!p0 $0x5  }
0x11e: {  	_ =	swait.ge @!p0 [sflag:s0], s1  }
0x11f: {  	s1 =	ssub.s32 @!p0 $0x0, s1;
	[sflag:s0] =	ssyncset.done @!p0 $0x0  }
0x120: {  	[sflag:s0] =	ssyncadd.s32 @!p0 s1  }
0x121: {  	[bflag:$0x3] =	sbarrier.arrive $0xFFFF  }
0x122: {  	_ =	shalt  }

// kernel: kernel.8.cloned.1.call-start
scs
__scs_entry_jumppad:
0x0: {  	(pc) =	sbr.rel $0x88, $3  }
0x1: {  	(tag) =	ssettag $0x0;
	lr =	simm.s32 $0x1  }
0x2: {  	[smem:$0x3F9B] =	sst lr;
	_ =	strace $0xD0000000  }
0x3: {  	_ = 	snop  }
0x4: {  	_ = 	snop  }
0x5: {  	_ = 	snop  }
0x6: {  	_ = 	snop  }
0x7: {  	_ = 	snop  }
__scs_overlays_trampoline_lowered:
0x8: {  	[smem:$0x3FAA] =	sst s0  }
0x9: {  	[smem:$0x3FAB] =	sst s1  }
0xa: {  	[smem:$0x3FAC] =	sst s2  }
0xb: {  	[smem:$0x3FAD] =	sst s3  }
0xc: {  	[smem:$0x3FAE] =	sst s4  }
0xd: {  	[smem:$0x3FAF] =	sst s5  }
0xe: {  	[smem:$0x3FB0] =	sst s6  }
0xf: {  	[smem:$0x3FB1] =	sst s7  }
0x10: {  	[smem:$0x3FB2] =	sst s8  }
0x11: {  	[smem:$0x3FB3] =	sst s9;
	s0 =	simm.s32 @!p0 $0x0  }
0x12: {  	s1 =	sld [smem:$0x3F99];
	s0 =	simm.s32 @p0 $0x1  }
0x13: {  	[smem:$0x3FB4] =	sst s0;
	s0 =	simm.s32 @!p1 $0x0  }
0x14: {  	s2 =	sld [smem:$0x3F98];
	s0 =	simm.s32 @p1 $0x1  }
0x15: {  	[smem:$0x3FB5] =	sst s0;
	s0 =	simm.s32 @!p2 $0x0  }
0x16: {  	s3 =	sld [smem:$0x3FDB];
	s0 =	simm.s32 @p2 $0x1  }
0x17: {  	s4 =	simm.s32 $0x1BF5;
	[smem:$0x3FB7] =	sst s0  }
0x18: {  	s0 =	sld [smem:$0x3F9A];
	_ =	swait.ge [sflag:s4], $0x0  }
0x19: {  	s7 =	sld [smem:$0x3F9B]  }
0x1a: {  	s8 =	sadd.s32 $0xFFFFE003, lr  }
0x1b: {  	s9 =	sadd.s32 $0xFFFFFEF7, lr;
	s5 =	simm.s32 $0xFFFFFFFF;
	p2 =	slt.u32 s8, $0xFFFFF086  }
0x1c: {  	p1 =	slt.u32 s9, $0xF7A;
	s5 =	simm.s32 @!p2 $0x0  }
0x1d: {  	s5 =	simm.s32 @p1 $0x1;
	p0 =	seq.s32 s7, s2  }
0x1e: {  	s7 =	smul.u32 @!p0 $0xF7A, s2;
	p2 =	seq.s32 @!p0 s5, $0x0  }
0x1f: {  	s9 =	smul.u32 $0xF7A, s1;
	s8 =	simm.s32 @!p0 $0x1BF5;
	p2 =	por !p2, p0  }
0x20: {  	[sflag:s8] =	ssyncset.s32 @!p0 $0xFFFFF086;
	s6 =	sadd.s32 @!p0 s3, s7;
	s7 =	simm.s32 @!p0 $0x108  }
0x21: {  	s3 =	sadd.s32 s3, s9;
	s6 =	sadd.s32 @!p0 $0x88, s6;
	s7 =	simm.s32 @p2 $0x1082  }
0x22: {  	[simem:s7], [sflag:s8] =	dma.local @!p0 [hbm:s6], $0xF7A  }
0x23: {  	s9 =	sor.u32 $0xD0000000, s2;
	s6 =	simm.s32 $0x108;
	_ =	swait.ge @!p0 [sflag:s8], $0x0  }
0x24: {  	s3 =	sadd.s32 $0x88, s3;
	s6 =	simm.s32 @!p1 $0x1082;
	[sflag:s4] =	ssyncset.s32 $0xFFFFF086  }
0x25: {  	[simem:s6], [sflag:s4] =	dma.local [hbm:s3], $0xF7A  }
0x26: {  	[smem:$0x3F9B] =	sst s1;
	(tag) =	ssettag s2;
	_ =	strace s9  }
0x27: {  	s1 =	sld [smem:$0x3FAB]  }
0x28: {  	s2 =	sld [smem:$0x3FAC]  }
0x29: {  	s4 =	sld [smem:$0x3FAE]  }
0x2a: {  	p0 =	seq.s32 s5, $0x0;
	s5 =	sld [smem:$0x3FAF]  }
0x2b: {  	s6 =	sld [smem:$0x3FB0]  }
0x2c: {  	s7 =	sld [smem:$0x3FB1]  }
0x2d: {  	s3 =	simm.s32 $0x108;
	s8 =	sld [smem:$0x3FB2]  }
0x2e: {  	s3 =	simm.s32 @!p0 $0x1082;
	s9 =	sld [smem:$0x3FB3]  }
0x2f: {  	lr =	sadd.s32 s0, s3;
	s0 =	sld [smem:$0x3FAA]  }
0x30: {  	s3 =	sld [smem:$0x3FAD]  }
0x31: {  	[smem:$0x3FB6] =	sst s10  }
0x32: {  	s10 =	sld [smem:$0x3FB4];
	_ =	sdelay $0x3  }
0x33: {  	p0 =	seq.s32 s10, $0x1;
	s10 =	sld [smem:$0x3FB6];
	_ =	sdelay $0x3  }
0x34: {  	[smem:$0x3FB6] =	sst s10  }
0x35: {  	s10 =	sld [smem:$0x3FB5];
	_ =	sdelay $0x3  }
0x36: {  	p1 =	seq.s32 s10, $0x1;
	s10 =	sld [smem:$0x3FB6];
	_ =	sdelay $0x3  }
0x37: {  	[smem:$0x3FB6] =	sst s10  }
0x38: {  	s10 =	sld [smem:$0x3FB7]  }
0x39: {  	_ = 	snop;
	(pc) =	sbr.ind lr, $3  }
0x3a: {  	_ = 	snop  }
0x3b: {  	_ = 	snop  }
0x3c: {  	p2 =	seq.s32 s10, $0x1;
	s10 =	sld [smem:$0x3FB6]  }
0x3d: {  	_ =	shalt  }
0x3e: {  	_ =	shalt  }
0x3f: {  	_ =	shalt  }
0x40: {  	_ =	shalt  }
0x41: {  	_ =	shalt  }
0x42: {  	_ =	shalt  }
0x43: {  	_ =	shalt  }
0x44: {  	_ =	shalt  }
0x45: {  	_ =	shalt  }
0x46: {  	_ =	shalt  }
0x47: {  	_ =	shalt  }
0x48: {  	_ =	shalt  }
0x49: {  	_ =	shalt  }
0x4a: {  	_ =	shalt  }
0x4b: {  	_ =	shalt  }
0x4c: {  	_ =	shalt  }
0x4d: {  	_ =	shalt  }
0x4e: {  	_ =	shalt  }
0x4f: {  	_ =	shalt  }
0x50: {  	_ =	shalt  }
0x51: {  	_ =	shalt  }
0x52: {  	_ =	shalt  }
0x53: {  	_ =	shalt  }
0x54: {  	_ =	shalt  }
0x55: {  	_ =	shalt  }
0x56: {  	_ =	shalt  }
0x57: {  	_ =	shalt  }
0x58: {  	_ =	shalt  }
0x59: {  	_ =	shalt  }
0x5a: {  	_ =	shalt  }
0x5b: {  	_ =	shalt  }
0x5c: {  	_ =	shalt  }
0x5d: {  	_ =	shalt  }
0x5e: {  	_ =	shalt  }
0x5f: {  	_ =	shalt  }
0x60: {  	_ =	shalt  }
0x61: {  	_ =	shalt  }
0x62: {  	_ =	shalt  }
0x63: {  	_ =	shalt  }
0x64: {  	_ =	shalt  }
0x65: {  	_ =	shalt  }
0x66: {  	_ =	shalt  }
0x67: {  	_ =	shalt  }
0x68: {  	_ =	shalt  }
0x69: {  	_ =	shalt  }
0x6a: {  	_ =	shalt  }
0x6b: {  	_ =	shalt  }
0x6c: {  	_ =	shalt  }
0x6d: {  	_ =	shalt  }
0x6e: {  	_ =	shalt  }
0x6f: {  	_ =	shalt  }
0x70: {  	_ =	shalt  }
0x71: {  	_ =	shalt  }
0x72: {  	_ =	shalt  }
0x73: {  	_ =	shalt  }
0x74: {  	_ =	shalt  }
0x75: {  	_ =	shalt  }
0x76: {  	_ =	shalt  }
0x77: {  	_ =	shalt  }
0x78: {  	_ =	shalt  }
0x79: {  	_ =	shalt  }
0x7a: {  	_ =	shalt  }
0x7b: {  	_ =	shalt  }
0x7c: {  	_ =	shalt  }
0x7d: {  	_ =	shalt  }
0x7e: {  	_ =	shalt  }
0x7f: {  	_ =	shalt  }
0x80: {  	_ =	shalt  }
0x81: {  	_ =	shalt  }
0x82: {  	_ =	shalt  }
0x83: {  	_ =	shalt  }
0x84: {  	_ =	shalt  }
0x85: {  	_ =	shalt  }
0x86: {  	_ =	shalt  }
0x87: {  	_ =	shalt  }
.Lfunc_end0:
.L_simem_size_0:
called_computation_lowered:
.L_overlay_start_0:
0x88: {  	s2 =	sld [smem:$0x3FD9]  }
0x89: {  	s3 =	sld [smem:$0x3FFE];
	_ =	sdelay $0x1  }
0x8a: {  	s1 =	srdreg.scid  }
0x8b: {  	s0 =	sand.u32 $0x1, s1  }
0x8c: {  	s17 =	sshll.u32 s0, $0xA;
	s2 =	sadd.s32 s3, s2  }
0x8d: {  	s2 =	sadd.s32 s2, s17  }
0x8e: {  	[smem:$0x3FC2] =	sst s2  }
0x8f: {  	_ = 	snop  }
0x90: {  	s2 =	sld [smem:$0x3FD0];
	(tm) =	ssettm $0x1  }
0x91: {  	s18 =	sld [smem:$0x3FFB];
	_ =	sdelay $0x3  }
0x92: {  	_ =	strace s18  }
0x93: {  	s3 =	sld [smem:$0x3FFC];
	_ =	sdelay $0x3  }
0x94: {  	_ =	strace s3  }
0x95: {  	s3 =	sld [smem:$0x3FFD];
	_ =	sdelay $0x3  }
0x96: {  	_ =	strace s3  }
0x97: {  	_ =	strace $0x8FFFFFFF  }
0x98: {  	s19 =	sld [smem:$0x3FDB];
	_ =	sdelay $0x1  }
0x99: {  	s4 =	simm.s32 $_scs_section_size  }
0x9a: {  	s5 =	simm.s32 $_size__tile_overlayer_lowered;
	s6 =	simm.s32 $_tile_overlayer_lowered  }
0x9b: {  	s22 =	simm.s32 $0x1BFF;
	s21 =	sshll.u32 s6, $0x1;
	s3 =	sadd.s32 s4, s19  }
0x9c: {  	s7 =	simm.s32 $0x0;
	s20 =	sshll.u32 s5, $0x1;
	s5 =	sadd.s32 s21, s3  }
0x9d: {  	[timem:s7], [sflag:s22] =	dma.local [hbm:s5], s20  }
0x9e: {  	_ =	swait.ge [sflag:s22], s20  }
0x9f: {  	s4 =	ssub.s32 $0x0, s20;
	[sflag:s22] =	ssyncset.done $0x0  }
0xa0: {  	[sflag:s22] =	ssyncadd.s32 s4;
	_ =	sdelay $0x1  }
0xa1: {  	s23 =	simm.s32 $0x1B8B  }
0xa2: {  	_ =	swait.ge [sflag:s23], $0x1  }
0xa3: {  	[sflag:s23] =	ssyncset.done $0x0  }
0xa4: {  	s25 =	simm.s32 $0x1B8E;
	s24 =	sld [smem:$0x3FFE];
	[sflag:s23] =	ssyncadd.s32 $0xFFFFFFFF  }
0xa5: {  	s26 =	simm.s32 $execute0_lowered;
	[smem:$0x3FD2] =	sst s25  }
0xa6: {  	s5 =	sshll.u32 s26, $0x1;
	_ =	strace $0x80000046;
	[dreg:$0x1] =	wrdreg $0xFFFFFFFF  }
0xa7: {  	s28 =	simm.s32 $_size_execute0_lowered;
	s3 =	sadd.s32 s3, s5;
	[dreg:$0x0] =	wrdreg $0x0  }
0xa8: {  	s5 =	sshll.u32 s28, $0x1;
	[dreg:$0x2] =	wrdreg s3  }
0xa9: {  	[dreg:$0x3] =	wrdreg s5  }
0xaa: {  	[dreg:$0x4] =	wrdreg $0xC0  }
0xab: {  	_ =	task [dreg:s7], $0x5FFFF  }
0xac: {  	[dreg:$0x1] =	wrdreg $0xFFFFFFFF  }
0xad: {  	[dreg:$0x0] =	wrdreg $0x60  }
0xae: {  	[dreg:$0x2] =	wrdreg s2  }
0xaf: {  	[dreg:$0x3] =	wrdreg s24  }
0xb0: {  	[dreg:$0x4] =	wrdreg $0x4C000  }
0xb1: {  	[dreg:$0x5] =	wrdreg $0x9  }
0xb2: {  	_ =	task.clear_ibuf [dreg:s7], $0x6FFFF;
	_ =	strace $0x90000046  }
0xb3: {  	s29 =	simm.s32 $0x9;
	_ =	strace $0x80000048  }
0xb4: {  	_ =	swait.ge [sflag:s29], $0x1  }
0xb5: {  	[sflag:s29] =	ssyncadd.s32 $0xFFFFFFFF  }
0xb6: {  	_ =	strace $0x90000048  }
0xb7: {  	_ =	sfence  }
0xb8: {  	s30 =	sld [smem:$0x0];
	_ =	sdelay $0x2  }
0xb9: {  	s31 =	sshll.u32 s1, $0xD;
	s1 =	sshrl.u32 s1, $0x2  }
0xba: {  	s3 =	sand.u32 $0x4000, s31;
	s1 =	sadd.s32 s1, s30  }
0xbb: {  	s0 =	sor.u32 s3, s0;
	s1 =	sshll.u32 s1, $0x11  }
0xbc: {  	s0 =	sor.u32 s1, s0  }
0xbd: {  	s0 =	sadd.s32 $0x8F2B, s0  }
0xbe: {  	[sflag:s0] =	ssyncadd.remote.s32 $0x1  }
0xbf: {  	_ =	sfence.sel $0xFFFF  }
0xc0: {  	[dreg:$0x0] =	wrdreg $0xFFFFFFFF;
	(pc) =	sbr.abs _section_cstart, $3  }
0xc1: {  	[dreg:$0x1] =	wrdreg $0xFFFFFFFF  }
0xc2: {  	_ =	task.clear_ibuf [dreg:s7], $0x2FFFF;
	_ =	strace $0x9FFFFFFF  }
0xc3: {  	(tm) =	ssettm $0x7FFFFFFF  }
tec
execute0_lowered:
.L_overlay_start_1:
0x0: {  	(tag) =	ssettag $0x1  }
0x1: {  	s10 =	rddreg [dreg:$0x0]  }
0x2: {  	s5 =	rddreg [dreg:$0x1]  }
0x3: {  	s1 =	rddreg [dreg:$0x2]  }
0x4: {  	s0 =	rddreg [dreg:$0x3];
	s2 =	simm.s32 $0x0  }
0x5: {  	s3 =	srdreg.scid;
	s11 =	stileid.u32;
	s18 =	simm.s32 $0x2  }
0x6: {  	s19 =	simm.s32 $0x0;
	[smem:$0x7FF] =	sst s2;
	s7 =	smul.u32 $0x4E000, s11  }
0x7: {  	s6 =	sand.u32 $0x1, s3;
	s3 =	sadd.s32 $0x15E00, s5;
	s9 =	smul.u32 $0x13800, s11  }
0x8: {  	s4 =	sadd.s32 $0x16600, s5;
	s14 =	sadd.s32 $0x3E000, s5;
	s23 =	smul.u32 $0x5000, s11  }
0x9: {  	s17 =	sadd.s32 $0x138000, s1;
	p0 =	sne.s32 s11, $0x0;
	s31 =	sshll.u32 s11, $0x6  }
0xa: {  	s11 =	simm.s32 $0xC00;
	s8 =	ssub.s32 $0x2, s6;
	s13 =	smul.u32 $0x50000, s6  }
0xb: {  	_ =	strace $0x80000047;
	s15 =	smul.u32 $0x138800, s6;
	s12 =	sshrl.u32 s8, $0x1  }
0xc: {  	s24 =	sshrl.u32 s7, $0x2;
	s25 =	sshrl.u32 s9, $0x3;
	s12 =	ssub.s32 s8, s12  }
0xd: {  	s16 =	sadd.s32 s24, s1;
	s5 =	sadd.s32 s4, s25;
	s8 =	sadd.s32 s23, s13  }
0xe: {  	s28 =	sadd.s32 s9, s15;
	s29 =	sshrl.u32 s15, $0x3;
	s15 =	sshrl.u32 @!p0 s17, $0x3  }
0xf: {  	s17 =	simm.s32 $0x80;
	s26 =	sshrl.u32 s8, $0x3;
	s7 =	sshrl.u32 s28, $0x3  }
0x10: {  	s9 =	sadd.s32 s14, s29;
	s13 =	sor.u32 $0x400, s8;
	s6 =	sadd.s32 s10, s26  }
0x11: {  	s7 =	sadd.s32 s14, s7;
	s8 =	sadd.s32 $0x27000, s9;
	s9 =	smax.u32 s12, $0x1  }
0x12: {  	s30 =	sshrl.u32 s13, $0x3;
	s12 =	simm.s32 $0x3;
	s13 =	sor.u32 $0x1C03, s31  }
0x13: {  	s14 =	sshrl.u32 s16, $0x3;
	s16 =	simm.s32 $0x1;
	s10 =	sadd.s32 s30, s10  }
.LBB2_1:
0x14: {  	[tilespmem:s11], [sflag:$0x3] =	stream.linear.gather [hbm4b:s3+s2], $0x4000, $0x38;
	[tilespmem:$0x18880] =	vst v63  }
0x15: {  	_ =	swait.ge [sflag:s12], $0x4000  }
0x16: {  	[sflag:s12] =	ssyncset.done $0x0  }
0x17: {  	[sflag:s12] =	ssyncadd.s32 $0xFFFFC000  }
0x18: {  	[spmem:s14], [sflag:s13] =	dma.local [hbm:s5], $0x2700  }
0x19: {  	_ =	swait.ge [sflag:s12], $0x2700  }
0x1a: {  	[sflag:s12] =	ssyncset.done $0x0  }
0x1b: {  	s20 =	simm.s32 @!p0 $0x3;
	[sflag:s12] =	ssyncadd.s32 $0xFFFFD900  }
0x1c: {  	[spmem:s15], [sflag:s13] =	dma.local @!p0 [hbm:s4], $0x900  }
0x1d: {  	_ =	swait.ge @!p0 [sflag:s20], $0x900  }
0x1e: {  	[sflag:s20] =	ssyncset.done @!p0 $0x0  }
0x1f: {  	[sflag:s20] =	ssyncadd.s32 @!p0 $0xFFFFF700  }
0x20: {  	s22 =	simm.s32 $0x0;
	s20 =	smov.u32 s10;
	[bflag:$0x0] =	sbarrier.arrive $0xFFFF  }
0x21: {  	[tilespmem:s2], [sflag:$0x1] =	stream.linear.gather [hbm4b:s6+s2], $0x400, $0x38;
	[tilespmem:$0x18880] =	vst v63  }
.LBB2_2:
0x22: {  	s21 =	sadd.s32 $0x1, s22;
	p1 =	seq.s32 s22, $0x13  }
0x23: {  	s23 =	smul.u32 @!p1 $0xAB, s21;
	_ =	sdelay $0x1  }
0x24: {  	s23 =	sshrl.u32 @!p1 s23, $0x9  }
0x25: {  	s23 =	sand.u32 @!p1 $0x7F, s23  }
0x26: {  	s23 =	smul.u32 @!p1 $0x3, s23;
	_ =	sdelay $0x1  }
0x27: {  	s23 =	ssub.s32 @!p1 s21, s23  }
0x28: {  	s23 =	sand.u32 @!p1 $0xFF, s23  }
0x29: {  	s24 =	simm.s32 @!p1 $0x0;
	p2 =	seq.s32 @!p1 s22, $0x0;
	s23 =	sshll.u32 @!p1 s23, $0xA  }
0x2a: {  	[tilespmem:s23], [sflag:$0x1] =	stream.linear.gather @!p1 [hbm4b:s20+s24], $0x400, $0x38;
	[tilespmem:$0x18880] =	vst v63  }
0x2b: {  	p1 =	por p1, !p2  }
0x2c: {  	_ =	swait.ge @p1 [sflag:s18], $0x4000  }
0x2d: {  	[sflag:s18] =	ssyncset.done @p1 $0x0  }
0x2e: {  	[sflag:s18] =	ssyncadd.s32 @p1 $0xFFFFC000  }
0x2f: {  	_ =	swait.ge @p1 [sflag:s18], $0x4000  }
0x30: {  	[sflag:s18] =	ssyncset.done @p1 $0x0  }
0x31: {  	[sflag:s18] =	ssyncadd.s32 @p1 $0xFFFFC000  }
0x32: {  	_ =	swait.ge @p1 [sflag:s18], $0x4000  }
0x33: {  	[sflag:s18] =	ssyncset.done @p1 $0x0  }
0x34: {  	[sflag:s18] =	ssyncadd.s32 @p1 $0xFFFFC000  }
0x35: {  	_ =	swait.ge @p1 [sflag:s18], $0x4000  }
0x36: {  	[sflag:s18] =	ssyncset.done @p1 $0x0  }
0x37: {  	[sflag:s18] =	ssyncadd.s32 @p1 $0xFFFFC000  }
0x38: {  	_ =	swait.ge @p1 [sflag:s18], $0x4000  }
0x39: {  	[sflag:s18] =	ssyncset.done @p1 $0x0  }
0x3a: {  	[sflag:s18] =	ssyncadd.s32 @p1 $0xFFFFC000  }
0x3b: {  	_ =	swait.ge @p1 [sflag:s18], $0x4000  }
0x3c: {  	[sflag:s18] =	ssyncset.done @p1 $0x0  }
0x3d: {  	[sflag:s18] =	ssyncadd.s32 @p1 $0xFFFFC000  }
0x3e: {  	s31 =	smul.u32 $0xAB, s22;
	_ =	swait.ge @p1 [sflag:s18], $0x4000  }
0x3f: {  	[sflag:s18] =	ssyncset.done @p1 $0x0  }
0x40: {  	s23 =	sshrl.u32 s31, $0x9;
	[sflag:s18] =	ssyncadd.s32 @p1 $0xFFFFC000  }
0x41: {  	s23 =	sand.u32 $0x7F, s23;
	_ =	swait.ge @p1 [sflag:s18], $0x4000  }
0x42: {  	s23 =	smul.u32 $0x3, s23;
	[sflag:s18] =	ssyncset.done @p1 $0x0  }
0x43: {  	[sflag:s18] =	ssyncadd.s32 @p1 $0xFFFFC000  }
0x44: {  	s24 =	ssub.s32 s22, s23;
	_ =	swait.ge [sflag:s16], $0x400  }
0x45: {  	s22 =	sand.u32 $0xFF, s24;
	[sflag:s16] =	ssyncset.done $0x0  }
0x46: {  	s22 =	sshll.u32 s22, $0xA;
	[sflag:s16] =	ssyncadd.s32 $0xFFFFFC00  }
0x47: {  	[spmem:s1] =	stream.indirect.scatter.add.f32 [tilespmem:s11], [sflag:$0x2], $0x80, s22, s17, $0xb8;
	[tilespmem:$0x18880] =	vst v63  }
0x48: {  	s25 =	sor.u32 $0x80, s22  }
0x49: {  	[spmem:s1] =	stream.indirect.scatter.add.f32 [tilespmem:s11], [sflag:$0x2], $0x80, s25, s17, $0xb8;
	[tilespmem:$0x18880] =	vst v63  }
0x4a: {  	s26 =	sor.u32 $0x100, s22  }
0x4b: {  	[spmem:s1] =	stream.indirect.scatter.add.f32 [tilespmem:s11], [sflag:$0x2], $0x80, s26, s17, $0xb8;
	[tilespmem:$0x18880] =	vst v63  }
0x4c: {  	s28 =	sor.u32 $0x180, s22  }
0x4d: {  	[spmem:s1] =	stream.indirect.scatter.add.f32 [tilespmem:s11], [sflag:$0x2], $0x80, s28, s17, $0xb8;
	[tilespmem:$0x18880] =	vst v63  }
0x4e: {  	s29 =	sor.u32 $0x200, s22  }
0x4f: {  	[spmem:s1] =	stream.indirect.scatter.add.f32 [tilespmem:s11], [sflag:$0x2], $0x80, s29, s17, $0xb8;
	[tilespmem:$0x18880] =	vst v63  }
0x50: {  	s30 =	sor.u32 $0x280, s22;
	p1 =	sne.s32 s21, $0x14  }
0x51: {  	[spmem:s1] =	stream.indirect.scatter.add.f32 [tilespmem:s11], [sflag:$0x2], $0x80, s30, s17, $0xb8;
	[tilespmem:$0x18880] =	vst v63  }
.Ltmp0:
0x52: {  	s31 =	sor.u32 $0x300, s22;
	(pc) =	sbr.rel @p1 .LBB2_2-.Ltmp0, $4  }
0x53: {  	[spmem:s1] =	stream.indirect.scatter.add.f32 [tilespmem:s11], [sflag:$0x2], $0x80, s31, s17, $0xb8;
	[tilespmem:$0x18880] =	vst v63  }
0x54: {  	s22 =	sor.u32 $0x380, s22  }
0x55: {  	[spmem:s1] =	stream.indirect.scatter.add.f32 [tilespmem:s11], [sflag:$0x2], $0x80, s22, s17, $0xb8;
	[tilespmem:$0x18880] =	vst v63  }
0x56: {  	s20 =	sadd.s32 $0x80, s20;
	s22 =	smov.u32 s21  }
0x57: {  	_ =	swait.ge [sflag:s18], $0x4000  }
0x58: {  	[sflag:s18] =	ssyncset.done $0x0  }
0x59: {  	[sflag:s18] =	ssyncadd.s32 $0xFFFFC000  }
0x5a: {  	_ =	swait.ge [sflag:s18], $0x4000  }
0x5b: {  	[sflag:s18] =	ssyncset.done $0x0  }
0x5c: {  	[sflag:s18] =	ssyncadd.s32 $0xFFFFC000  }
0x5d: {  	_ =	swait.ge [sflag:s18], $0x4000  }
0x5e: {  	[sflag:s18] =	ssyncset.done $0x0  }
0x5f: {  	[sflag:s18] =	ssyncadd.s32 $0xFFFFC000  }
0x60: {  	_ =	swait.ge [sflag:s18], $0x4000  }
0x61: {  	[sflag:s18] =	ssyncset.done $0x0  }
0x62: {  	[sflag:s18] =	ssyncadd.s32 $0xFFFFC000  }
0x63: {  	_ =	swait.ge [sflag:s18], $0x4000  }
0x64: {  	[sflag:s18] =	ssyncset.done $0x0  }
0x65: {  	[sflag:s18] =	ssyncadd.s32 $0xFFFFC000  }
0x66: {  	_ =	swait.ge [sflag:s18], $0x4000  }
0x67: {  	[sflag:s18] =	ssyncset.done $0x0  }
0x68: {  	[sflag:s18] =	ssyncadd.s32 $0xFFFFC000  }
0x69: {  	_ =	swait.ge [sflag:s18], $0x4000  }
0x6a: {  	[sflag:s18] =	ssyncset.done $0x0  }
0x6b: {  	[sflag:s18] =	ssyncadd.s32 $0xFFFFC000  }
0x6c: {  	_ =	swait.ge [sflag:s18], $0x4000  }
0x6d: {  	[sflag:s18] =	ssyncset.done $0x0  }
0x6e: {  	[sflag:s18] =	ssyncadd.s32 $0xFFFFC000  }
0x6f: {  	[bflag:$0x0] =	sbarrier.arrive $0xFFFF  }
0x70: {  	[hbm:s7], [sflag:s13] =	dma.local [spmem:s14], $0x2700  }
0x71: {  	s19 =	sadd.s32 $0x1, s19;
	_ =	swait.ge [sflag:s12], $0x2700  }
0x72: {  	p1 =	sne.s32 s19, s9;
	[sflag:s12] =	ssyncset.done $0x0  }
.Ltmp1:
0x73: {  	s20 =	simm.s32 @!p0 $0x3;
	[sflag:s12] =	ssyncadd.s32 $0xFFFFD900;
	(pc) =	sbr.rel @p1 .LBB2_1-.Ltmp1, $4  }
0x74: {  	[hbm:s8], [sflag:s13] =	dma.local @!p0 [spmem:s15], $0x100  }
0x75: {  	_ =	swait.ge @!p0 [sflag:s20], $0x100  }
0x76: {  	[sflag:s20] =	ssyncset.done @!p0 $0x0  }
0x77: {  	[sflag:s20] =	ssyncadd.s32 @!p0 $0xFFFFFF00  }
0x78: {  	_ =	sfence.sel $0x180000  }
0x79: {  	[bflag:$0x0] =	sbarrier.arrive $0xFFFF  }
0x7a: {  	_ =	strace $0x90000047  }
0x7b: {  	s0 =	sadd.s32 @!p0 $0x100000, s0;
	[bflag:$0x2] =	sbarrier.arrive $0xFFFF  }
0x7c: {  	[sflag:s0] =	ssyncadd.tile.s32 @!p0 $0x1;
	_ =	shalt  }
.Lfunc_end2:
_tile_overlayer_lowered:
.L_overlay_start_2:
0x7d: {  	(tag) =	ssettag $0x2  }
0x7e: {  	s0 =	rddreg [dreg:$0x0];
	s2 =	stileid.u32  }
0x7f: {  	s1 =	rddreg [dreg:$0x1];
	p0 =	sne.s32 s2, $0x0  }
0x80: {  	s3 =	rddreg [dreg:$0x2];
	[bflag:$0x3] =	sbarrier.arrive $0xFFFF;
	s2 =	simm.s32 @!p0 $0x1C03  }
0x81: {  	[timem:s3], [sflag:s2] =	dma.local @!p0 [hbm:s0], s1  }
0x82: {  	s0 =	simm.s32 @!p0 $0x3  }
0x83: {  	_ =	swait.ge @!p0 [sflag:s0], s1  }
0x84: {  	s1 =	ssub.s32 @!p0 $0x0, s1;
	[sflag:s0] =	ssyncset.done @!p0 $0x0  }
0x85: {  	[sflag:s0] =	ssyncadd.s32 @!p0 s1  }
0x86: {  	[bflag:$0x3] =	sbarrier.arrive $0xFFFF  }
0x87: {  	_ =	shalt  }

</sc_bundles>
